<compile_context>
chip_gen: v7x
topology: tpu7x:2x2x1
jax: 0.10.2.dev20260603
libtpu: 0.0.44.dev20260713+nightly
codegen_flags: <defaults>
</compile_context>

<pallas_src>
import functools

import jax
import jax.numpy as jnp
from jax import lax
from jax.experimental import pallas as pl
from jax.experimental.pallas import tpu as pltpu
from jax.experimental.pallas import tpu_sc as plsc

N = 100000
E = N - 1
D = 128
DW = D // 2

_NC = 2
_NS = 16
_CHUNK = 128
_CPG = 50
_RING = 3
_RPG = _CPG * _CHUNK
NPAD = _NS * _RPG
_A = 42
_BLK = 2048
_NBLK = 49
NPAD3 = _NBLK * _BLK


def _elu(h):
    return jnp.where(h > 0.0, h, jnp.exp(h) - 1.0)


def _ln(h, g, b):
    mu = jnp.mean(h, axis=-1, keepdims=True)
    d = h - mu
    var = jnp.mean(d * d, axis=-1, keepdims=True)
    return d * lax.rsqrt(var + 1e-5) * g + b


def _mlp_body(x_ref, w1_ref, b1_ref, g1_ref, be1_ref, w2_ref, b2_ref, g2_ref,
              be2_ref, o_ref):
    x = x_ref[...].astype(jnp.bfloat16)
    h = jnp.dot(x, w1_ref[...], preferred_element_type=jnp.float32) + b1_ref[...]
    h = _elu(_ln(h, g1_ref[...], be1_ref[...])).astype(jnp.bfloat16)
    h = jnp.dot(h, w2_ref[...], preferred_element_type=jnp.float32) + b2_ref[...]
    o_ref[...] = _elu(_ln(h, g2_ref[...], be2_ref[...]))


def _mlp(xpad, W1, b1, g1, be1, W2, b2, g2, be2):
    full = pl.BlockSpec((1, D), lambda i: (0, 0))
    mat = pl.BlockSpec((D, D), lambda i: (0, 0))
    return pl.pallas_call(
        _mlp_body,
        grid=(_NBLK,),
        in_specs=[pl.BlockSpec((_BLK, D), lambda i: (i, 0)),
                  mat, full, full, full, mat, full, full, full],
        out_specs=pl.BlockSpec((_BLK, D), lambda i: (i, 0)),
        out_shape=jax.ShapeDtypeStruct((NPAD, D), jnp.float32),
    )(xpad, W1, b1, g1, be1, W2, b2, g2, be2)


def _gather_body(table_hbm, idx_hbm, out_hbm, idx_v, *scratch):
    cidx = lax.axis_index("c")
    sidx = lax.axis_index("s")
    rowbase = sidx * _RPG
    pltpu.sync_copy(idx_hbm.at[sidx], idx_v)

    bufs = scratch[:_RING]
    sems = scratch[_RING:]

    def pipeline(c_lo, n):
        def start(t):
            b = t % _RING
            return pltpu.async_copy(
                table_hbm.at[idx_v.at[c_lo + t]], bufs[b], sems[b])

        def drain(t, handle):
            handle.wait()
            pltpu.sync_copy(
                bufs[t % _RING],
                out_hbm.at[pl.ds(rowbase + (c_lo + t) * _CHUNK, _CHUNK)])

        depth = min(_RING - 1, n - 1)
        handles = [start(t) for t in range(depth)] + [None] * (_RING - depth)
        for t in range(n):
            if t + depth < n:
                handles[(t + depth) % _RING] = start(t + depth)
            drain(t, handles[t % _RING])

    @pl.when(cidx == 0)
    def _():
        pipeline(0, _A)

    @pl.when(cidx == 1)
    def _():
        pipeline(_A, _CPG - _A)


def _gather(ei, idx1d):
    mesh = plsc.VectorSubcoreMesh(core_axis_name="c", subcore_axis_name="s")
    k = functools.partial(
        pl.kernel,
        mesh=mesh,
        out_type=jax.ShapeDtypeStruct((NPAD, D), jnp.float32),
        scratch_types=(
            [pltpu.VMEM((_CPG, _CHUNK), jnp.int32)]
            + [pltpu.VMEM((_CHUNK, D), jnp.float32) for _ in range(_RING)]
            + [pltpu.SemaphoreType.DMA for _ in range(_RING)]
        ),
    )(_gather_body)
    return k(ei, idx1d.reshape(_NS, _CPG, _CHUNK))


def _readout_body(a_ref, b_ref, rw1_ref, rb1_ref, rg1_ref, rbe1_ref, rw2_ref,
                  rb2_ref, o_ref):
    e = jnp.maximum(a_ref[...], b_ref[...]).astype(jnp.bfloat16)
    t = jnp.dot(e, rw1_ref[...], preferred_element_type=jnp.float32) + rb1_ref[...]
    r = _elu(_ln(t, rg1_ref[...], rbe1_ref[...])).astype(jnp.bfloat16)
    r3 = r.reshape(_BLK // D, D, D)
    o_ref[...] = (lax.dot_general(r3, rw2_ref[...],
                                  (((2,), (0,)), ((), ())),
                                  preferred_element_type=jnp.float32
                                  ).reshape(_BLK // D, D) + rb2_ref[...])


def _readout(ei, gathered, rW1, rb1, rg1, rbe1, rW2, rb2):
    full = pl.BlockSpec((1, D), lambda i: (0, 0))
    return pl.pallas_call(
        _readout_body,
        grid=(_NBLK,),
        in_specs=[pl.BlockSpec((_BLK, D), lambda i: (i, 0)),
                  pl.BlockSpec((_BLK, D), lambda i: (i, 0)),
                  pl.BlockSpec((D, D), lambda i: (0, 0)),
                  full, full, full,
                  pl.BlockSpec((D, 1), lambda i: (0, 0)),
                  pl.BlockSpec((1, 1), lambda i: (0, 0))],
        out_specs=pl.BlockSpec((_BLK // D, D), lambda i: (i, 0)),
        out_shape=jax.ShapeDtypeStruct((NPAD3 // D, D), jnp.float32),
    )(ei, gathered, rW1, rb1, rg1, rbe1, rW2, rb2)


def _lse_body(v_ref, o_ref):
    v = v_ref[...]
    rows, cols = v.shape
    idx = (lax.broadcasted_iota(jnp.int32, (rows, cols), 0) * cols
           + lax.broadcasted_iota(jnp.int32, (rows, cols), 1))
    valid = idx < E
    vm = jnp.where(valid, v, -1e30)
    m = jnp.max(vm)
    s = jnp.sum(jnp.where(valid, jnp.exp(vm - m), 0.0))
    o_ref[...] = v - (m + jnp.log(s))


def _logsoftmax(v):
    r = pl.pallas_call(
        _lse_body,
        out_shape=jax.ShapeDtypeStruct((NPAD3 // D, D), jnp.float32),
    )(v)
    return r.reshape(-1)[:E]


def kernel(x, parent_index, W1, b1, g1, be1, W2, b2, g2, be2,
           rW1, rb1, rg1, rbe1, rW2, rb2):
    f32 = jnp.float32
    bf16 = jnp.bfloat16
    idx = jnp.concatenate(
        [parent_index.astype(jnp.int32),
         jnp.zeros((NPAD - E,), jnp.int32)], axis=0)

    r1 = lambda v: v.reshape(1, D).astype(f32)
    ei = _mlp(x.astype(f32), W1.astype(bf16), r1(b1), r1(g1), r1(be1),
              W2.astype(bf16), r1(b2), r1(g2), r1(be2))
    gathered = _gather(ei, idx)
    outp = _readout(ei, gathered, rW1.astype(bf16), r1(rb1), r1(rg1),
                    r1(rbe1), rW2.astype(bf16),
                    rb2.reshape(1, 1).astype(f32))
    return _logsoftmax(outp)

# --- scband reference (transcript-rebuilt; emitter-appended) ---
"""Pipeline reference for scband-edge-pooling-70935679861210 (READ-ONLY COPY).

The authoritative reference and input builder live on the scoring server;
editing this copy changes nothing except your own understanding.
"""

import jax, jax.numpy as jnp
import numpy as np

N = 100000
D_IN = 128
D_OUT = 128

def _ln(h, g, b):
    m = jnp.mean(h, axis=-1, keepdims=True)
    v = jnp.var(h, axis=-1, keepdims=True)
    return (h - m) / jnp.sqrt(v + 1e-5) * g + b

def setup_inputs(seed: int = 0):
    key = jax.random.key(seed)
    ks = jax.random.split(key, 8)
    x = jax.random.normal(ks[0], (N, D_IN), dtype=jnp.float32)
    parent_index = jax.random.randint(ks[1], (N - 1,), 0, N, dtype=jnp.int64 if jax.config.jax_enable_x64 else jnp.int32)
    s1 = 1.0 / np.sqrt(D_IN)
    s2 = 1.0 / np.sqrt(D_OUT)
    W1 = jax.random.uniform(ks[2], (D_IN, D_OUT), minval=-s1, maxval=s1, dtype=jnp.float32)
    b1 = jnp.zeros((D_OUT,), jnp.float32)
    g1 = jnp.ones((D_OUT,), jnp.float32)
    be1 = jnp.zeros((D_OUT,), jnp.float32)
    W2 = jax.random.uniform(ks[3], (D_OUT, D_OUT), minval=-s2, maxval=s2, dtype=jnp.float32)
    b2 = jnp.zeros((D_OUT,), jnp.float32)
    g2 = jnp.ones((D_OUT,), jnp.float32)
    be2 = jnp.zeros((D_OUT,), jnp.float32)
    rW1 = jax.random.uniform(ks[4], (D_OUT, D_OUT), minval=-s2, maxval=s2, dtype=jnp.float32)
    rb1 = jnp.zeros((D_OUT,), jnp.float32)
    rg1 = jnp.ones((D_OUT,), jnp.float32)
    rbe1 = jnp.zeros((D_OUT,), jnp.float32)
    rW2 = jax.random.uniform(ks[5], (D_OUT, 1), minval=-s2, maxval=s2, dtype=jnp.float32)
    rb2 = jnp.zeros((1,), jnp.float32)
    return {"x": x, "parent_index": parent_index, "W1": W1, "b1": b1, "g1": g1, "be1": be1, "W2": W2, "b2": b2, "g2": g2, "be2": be2, "rW1": rW1, "rb1": rb1, "rg1": rg1, "rbe1": rbe1, "rW2": rW2, "rb2": rb2}

def reference(x, parent_index, W1, b1, g1, be1, W2, b2, g2, be2, rW1, rb1, rg1, rbe1, rW2, rb2):
    # net: Linear -> LayerNorm -> ELU -> Linear -> LayerNorm -> ELU (temb = 0.0)
    h = jax.nn.elu(_ln(x @ W1 + b1, g1, be1))
    edge_info = jax.nn.elu(_ln(h @ W2 + b2, g2, be2))
    # aggr == 'max' over child/parent rows
    e = jnp.maximum(edge_info[:-1], edge_info[parent_index])
    # readout: Linear -> LayerNorm -> ELU -> Linear(out, 1)
    r = jax.nn.elu(_ln(e @ rW1 + rb1, rg1, rbe1))
    out = jnp.squeeze(r @ rW2 + rb2)
    return out - jax.scipy.special.logsumexp(out, axis=0)

if __name__ == "__main__":
    import jax
    _d = setup_inputs()
    print(jax.jit(kernel)(*tuple(_d.values())))

</pallas_src>

<mosaic_0001>
#map = affine_map<(d0, d1) -> (0, 0)>
#map1 = affine_map<(d0, d1) -> (0, 0, 0)>
module attributes {stable_mosaic.version = 14 : i64} {
  func.func @_gather_body(%arg0: i32, %arg1: i32, %arg2: memref<102400x128xf32, #tpu.memory_space<hbm>>, %arg3: memref<16x50x128xi32, #tpu.memory_space<hbm>>, %arg4: memref<102400x128xf32, #tpu.memory_space<hbm>>, %arg5: memref<50x128xi32, #tpu.memory_space<vmem>>, %arg6: memref<128x128xf32, #tpu.memory_space<vmem>>, %arg7: memref<128x128xf32, #tpu.memory_space<vmem>>, %arg8: memref<128x128xf32, #tpu.memory_space<vmem>>, %arg9: memref<!tpu.dma_semaphore, #tpu.memory_space<semaphore_mem>>, %arg10: memref<!tpu.dma_semaphore, #tpu.memory_space<semaphore_mem>>, %arg11: memref<!tpu.dma_semaphore, #tpu.memory_space<semaphore_mem>>) attributes {dimension_semantics = [#tpu.dimension_semantics<core_parallel>, #tpu.dimension_semantics<subcore_parallel>], iteration_bounds = array<i64: 2, 16>, scalar_prefetch = 0 : i64, scratch_operands = 7 : i64, tpu.core_type = #tpu.core_type<sc_vector_subcore>, window_params = [{transform_indices = #map}, {transform_indices = #map1}, {transform_indices = #map}]} {
    %mul3A = arith.constant 6400 : i32
    %mul3A_0 = arith.muli %arg1, %mul3A : i32
    "tpu.region"() ({
      %run_scoped3A = tpu.sem_alloc : memref<!tpu.dma_semaphore, #tpu.memory_space<semaphore_mem>>
      %dma_start3A = arith.constant 0 : i32
      %dma_start3A_8 = arith.constant 0 : i32
      %dma_start3A_9 = tpu.memref_slice %arg3[%arg1, %dma_start3A, %dma_start3A_8] : memref<16x50x128xi32, #tpu.memory_space<hbm>> -> memref<1x50x128xi32, #tpu.memory_space<hbm>>
      %dma_start3A_10 = tpu.memref_squeeze %dma_start3A_9 : memref<1x50x128xi32, #tpu.memory_space<hbm>> -> memref<50x128xi32, #tpu.memory_space<hbm>>
      %dma_start3A_11 = arith.constant 0 : i32
      %dma_start3A_12 = arith.constant 0 : i32
      %dma_start3A_13 = tpu.memref_slice %arg3[%arg1, %dma_start3A_11, %dma_start3A_12] : memref<16x50x128xi32, #tpu.memory_space<hbm>> -> memref<1x50x128xi32, #tpu.memory_space<hbm>>
      %dma_start3A_14 = tpu.memref_squeeze %dma_start3A_13 : memref<1x50x128xi32, #tpu.memory_space<hbm>> -> memref<50x128xi32, #tpu.memory_space<hbm>>
      tpu.enqueue_dma source(%dma_start3A_14 : memref<50x128xi32, #tpu.memory_space<hbm>>) target(%arg5 : memref<50x128xi32, #tpu.memory_space<vmem>>) target_semaphore(%run_scoped3A : memref<!tpu.dma_semaphore, #tpu.memory_space<semaphore_mem>>)
      %dma_wait3A = arith.constant 0 : i32
      %dma_wait3A_15 = arith.constant 0 : i32
      %dma_wait3A_16 = tpu.memref_slice %arg3[%arg1, %dma_wait3A, %dma_wait3A_15] : memref<16x50x128xi32, #tpu.memory_space<hbm>> -> memref<1x50x128xi32, #tpu.memory_space<hbm>>
      %dma_wait3A_17 = tpu.memref_squeeze %dma_wait3A_16 : memref<1x50x128xi32, #tpu.memory_space<hbm>> -> memref<50x128xi32, #tpu.memory_space<hbm>>
      %dma_wait3A_18 = arith.constant 0 : i32
      %dma_wait3A_19 = arith.constant 0 : i32
      %dma_wait3A_20 = tpu.memref_slice %arg3[%arg1, %dma_wait3A_18, %dma_wait3A_19] : memref<16x50x128xi32, #tpu.memory_space<hbm>> -> memref<1x50x128xi32, #tpu.memory_space<hbm>>
      %dma_wait3A_21 = tpu.memref_squeeze %dma_wait3A_20 : memref<1x50x128xi32, #tpu.memory_space<hbm>> -> memref<50x128xi32, #tpu.memory_space<hbm>>
      tpu.wait_dma2 semaphore(%run_scoped3A : memref<!tpu.dma_semaphore, #tpu.memory_space<semaphore_mem>>) src(%dma_wait3A_21 : memref<50x128xi32, #tpu.memory_space<hbm>>) dst(%arg5 : memref<50x128xi32, #tpu.memory_space<vmem>>)
      tpu.yield
    }) : () -> ()
    %eq3A = arith.constant 0 : i32
    %eq3A_1 = arith.cmpi eq, %arg0, %eq3A : i32
    %convert_element_type3A = arith.extui %eq3A_1 : i1 to i32
    %cond3A = arith.constant 0 : i32
    %cond3A_2 = arith.cmpi ne, %convert_element_type3A, %cond3A : i32
    scf.if %cond3A_2 {
      %dma_start3A = arith.constant 0 : i32
      %dma_start3A_8 = arith.constant 0 : i32
      %dma_start3A_9 = tpu.memref_slice %arg5[%dma_start3A, %dma_start3A_8] : memref<50x128xi32, #tpu.memory_space<vmem>> -> memref<1x128xi32, #tpu.memory_space<vmem>>
      %dma_start3A_10 = tpu.memref_squeeze %dma_start3A_9 : memref<1x128xi32, #tpu.memory_space<vmem>> -> memref<128xi32, #tpu.memory_space<vmem>>
      %dma_start3A_11 = arith.constant 0 : i32
      %dma_start3A_12 = arith.constant 0 : i32
      %dma_start3A_13 = tpu.memref_slice %arg2[%dma_start3A_11, %dma_start3A_12] : memref<102400x128xf32, #tpu.memory_space<hbm>> -> memref<102400x128xf32, #tpu.memory_space<hbm>>
      tpu.enqueue_indirect_dma source(%dma_start3A_13 : memref<102400x128xf32, #tpu.memory_space<hbm>>) target(%arg6 : memref<128x128xf32, #tpu.memory_space<vmem>>) offsets(%dma_start3A_10 : memref<128xi32, #tpu.memory_space<vmem>>) semaphore(%arg9 : memref<!tpu.dma_semaphore, #tpu.memory_space<semaphore_mem>>)
      %dma_start3A_14 = arith.constant 1 : i32
      %dma_start3A_15 = arith.constant 0 : i32
      %dma_start3A_16 = tpu.memref_slice %arg5[%dma_start3A_14, %dma_start3A_15] : memref<50x128xi32, #tpu.memory_space<vmem>> -> memref<1x128xi32, #tpu.memory_space<vmem>>
      %dma_start3A_17 = tpu.memref_squeeze %dma_start3A_16 : memref<1x128xi32, #tpu.memory_space<vmem>> -> memref<128xi32, #tpu.memory_space<vmem>>
      %dma_start3A_18 = arith.constant 0 : i32
      %dma_start3A_19 = arith.constant 0 : i32
      %dma_start3A_20 = tpu.memref_slice %arg2[%dma_start3A_18, %dma_start3A_19] : memref<102400x128xf32, #tpu.memory_space<hbm>> -> memref<102400x128xf32, #tpu.memory_space<hbm>>
      tpu.enqueue_indirect_dma source(%dma_start3A_20 : memref<102400x128xf32, #tpu.memory_space<hbm>>) target(%arg7 : memref<128x128xf32, #tpu.memory_space<vmem>>) offsets(%dma_start3A_17 : memref<128xi32, #tpu.memory_space<vmem>>) semaphore(%arg10 : memref<!tpu.dma_semaphore, #tpu.memory_space<semaphore_mem>>)
      %dma_start3A_21 = arith.constant 2 : i32
      %dma_start3A_22 = arith.constant 0 : i32
      %dma_start3A_23 = tpu.memref_slice %arg5[%dma_start3A_21, %dma_start3A_22] : memref<50x128xi32, #tpu.memory_space<vmem>> -> memref<1x128xi32, #tpu.memory_space<vmem>>
      %dma_start3A_24 = tpu.memref_squeeze %dma_start3A_23 : memref<1x128xi32, #tpu.memory_space<vmem>> -> memref<128xi32, #tpu.memory_space<vmem>>
      %dma_start3A_25 = arith.constant 0 : i32
      %dma_start3A_26 = arith.constant 0 : i32
      %dma_start3A_27 = tpu.memref_slice %arg2[%dma_start3A_25, %dma_start3A_26] : memref<102400x128xf32, #tpu.memory_space<hbm>> -> memref<102400x128xf32, #tpu.memory_space<hbm>>
      tpu.enqueue_indirect_dma source(%dma_start3A_27 : memref<102400x128xf32, #tpu.memory_space<hbm>>) target(%arg8 : memref<128x128xf32, #tpu.memory_space<vmem>>) offsets(%dma_start3A_24 : memref<128xi32, #tpu.memory_space<vmem>>) semaphore(%arg11 : memref<!tpu.dma_semaphore, #tpu.memory_space<semaphore_mem>>)
      %dma_wait3A = arith.constant 0 : i32
      %dma_wait3A_28 = arith.constant 0 : i32
      %dma_wait3A_29 = tpu.memref_slice %arg5[%dma_wait3A, %dma_wait3A_28] : memref<50x128xi32, #tpu.memory_space<vmem>> -> memref<1x128xi32, #tpu.memory_space<vmem>>
      %dma_wait3A_30 = tpu.memref_squeeze %dma_wait3A_29 : memref<1x128xi32, #tpu.memory_space<vmem>> -> memref<128xi32, #tpu.memory_space<vmem>>
      %dma_wait3A_31 = arith.constant 0 : i32
      %dma_wait3A_32 = arith.constant 0 : i32
      %dma_wait3A_33 = tpu.memref_slice %arg2[%dma_wait3A_31, %dma_wait3A_32] : memref<102400x128xf32, #tpu.memory_space<hbm>> -> memref<102400x128xf32, #tpu.memory_space<hbm>>
      tpu.wait_indirect_dma semaphore(%arg9 : memref<!tpu.dma_semaphore, #tpu.memory_space<semaphore_mem>>) src(%dma_wait3A_33 : memref<102400x128xf32, #tpu.memory_space<hbm>>) dst(%arg6 : memref<128x128xf32, #tpu.memory_space<vmem>>)
      %add3A = arith.constant 0 : i32
      %add3A_34 = arith.addi %mul3A_0, %add3A : i32
      "tpu.region"() ({
        %run_scoped3A = tpu.sem_alloc : memref<!tpu.dma_semaphore, #tpu.memory_space<semaphore_mem>>
        %dma_start3A_677 = arith.constant 0 : i32
        %dma_start3A_678 = tpu.memref_slice %arg4[%add3A_34, %dma_start3A_677] : memref<102400x128xf32, #tpu.memory_space<hbm>> -> memref<128x128xf32, #tpu.memory_space<hbm>>
        %dma_start3A_679 = arith.constant 0 : i32
        %dma_start3A_680 = tpu.memref_slice %arg4[%add3A_34, %dma_start3A_679] : memref<102400x128xf32, #tpu.memory_space<hbm>> -> memref<128x128xf32, #tpu.memory_space<hbm>>
        tpu.enqueue_dma source(%arg6 : memref<128x128xf32, #tpu.memory_space<vmem>>) target(%dma_start3A_680 : memref<128x128xf32, #tpu.memory_space<hbm>>) target_semaphore(%run_scoped3A : memref<!tpu.dma_semaphore, #tpu.memory_space<semaphore_mem>>)
        %dma_wait3A_681 = arith.constant 0 : i32
        %dma_wait3A_682 = tpu.memref_slice %arg4[%add3A_34, %dma_wait3A_681] : memref<102400x128xf32, #tpu.memory_space<hbm>> -> memref<128x128xf32, #tpu.memory_space<hbm>>
        %dma_wait3A_683 = arith.constant 0 : i32
        %dma_wait3A_684 = tpu.memref_slice %arg4[%add3A_34, %dma_wait3A_683] : memref<102400x128xf32, #tpu.memory_space<hbm>> -> memref<128x128xf32, #tpu.memory_space<hbm>>
        tpu.wait_dma2 semaphore(%run_scoped3A : memref<!tpu.dma_semaphore, #tpu.memory_space<semaphore_mem>>) src(%arg6 : memref<128x128xf32, #tpu.memory_space<vmem>>) dst(%dma_wait3A_684 : memref<128x128xf32, #tpu.memory_space<hbm>>)
        tpu.yield
      }) : () -> ()
      %dma_start3A_35 = arith.constant 3 : i32
      %dma_start3A_36 = arith.constant 0 : i32
      %dma_start3A_37 = tpu.memref_slice %arg5[%dma_start3A_35, %dma_start3A_36] : memref<50x128xi32, #tpu.memory_space<vmem>> -> memref<1x128xi32, #tpu.memory_space<vmem>>
      %dma_start3A_38 = tpu.memref_squeeze %dma_start3A_37 : memref<1x128xi32, #tpu.memory_space<vmem>> -> memref<128xi32, #tpu.memory_space<vmem>>
      %dma_start3A_39 = arith.constant 0 : i32
      %dma_start3A_40 = arith.constant 0 : i32
      %dma_start3A_41 = tpu.memref_slice %arg2[%dma_start3A_39, %dma_start3A_40] : memref<102400x128xf32, #tpu.memory_space<hbm>> -> memref<102400x128xf32, #tpu.memory_space<hbm>>
      tpu.enqueue_indirect_dma source(%dma_start3A_41 : memref<102400x128xf32, #tpu.memory_space<hbm>>) target(%arg6 : memref<128x128xf32, #tpu.memory_space<vmem>>) offsets(%dma_start3A_38 : memref<128xi32, #tpu.memory_space<vmem>>) semaphore(%arg9 : memref<!tpu.dma_semaphore, #tpu.memory_space<semaphore_mem>>)
      %dma_wait3A_42 = arith.constant 1 : i32
      %dma_wait3A_43 = arith.constant 0 : i32
      %dma_wait3A_44 = tpu.memref_slice %arg5[%dma_wait3A_42, %dma_wait3A_43] : memref<50x128xi32, #tpu.memory_space<vmem>> -> memref<1x128xi32, #tpu.memory_space<vmem>>
      %dma_wait3A_45 = tpu.memref_squeeze %dma_wait3A_44 : memref<1x128xi32, #tpu.memory_space<vmem>> -> memref<128xi32, #tpu.memory_space<vmem>>
      %dma_wait3A_46 = arith.constant 0 : i32
      %dma_wait3A_47 = arith.constant 0 : i32
      %dma_wait3A_48 = tpu.memref_slice %arg2[%dma_wait3A_46, %dma_wait3A_47] : memref<102400x128xf32, #tpu.memory_space<hbm>> -> memref<102400x128xf32, #tpu.memory_space<hbm>>
      tpu.wait_indirect_dma semaphore(%arg10 : memref<!tpu.dma_semaphore, #tpu.memory_space<semaphore_mem>>) src(%dma_wait3A_48 : memref<102400x128xf32, #tpu.memory_space<hbm>>) dst(%arg7 : memref<128x128xf32, #tpu.memory_space<vmem>>)
      %add3A_49 = arith.constant 128 : i32
      %add3A_50 = arith.addi %mul3A_0, %add3A_49 : i32
      "tpu.region"() ({
        %run_scoped3A = tpu.sem_alloc : memref<!tpu.dma_semaphore, #tpu.memory_space<semaphore_mem>>
        %dma_start3A_677 = arith.constant 0 : i32
        %dma_start3A_678 = tpu.memref_slice %arg4[%add3A_50, %dma_start3A_677] : memref<102400x128xf32, #tpu.memory_space<hbm>> -> memref<128x128xf32, #tpu.memory_space<hbm>>
        %dma_start3A_679 = arith.constant 0 : i32
        %dma_start3A_680 = tpu.memref_slice %arg4[%add3A_50, %dma_start3A_679] : memref<102400x128xf32, #tpu.memory_space<hbm>> -> memref<128x128xf32, #tpu.memory_space<hbm>>
        tpu.enqueue_dma source(%arg7 : memref<128x128xf32, #tpu.memory_space<vmem>>) target(%dma_start3A_680 : memref<128x128xf32, #tpu.memory_space<hbm>>) target_semaphore(%run_scoped3A : memref<!tpu.dma_semaphore, #tpu.memory_space<semaphore_mem>>)
        %dma_wait3A_681 = arith.constant 0 : i32
        %dma_wait3A_682 = tpu.memref_slice %arg4[%add3A_50, %dma_wait3A_681] : memref<102400x128xf32, #tpu.memory_space<hbm>> -> memref<128x128xf32, #tpu.memory_space<hbm>>
        %dma_wait3A_683 = arith.constant 0 : i32
        %dma_wait3A_684 = tpu.memref_slice %arg4[%add3A_50, %dma_wait3A_683] : memref<102400x128xf32, #tpu.memory_space<hbm>> -> memref<128x128xf32, #tpu.memory_space<hbm>>
        tpu.wait_dma2 semaphore(%run_scoped3A : memref<!tpu.dma_semaphore, #tpu.memory_space<semaphore_mem>>) src(%arg7 : memref<128x128xf32, #tpu.memory_space<vmem>>) dst(%dma_wait3A_684 : memref<128x128xf32, #tpu.memory_space<hbm>>)
        tpu.yield
      }) : () -> ()
      %dma_start3A_51 = arith.constant 4 : i32
      %dma_start3A_52 = arith.constant 0 : i32
      %dma_start3A_53 = tpu.memref_slice %arg5[%dma_start3A_51, %dma_start3A_52] : memref<50x128xi32, #tpu.memory_space<vmem>> -> memref<1x128xi32, #tpu.memory_space<vmem>>
      %dma_start3A_54 = tpu.memref_squeeze %dma_start3A_53 : memref<1x128xi32, #tpu.memory_space<vmem>> -> memref<128xi32, #tpu.memory_space<vmem>>
      %dma_start3A_55 = arith.constant 0 : i32
      %dma_start3A_56 = arith.constant 0 : i32
      %dma_start3A_57 = tpu.memref_slice %arg2[%dma_start3A_55, %dma_start3A_56] : memref<102400x128xf32, #tpu.memory_space<hbm>> -> memref<102400x128xf32, #tpu.memory_space<hbm>>
      tpu.enqueue_indirect_dma source(%dma_start3A_57 : memref<102400x128xf32, #tpu.memory_space<hbm>>) target(%arg7 : memref<128x128xf32, #tpu.memory_space<vmem>>) offsets(%dma_start3A_54 : memref<128xi32, #tpu.memory_space<vmem>>) semaphore(%arg10 : memref<!tpu.dma_semaphore, #tpu.memory_space<semaphore_mem>>)
      %dma_wait3A_58 = arith.constant 2 : i32
      %dma_wait3A_59 = arith.constant 0 : i32
      %dma_wait3A_60 = tpu.memref_slice %arg5[%dma_wait3A_58, %dma_wait3A_59] : memref<50x128xi32, #tpu.memory_space<vmem>> -> memref<1x128xi32, #tpu.memory_space<vmem>>
      %dma_wait3A_61 = tpu.memref_squeeze %dma_wait3A_60 : memref<1x128xi32, #tpu.memory_space<vmem>> -> memref<128xi32, #tpu.memory_space<vmem>>
      %dma_wait3A_62 = arith.constant 0 : i32
      %dma_wait3A_63 = arith.constant 0 : i32
      %dma_wait3A_64 = tpu.memref_slice %arg2[%dma_wait3A_62, %dma_wait3A_63] : memref<102400x128xf32, #tpu.memory_space<hbm>> -> memref<102400x128xf32, #tpu.memory_space<hbm>>
      tpu.wait_indirect_dma semaphore(%arg11 : memref<!tpu.dma_semaphore, #tpu.memory_space<semaphore_mem>>) src(%dma_wait3A_64 : memref<102400x128xf32, #tpu.memory_space<hbm>>) dst(%arg8 : memref<128x128xf32, #tpu.memory_space<vmem>>)
      %add3A_65 = arith.constant 256 : i32
      %add3A_66 = arith.addi %mul3A_0, %add3A_65 : i32
      "tpu.region"() ({
        %run_scoped3A = tpu.sem_alloc : memref<!tpu.dma_semaphore, #tpu.memory_space<semaphore_mem>>
        %dma_start3A_677 = arith.constant 0 : i32
        %dma_start3A_678 = tpu.memref_slice %arg4[%add3A_66, %dma_start3A_677] : memref<102400x128xf32, #tpu.memory_space<hbm>> -> memref<128x128xf32, #tpu.memory_space<hbm>>
        %dma_start3A_679 = arith.constant 0 : i32
        %dma_start3A_680 = tpu.memref_slice %arg4[%add3A_66, %dma_start3A_679] : memref<102400x128xf32, #tpu.memory_space<hbm>> -> memref<128x128xf32, #tpu.memory_space<hbm>>
        tpu.enqueue_dma source(%arg8 : memref<128x128xf32, #tpu.memory_space<vmem>>) target(%dma_start3A_680 : memref<128x128xf32, #tpu.memory_space<hbm>>) target_semaphore(%run_scoped3A : memref<!tpu.dma_semaphore, #tpu.memory_space<semaphore_mem>>)
        %dma_wait3A_681 = arith.constant 0 : i32
        %dma_wait3A_682 = tpu.memref_slice %arg4[%add3A_66, %dma_wait3A_681] : memref<102400x128xf32, #tpu.memory_space<hbm>> -> memref<128x128xf32, #tpu.memory_space<hbm>>
        %dma_wait3A_683 = arith.constant 0 : i32
        %dma_wait3A_684 = tpu.memref_slice %arg4[%add3A_66, %dma_wait3A_683] : memref<102400x128xf32, #tpu.memory_space<hbm>> -> memref<128x128xf32, #tpu.memory_space<hbm>>
        tpu.wait_dma2 semaphore(%run_scoped3A : memref<!tpu.dma_semaphore, #tpu.memory_space<semaphore_mem>>) src(%arg8 : memref<128x128xf32, #tpu.memory_space<vmem>>) dst(%dma_wait3A_684 : memref<128x128xf32, #tpu.memory_space<hbm>>)
        tpu.yield
      }) : () -> ()
      %dma_start3A_67 = arith.constant 5 : i32
      %dma_start3A_68 = arith.constant 0 : i32
      %dma_start3A_69 = tpu.memref_slice %arg5[%dma_start3A_67, %dma_start3A_68] : memref<50x128xi32, #tpu.memory_space<vmem>> -> memref<1x128xi32, #tpu.memory_space<vmem>>
      %dma_start3A_70 = tpu.memref_squeeze %dma_start3A_69 : memref<1x128xi32, #tpu.memory_space<vmem>> -> memref<128xi32, #tpu.memory_space<vmem>>
      %dma_start3A_71 = arith.constant 0 : i32
      %dma_start3A_72 = arith.constant 0 : i32
      %dma_start3A_73 = tpu.memref_slice %arg2[%dma_start3A_71, %dma_start3A_72] : memref<102400x128xf32, #tpu.memory_space<hbm>> -> memref<102400x128xf32, #tpu.memory_space<hbm>>
      tpu.enqueue_indirect_dma source(%dma_start3A_73 : memref<102400x128xf32, #tpu.memory_space<hbm>>) target(%arg8 : memref<128x128xf32, #tpu.memory_space<vmem>>) offsets(%dma_start3A_70 : memref<128xi32, #tpu.memory_space<vmem>>) semaphore(%arg11 : memref<!tpu.dma_semaphore, #tpu.memory_space<semaphore_mem>>)
      %dma_wait3A_74 = arith.constant 3 : i32
      %dma_wait3A_75 = arith.constant 0 : i32
      %dma_wait3A_76 = tpu.memref_slice %arg5[%dma_wait3A_74, %dma_wait3A_75] : memref<50x128xi32, #tpu.memory_space<vmem>> -> memref<1x128xi32, #tpu.memory_space<vmem>>
      %dma_wait3A_77 = tpu.memref_squeeze %dma_wait3A_76 : memref<1x128xi32, #tpu.memory_space<vmem>> -> memref<128xi32, #tpu.memory_space<vmem>>
      %dma_wait3A_78 = arith.constant 0 : i32
      %dma_wait3A_79 = arith.constant 0 : i32
      %dma_wait3A_80 = tpu.memref_slice %arg2[%dma_wait3A_78, %dma_wait3A_79] : memref<102400x128xf32, #tpu.memory_space<hbm>> -> memref<102400x128xf32, #tpu.memory_space<hbm>>
      tpu.wait_indirect_dma semaphore(%arg9 : memref<!tpu.dma_semaphore, #tpu.memory_space<semaphore_mem>>) src(%dma_wait3A_80 : memref<102400x128xf32, #tpu.memory_space<hbm>>) dst(%arg6 : memref<128x128xf32, #tpu.memory_space<vmem>>)
      %add3A_81 = arith.constant 384 : i32
      %add3A_82 = arith.addi %mul3A_0, %add3A_81 : i32
      "tpu.region"() ({
        %run_scoped3A = tpu.sem_alloc : memref<!tpu.dma_semaphore, #tpu.memory_space<semaphore_mem>>
        %dma_start3A_677 = arith.constant 0 : i32
        %dma_start3A_678 = tpu.memref_slice %arg4[%add3A_82, %dma_start3A_677] : memref<102400x128xf32, #tpu.memory_space<hbm>> -> memref<128x128xf32, #tpu.memory_space<hbm>>
        %dma_start3A_679 = arith.constant 0 : i32
        %dma_start3A_680 = tpu.memref_slice %arg4[%add3A_82, %dma_start3A_679] : memref<102400x128xf32, #tpu.memory_space<hbm>> -> memref<128x128xf32, #tpu.memory_space<hbm>>
        tpu.enqueue_dma source(%arg6 : memref<128x128xf32, #tpu.memory_space<vmem>>) target(%dma_start3A_680 : memref<128x128xf32, #tpu.memory_space<hbm>>) target_semaphore(%run_scoped3A : memref<!tpu.dma_semaphore, #tpu.memory_space<semaphore_mem>>)
        %dma_wait3A_681 = arith.constant 0 : i32
        %dma_wait3A_682 = tpu.memref_slice %arg4[%add3A_82, %dma_wait3A_681] : memref<102400x128xf32, #tpu.memory_space<hbm>> -> memref<128x128xf32, #tpu.memory_space<hbm>>
        %dma_wait3A_683 = arith.constant 0 : i32
        %dma_wait3A_684 = tpu.memref_slice %arg4[%add3A_82, %dma_wait3A_683] : memref<102400x128xf32, #tpu.memory_space<hbm>> -> memref<128x128xf32, #tpu.memory_space<hbm>>
        tpu.wait_dma2 semaphore(%run_scoped3A : memref<!tpu.dma_semaphore, #tpu.memory_space<semaphore_mem>>) src(%arg6 : memref<128x128xf32, #tpu.memory_space<vmem>>) dst(%dma_wait3A_684 : memref<128x128xf32, #tpu.memory_space<hbm>>)
        tpu.yield
      }) : () -> ()
      %dma_start3A_83 = arith.constant 6 : i32
      %dma_start3A_84 = arith.constant 0 : i32
      %dma_start3A_85 = tpu.memref_slice %arg5[%dma_start3A_83, %dma_start3A_84] : memref<50x128xi32, #tpu.memory_space<vmem>> -> memref<1x128xi32, #tpu.memory_space<vmem>>
      %dma_start3A_86 = tpu.memref_squeeze %dma_start3A_85 : memref<1x128xi32, #tpu.memory_space<vmem>> -> memref<128xi32, #tpu.memory_space<vmem>>
      %dma_start3A_87 = arith.constant 0 : i32
      %dma_start3A_88 = arith.constant 0 : i32
      %dma_start3A_89 = tpu.memref_slice %arg2[%dma_start3A_87, %dma_start3A_88] : memref<102400x128xf32, #tpu.memory_space<hbm>> -> memref<102400x128xf32, #tpu.memory_space<hbm>>
      tpu.enqueue_indirect_dma source(%dma_start3A_89 : memref<102400x128xf32, #tpu.memory_space<hbm>>) target(%arg6 : memref<128x128xf32, #tpu.memory_space<vmem>>) offsets(%dma_start3A_86 : memref<128xi32, #tpu.memory_space<vmem>>) semaphore(%arg9 : memref<!tpu.dma_semaphore, #tpu.memory_space<semaphore_mem>>)
      %dma_wait3A_90 = arith.constant 4 : i32
      %dma_wait3A_91 = arith.constant 0 : i32
      %dma_wait3A_92 = tpu.memref_slice %arg5[%dma_wait3A_90, %dma_wait3A_91] : memref<50x128xi32, #tpu.memory_space<vmem>> -> memref<1x128xi32, #tpu.memory_space<vmem>>
      %dma_wait3A_93 = tpu.memref_squeeze %dma_wait3A_92 : memref<1x128xi32, #tpu.memory_space<vmem>> -> memref<128xi32, #tpu.memory_space<vmem>>
      %dma_wait3A_94 = arith.constant 0 : i32
      %dma_wait3A_95 = arith.constant 0 : i32
      %dma_wait3A_96 = tpu.memref_slice %arg2[%dma_wait3A_94, %dma_wait3A_95] : memref<102400x128xf32, #tpu.memory_space<hbm>> -> memref<102400x128xf32, #tpu.memory_space<hbm>>
      tpu.wait_indirect_dma semaphore(%arg10 : memref<!tpu.dma_semaphore, #tpu.memory_space<semaphore_mem>>) src(%dma_wait3A_96 : memref<102400x128xf32, #tpu.memory_space<hbm>>) dst(%arg7 : memref<128x128xf32, #tpu.memory_space<vmem>>)
      %add3A_97 = arith.constant 512 : i32
      %add3A_98 = arith.addi %mul3A_0, %add3A_97 : i32
      "tpu.region"() ({
        %run_scoped3A = tpu.sem_alloc : memref<!tpu.dma_semaphore, #tpu.memory_space<semaphore_mem>>
        %dma_start3A_677 = arith.constant 0 : i32
        %dma_start3A_678 = tpu.memref_slice %arg4[%add3A_98, %dma_start3A_677] : memref<102400x128xf32, #tpu.memory_space<hbm>> -> memref<128x128xf32, #tpu.memory_space<hbm>>
        %dma_start3A_679 = arith.constant 0 : i32
        %dma_start3A_680 = tpu.memref_slice %arg4[%add3A_98, %dma_start3A_679] : memref<102400x128xf32, #tpu.memory_space<hbm>> -> memref<128x128xf32, #tpu.memory_space<hbm>>
        tpu.enqueue_dma source(%arg7 : memref<128x128xf32, #tpu.memory_space<vmem>>) target(%dma_start3A_680 : memref<128x128xf32, #tpu.memory_space<hbm>>) target_semaphore(%run_scoped3A : memref<!tpu.dma_semaphore, #tpu.memory_space<semaphore_mem>>)
        %dma_wait3A_681 = arith.constant 0 : i32
        %dma_wait3A_682 = tpu.memref_slice %arg4[%add3A_98, %dma_wait3A_681] : memref<102400x128xf32, #tpu.memory_space<hbm>> -> memref<128x128xf32, #tpu.memory_space<hbm>>
        %dma_wait3A_683 = arith.constant 0 : i32
        %dma_wait3A_684 = tpu.memref_slice %arg4[%add3A_98, %dma_wait3A_683] : memref<102400x128xf32, #tpu.memory_space<hbm>> -> memref<128x128xf32, #tpu.memory_space<hbm>>
        tpu.wait_dma2 semaphore(%run_scoped3A : memref<!tpu.dma_semaphore, #tpu.memory_space<semaphore_mem>>) src(%arg7 : memref<128x128xf32, #tpu.memory_space<vmem>>) dst(%dma_wait3A_684 : memref<128x128xf32, #tpu.memory_space<hbm>>)
        tpu.yield
      }) : () -> ()
      %dma_start3A_99 = arith.constant 7 : i32
      %dma_start3A_100 = arith.constant 0 : i32
      %dma_start3A_101 = tpu.memref_slice %arg5[%dma_start3A_99, %dma_start3A_100] : memref<50x128xi32, #tpu.memory_space<vmem>> -> memref<1x128xi32, #tpu.memory_space<vmem>>
      %dma_start3A_102 = tpu.memref_squeeze %dma_start3A_101 : memref<1x128xi32, #tpu.memory_space<vmem>> -> memref<128xi32, #tpu.memory_space<vmem>>
      %dma_start3A_103 = arith.constant 0 : i32
      %dma_start3A_104 = arith.constant 0 : i32
      %dma_start3A_105 = tpu.memref_slice %arg2[%dma_start3A_103, %dma_start3A_104] : memref<102400x128xf32, #tpu.memory_space<hbm>> -> memref<102400x128xf32, #tpu.memory_space<hbm>>
      tpu.enqueue_indirect_dma source(%dma_start3A_105 : memref<102400x128xf32, #tpu.memory_space<hbm>>) target(%arg7 : memref<128x128xf32, #tpu.memory_space<vmem>>) offsets(%dma_start3A_102 : memref<128xi32, #tpu.memory_space<vmem>>) semaphore(%arg10 : memref<!tpu.dma_semaphore, #tpu.memory_space<semaphore_mem>>)
      %dma_wait3A_106 = arith.constant 5 : i32
      %dma_wait3A_107 = arith.constant 0 : i32
      %dma_wait3A_108 = tpu.memref_slice %arg5[%dma_wait3A_106, %dma_wait3A_107] : memref<50x128xi32, #tpu.memory_space<vmem>> -> memref<1x128xi32, #tpu.memory_space<vmem>>
      %dma_wait3A_109 = tpu.memref_squeeze %dma_wait3A_108 : memref<1x128xi32, #tpu.memory_space<vmem>> -> memref<128xi32, #tpu.memory_space<vmem>>
      %dma_wait3A_110 = arith.constant 0 : i32
      %dma_wait3A_111 = arith.constant 0 : i32
      %dma_wait3A_112 = tpu.memref_slice %arg2[%dma_wait3A_110, %dma_wait3A_111] : memref<102400x128xf32, #tpu.memory_space<hbm>> -> memref<102400x128xf32, #tpu.memory_space<hbm>>
      tpu.wait_indirect_dma semaphore(%arg11 : memref<!tpu.dma_semaphore, #tpu.memory_space<semaphore_mem>>) src(%dma_wait3A_112 : memref<102400x128xf32, #tpu.memory_space<hbm>>) dst(%arg8 : memref<128x128xf32, #tpu.memory_space<vmem>>)
      %add3A_113 = arith.constant 640 : i32
      %add3A_114 = arith.addi %mul3A_0, %add3A_113 : i32
      "tpu.region"() ({
        %run_scoped3A = tpu.sem_alloc : memref<!tpu.dma_semaphore, #tpu.memory_space<semaphore_mem>>
        %dma_start3A_677 = arith.constant 0 : i32
        %dma_start3A_678 = tpu.memref_slice %arg4[%add3A_114, %dma_start3A_677] : memref<102400x128xf32, #tpu.memory_space<hbm>> -> memref<128x128xf32, #tpu.memory_space<hbm>>
        %dma_start3A_679 = arith.constant 0 : i32
        %dma_start3A_680 = tpu.memref_slice %arg4[%add3A_114, %dma_start3A_679] : memref<102400x128xf32, #tpu.memory_space<hbm>> -> memref<128x128xf32, #tpu.memory_space<hbm>>
        tpu.enqueue_dma source(%arg8 : memref<128x128xf32, #tpu.memory_space<vmem>>) target(%dma_start3A_680 : memref<128x128xf32, #tpu.memory_space<hbm>>) target_semaphore(%run_scoped3A : memref<!tpu.dma_semaphore, #tpu.memory_space<semaphore_mem>>)
        %dma_wait3A_681 = arith.constant 0 : i32
        %dma_wait3A_682 = tpu.memref_slice %arg4[%add3A_114, %dma_wait3A_681] : memref<102400x128xf32, #tpu.memory_space<hbm>> -> memref<128x128xf32, #tpu.memory_space<hbm>>
        %dma_wait3A_683 = arith.constant 0 : i32
        %dma_wait3A_684 = tpu.memref_slice %arg4[%add3A_114, %dma_wait3A_683] : memref<102400x128xf32, #tpu.memory_space<hbm>> -> memref<128x128xf32, #tpu.memory_space<hbm>>
        tpu.wait_dma2 semaphore(%run_scoped3A : memref<!tpu.dma_semaphore, #tpu.memory_space<semaphore_mem>>) src(%arg8 : memref<128x128xf32, #tpu.memory_space<vmem>>) dst(%dma_wait3A_684 : memref<128x128xf32, #tpu.memory_space<hbm>>)
        tpu.yield
      }) : () -> ()
      %dma_start3A_115 = arith.constant 8 : i32
      %dma_start3A_116 = arith.constant 0 : i32
      %dma_start3A_117 = tpu.memref_slice %arg5[%dma_start3A_115, %dma_start3A_116] : memref<50x128xi32, #tpu.memory_space<vmem>> -> memref<1x128xi32, #tpu.memory_space<vmem>>
      %dma_start3A_118 = tpu.memref_squeeze %dma_start3A_117 : memref<1x128xi32, #tpu.memory_space<vmem>> -> memref<128xi32, #tpu.memory_space<vmem>>
      %dma_start3A_119 = arith.constant 0 : i32
      %dma_start3A_120 = arith.constant 0 : i32
      %dma_start3A_121 = tpu.memref_slice %arg2[%dma_start3A_119, %dma_start3A_120] : memref<102400x128xf32, #tpu.memory_space<hbm>> -> memref<102400x128xf32, #tpu.memory_space<hbm>>
      tpu.enqueue_indirect_dma source(%dma_start3A_121 : memref<102400x128xf32, #tpu.memory_space<hbm>>) target(%arg8 : memref<128x128xf32, #tpu.memory_space<vmem>>) offsets(%dma_start3A_118 : memref<128xi32, #tpu.memory_space<vmem>>) semaphore(%arg11 : memref<!tpu.dma_semaphore, #tpu.memory_space<semaphore_mem>>)
      %dma_wait3A_122 = arith.constant 6 : i32
      %dma_wait3A_123 = arith.constant 0 : i32
      %dma_wait3A_124 = tpu.memref_slice %arg5[%dma_wait3A_122, %dma_wait3A_123] : memref<50x128xi32, #tpu.memory_space<vmem>> -> memref<1x128xi32, #tpu.memory_space<vmem>>
      %dma_wait3A_125 = tpu.memref_squeeze %dma_wait3A_124 : memref<1x128xi32, #tpu.memory_space<vmem>> -> memref<128xi32, #tpu.memory_space<vmem>>
      %dma_wait3A_126 = arith.constant 0 : i32
      %dma_wait3A_127 = arith.constant 0 : i32
      %dma_wait3A_128 = tpu.memref_slice %arg2[%dma_wait3A_126, %dma_wait3A_127] : memref<102400x128xf32, #tpu.memory_space<hbm>> -> memref<102400x128xf32, #tpu.memory_space<hbm>>
      tpu.wait_indirect_dma semaphore(%arg9 : memref<!tpu.dma_semaphore, #tpu.memory_space<semaphore_mem>>) src(%dma_wait3A_128 : memref<102400x128xf32, #tpu.memory_space<hbm>>) dst(%arg6 : memref<128x128xf32, #tpu.memory_space<vmem>>)
      %add3A_129 = arith.constant 768 : i32
      %add3A_130 = arith.addi %mul3A_0, %add3A_129 : i32
      "tpu.region"() ({
        %run_scoped3A = tpu.sem_alloc : memref<!tpu.dma_semaphore, #tpu.memory_space<semaphore_mem>>
        %dma_start3A_677 = arith.constant 0 : i32
        %dma_start3A_678 = tpu.memref_slice %arg4[%add3A_130, %dma_start3A_677] : memref<102400x128xf32, #tpu.memory_space<hbm>> -> memref<128x128xf32, #tpu.memory_space<hbm>>
        %dma_start3A_679 = arith.constant 0 : i32
        %dma_start3A_680 = tpu.memref_slice %arg4[%add3A_130, %dma_start3A_679] : memref<102400x128xf32, #tpu.memory_space<hbm>> -> memref<128x128xf32, #tpu.memory_space<hbm>>
        tpu.enqueue_dma source(%arg6 : memref<128x128xf32, #tpu.memory_space<vmem>>) target(%dma_start3A_680 : memref<128x128xf32, #tpu.memory_space<hbm>>) target_semaphore(%run_scoped3A : memref<!tpu.dma_semaphore, #tpu.memory_space<semaphore_mem>>)
        %dma_wait3A_681 = arith.constant 0 : i32
        %dma_wait3A_682 = tpu.memref_slice %arg4[%add3A_130, %dma_wait3A_681] : memref<102400x128xf32, #tpu.memory_space<hbm>> -> memref<128x128xf32, #tpu.memory_space<hbm>>
        %dma_wait3A_683 = arith.constant 0 : i32
        %dma_wait3A_684 = tpu.memref_slice %arg4[%add3A_130, %dma_wait3A_683] : memref<102400x128xf32, #tpu.memory_space<hbm>> -> memref<128x128xf32, #tpu.memory_space<hbm>>
        tpu.wait_dma2 semaphore(%run_scoped3A : memref<!tpu.dma_semaphore, #tpu.memory_space<semaphore_mem>>) src(%arg6 : memref<128x128xf32, #tpu.memory_space<vmem>>) dst(%dma_wait3A_684 : memref<128x128xf32, #tpu.memory_space<hbm>>)
        tpu.yield
      }) : () -> ()
      %dma_start3A_131 = arith.constant 9 : i32
      %dma_start3A_132 = arith.constant 0 : i32
      %dma_start3A_133 = tpu.memref_slice %arg5[%dma_start3A_131, %dma_start3A_132] : memref<50x128xi32, #tpu.memory_space<vmem>> -> memref<1x128xi32, #tpu.memory_space<vmem>>
      %dma_start3A_134 = tpu.memref_squeeze %dma_start3A_133 : memref<1x128xi32, #tpu.memory_space<vmem>> -> memref<128xi32, #tpu.memory_space<vmem>>
      %dma_start3A_135 = arith.constant 0 : i32
      %dma_start3A_136 = arith.constant 0 : i32
      %dma_start3A_137 = tpu.memref_slice %arg2[%dma_start3A_135, %dma_start3A_136] : memref<102400x128xf32, #tpu.memory_space<hbm>> -> memref<102400x128xf32, #tpu.memory_space<hbm>>
      tpu.enqueue_indirect_dma source(%dma_start3A_137 : memref<102400x128xf32, #tpu.memory_space<hbm>>) target(%arg6 : memref<128x128xf32, #tpu.memory_space<vmem>>) offsets(%dma_start3A_134 : memref<128xi32, #tpu.memory_space<vmem>>) semaphore(%arg9 : memref<!tpu.dma_semaphore, #tpu.memory_space<semaphore_mem>>)
      %dma_wait3A_138 = arith.constant 7 : i32
      %dma_wait3A_139 = arith.constant 0 : i32
      %dma_wait3A_140 = tpu.memref_slice %arg5[%dma_wait3A_138, %dma_wait3A_139] : memref<50x128xi32, #tpu.memory_space<vmem>> -> memref<1x128xi32, #tpu.memory_space<vmem>>
      %dma_wait3A_141 = tpu.memref_squeeze %dma_wait3A_140 : memref<1x128xi32, #tpu.memory_space<vmem>> -> memref<128xi32, #tpu.memory_space<vmem>>
      %dma_wait3A_142 = arith.constant 0 : i32
      %dma_wait3A_143 = arith.constant 0 : i32
      %dma_wait3A_144 = tpu.memref_slice %arg2[%dma_wait3A_142, %dma_wait3A_143] : memref<102400x128xf32, #tpu.memory_space<hbm>> -> memref<102400x128xf32, #tpu.memory_space<hbm>>
      tpu.wait_indirect_dma semaphore(%arg10 : memref<!tpu.dma_semaphore, #tpu.memory_space<semaphore_mem>>) src(%dma_wait3A_144 : memref<102400x128xf32, #tpu.memory_space<hbm>>) dst(%arg7 : memref<128x128xf32, #tpu.memory_space<vmem>>)
      %add3A_145 = arith.constant 896 : i32
      %add3A_146 = arith.addi %mul3A_0, %add3A_145 : i32
      "tpu.region"() ({
        %run_scoped3A = tpu.sem_alloc : memref<!tpu.dma_semaphore, #tpu.memory_space<semaphore_mem>>
        %dma_start3A_677 = arith.constant 0 : i32
        %dma_start3A_678 = tpu.memref_slice %arg4[%add3A_146, %dma_start3A_677] : memref<102400x128xf32, #tpu.memory_space<hbm>> -> memref<128x128xf32, #tpu.memory_space<hbm>>
        %dma_start3A_679 = arith.constant 0 : i32
        %dma_start3A_680 = tpu.memref_slice %arg4[%add3A_146, %dma_start3A_679] : memref<102400x128xf32, #tpu.memory_space<hbm>> -> memref<128x128xf32, #tpu.memory_space<hbm>>
        tpu.enqueue_dma source(%arg7 : memref<128x128xf32, #tpu.memory_space<vmem>>) target(%dma_start3A_680 : memref<128x128xf32, #tpu.memory_space<hbm>>) target_semaphore(%run_scoped3A : memref<!tpu.dma_semaphore, #tpu.memory_space<semaphore_mem>>)
        %dma_wait3A_681 = arith.constant 0 : i32
        %dma_wait3A_682 = tpu.memref_slice %arg4[%add3A_146, %dma_wait3A_681] : memref<102400x128xf32, #tpu.memory_space<hbm>> -> memref<128x128xf32, #tpu.memory_space<hbm>>
        %dma_wait3A_683 = arith.constant 0 : i32
        %dma_wait3A_684 = tpu.memref_slice %arg4[%add3A_146, %dma_wait3A_683] : memref<102400x128xf32, #tpu.memory_space<hbm>> -> memref<128x128xf32, #tpu.memory_space<hbm>>
        tpu.wait_dma2 semaphore(%run_scoped3A : memref<!tpu.dma_semaphore, #tpu.memory_space<semaphore_mem>>) src(%arg7 : memref<128x128xf32, #tpu.memory_space<vmem>>) dst(%dma_wait3A_684 : memref<128x128xf32, #tpu.memory_space<hbm>>)
        tpu.yield
      }) : () -> ()
      %dma_start3A_147 = arith.constant 10 : i32
      %dma_start3A_148 = arith.constant 0 : i32
      %dma_start3A_149 = tpu.memref_slice %arg5[%dma_start3A_147, %dma_start3A_148] : memref<50x128xi32, #tpu.memory_space<vmem>> -> memref<1x128xi32, #tpu.memory_space<vmem>>
      %dma_start3A_150 = tpu.memref_squeeze %dma_start3A_149 : memref<1x128xi32, #tpu.memory_space<vmem>> -> memref<128xi32, #tpu.memory_space<vmem>>
      %dma_start3A_151 = arith.constant 0 : i32
      %dma_start3A_152 = arith.constant 0 : i32
      %dma_start3A_153 = tpu.memref_slice %arg2[%dma_start3A_151, %dma_start3A_152] : memref<102400x128xf32, #tpu.memory_space<hbm>> -> memref<102400x128xf32, #tpu.memory_space<hbm>>
      tpu.enqueue_indirect_dma source(%dma_start3A_153 : memref<102400x128xf32, #tpu.memory_space<hbm>>) target(%arg7 : memref<128x128xf32, #tpu.memory_space<vmem>>) offsets(%dma_start3A_150 : memref<128xi32, #tpu.memory_space<vmem>>) semaphore(%arg10 : memref<!tpu.dma_semaphore, #tpu.memory_space<semaphore_mem>>)
      %dma_wait3A_154 = arith.constant 8 : i32
      %dma_wait3A_155 = arith.constant 0 : i32
      %dma_wait3A_156 = tpu.memref_slice %arg5[%dma_wait3A_154, %dma_wait3A_155] : memref<50x128xi32, #tpu.memory_space<vmem>> -> memref<1x128xi32, #tpu.memory_space<vmem>>
      %dma_wait3A_157 = tpu.memref_squeeze %dma_wait3A_156 : memref<1x128xi32, #tpu.memory_space<vmem>> -> memref<128xi32, #tpu.memory_space<vmem>>
      %dma_wait3A_158 = arith.constant 0 : i32
      %dma_wait3A_159 = arith.constant 0 : i32
      %dma_wait3A_160 = tpu.memref_slice %arg2[%dma_wait3A_158, %dma_wait3A_159] : memref<102400x128xf32, #tpu.memory_space<hbm>> -> memref<102400x128xf32, #tpu.memory_space<hbm>>
      tpu.wait_indirect_dma semaphore(%arg11 : memref<!tpu.dma_semaphore, #tpu.memory_space<semaphore_mem>>) src(%dma_wait3A_160 : memref<102400x128xf32, #tpu.memory_space<hbm>>) dst(%arg8 : memref<128x128xf32, #tpu.memory_space<vmem>>)
      %add3A_161 = arith.constant 1024 : i32
      %add3A_162 = arith.addi %mul3A_0, %add3A_161 : i32
      "tpu.region"() ({
        %run_scoped3A = tpu.sem_alloc : memref<!tpu.dma_semaphore, #tpu.memory_space<semaphore_mem>>
        %dma_start3A_677 = arith.constant 0 : i32
        %dma_start3A_678 = tpu.memref_slice %arg4[%add3A_162, %dma_start3A_677] : memref<102400x128xf32, #tpu.memory_space<hbm>> -> memref<128x128xf32, #tpu.memory_space<hbm>>
        %dma_start3A_679 = arith.constant 0 : i32
        %dma_start3A_680 = tpu.memref_slice %arg4[%add3A_162, %dma_start3A_679] : memref<102400x128xf32, #tpu.memory_space<hbm>> -> memref<128x128xf32, #tpu.memory_space<hbm>>
        tpu.enqueue_dma source(%arg8 : memref<128x128xf32, #tpu.memory_space<vmem>>) target(%dma_start3A_680 : memref<128x128xf32, #tpu.memory_space<hbm>>) target_semaphore(%run_scoped3A : memref<!tpu.dma_semaphore, #tpu.memory_space<semaphore_mem>>)
        %dma_wait3A_681 = arith.constant 0 : i32
        %dma_wait3A_682 = tpu.memref_slice %arg4[%add3A_162, %dma_wait3A_681] : memref<102400x128xf32, #tpu.memory_space<hbm>> -> memref<128x128xf32, #tpu.memory_space<hbm>>
        %dma_wait3A_683 = arith.constant 0 : i32
        %dma_wait3A_684 = tpu.memref_slice %arg4[%add3A_162, %dma_wait3A_683] : memref<102400x128xf32, #tpu.memory_space<hbm>> -> memref<128x128xf32, #tpu.memory_space<hbm>>
        tpu.wait_dma2 semaphore(%run_scoped3A : memref<!tpu.dma_semaphore, #tpu.memory_space<semaphore_mem>>) src(%arg8 : memref<128x128xf32, #tpu.memory_space<vmem>>) dst(%dma_wait3A_684 : memref<128x128xf32, #tpu.memory_space<hbm>>)
        tpu.yield
      }) : () -> ()
      %dma_start3A_163 = arith.constant 11 : i32
      %dma_start3A_164 = arith.constant 0 : i32
      %dma_start3A_165 = tpu.memref_slice %arg5[%dma_start3A_163, %dma_start3A_164] : memref<50x128xi32, #tpu.memory_space<vmem>> -> memref<1x128xi32, #tpu.memory_space<vmem>>
      %dma_start3A_166 = tpu.memref_squeeze %dma_start3A_165 : memref<1x128xi32, #tpu.memory_space<vmem>> -> memref<128xi32, #tpu.memory_space<vmem>>
      %dma_start3A_167 = arith.constant 0 : i32
      %dma_start3A_168 = arith.constant 0 : i32
      %dma_start3A_169 = tpu.memref_slice %arg2[%dma_start3A_167, %dma_start3A_168] : memref<102400x128xf32, #tpu.memory_space<hbm>> -> memref<102400x128xf32, #tpu.memory_space<hbm>>
      tpu.enqueue_indirect_dma source(%dma_start3A_169 : memref<102400x128xf32, #tpu.memory_space<hbm>>) target(%arg8 : memref<128x128xf32, #tpu.memory_space<vmem>>) offsets(%dma_start3A_166 : memref<128xi32, #tpu.memory_space<vmem>>) semaphore(%arg11 : memref<!tpu.dma_semaphore, #tpu.memory_space<semaphore_mem>>)
      %dma_wait3A_170 = arith.constant 9 : i32
      %dma_wait3A_171 = arith.constant 0 : i32
      %dma_wait3A_172 = tpu.memref_slice %arg5[%dma_wait3A_170, %dma_wait3A_171] : memref<50x128xi32, #tpu.memory_space<vmem>> -> memref<1x128xi32, #tpu.memory_space<vmem>>
      %dma_wait3A_173 = tpu.memref_squeeze %dma_wait3A_172 : memref<1x128xi32, #tpu.memory_space<vmem>> -> memref<128xi32, #tpu.memory_space<vmem>>
      %dma_wait3A_174 = arith.constant 0 : i32
      %dma_wait3A_175 = arith.constant 0 : i32
      %dma_wait3A_176 = tpu.memref_slice %arg2[%dma_wait3A_174, %dma_wait3A_175] : memref<102400x128xf32, #tpu.memory_space<hbm>> -> memref<102400x128xf32, #tpu.memory_space<hbm>>
      tpu.wait_indirect_dma semaphore(%arg9 : memref<!tpu.dma_semaphore, #tpu.memory_space<semaphore_mem>>) src(%dma_wait3A_176 : memref<102400x128xf32, #tpu.memory_space<hbm>>) dst(%arg6 : memref<128x128xf32, #tpu.memory_space<vmem>>)
      %add3A_177 = arith.constant 1152 : i32
      %add3A_178 = arith.addi %mul3A_0, %add3A_177 : i32
      "tpu.region"() ({
        %run_scoped3A = tpu.sem_alloc : memref<!tpu.dma_semaphore, #tpu.memory_space<semaphore_mem>>
        %dma_start3A_677 = arith.constant 0 : i32
        %dma_start3A_678 = tpu.memref_slice %arg4[%add3A_178, %dma_start3A_677] : memref<102400x128xf32, #tpu.memory_space<hbm>> -> memref<128x128xf32, #tpu.memory_space<hbm>>
        %dma_start3A_679 = arith.constant 0 : i32
        %dma_start3A_680 = tpu.memref_slice %arg4[%add3A_178, %dma_start3A_679] : memref<102400x128xf32, #tpu.memory_space<hbm>> -> memref<128x128xf32, #tpu.memory_space<hbm>>
        tpu.enqueue_dma source(%arg6 : memref<128x128xf32, #tpu.memory_space<vmem>>) target(%dma_start3A_680 : memref<128x128xf32, #tpu.memory_space<hbm>>) target_semaphore(%run_scoped3A : memref<!tpu.dma_semaphore, #tpu.memory_space<semaphore_mem>>)
        %dma_wait3A_681 = arith.constant 0 : i32
        %dma_wait3A_682 = tpu.memref_slice %arg4[%add3A_178, %dma_wait3A_681] : memref<102400x128xf32, #tpu.memory_space<hbm>> -> memref<128x128xf32, #tpu.memory_space<hbm>>
        %dma_wait3A_683 = arith.constant 0 : i32
        %dma_wait3A_684 = tpu.memref_slice %arg4[%add3A_178, %dma_wait3A_683] : memref<102400x128xf32, #tpu.memory_space<hbm>> -> memref<128x128xf32, #tpu.memory_space<hbm>>
        tpu.wait_dma2 semaphore(%run_scoped3A : memref<!tpu.dma_semaphore, #tpu.memory_space<semaphore_mem>>) src(%arg6 : memref<128x128xf32, #tpu.memory_space<vmem>>) dst(%dma_wait3A_684 : memref<128x128xf32, #tpu.memory_space<hbm>>)
        tpu.yield
      }) : () -> ()
      %dma_start3A_179 = arith.constant 12 : i32
      %dma_start3A_180 = arith.constant 0 : i32
      %dma_start3A_181 = tpu.memref_slice %arg5[%dma_start3A_179, %dma_start3A_180] : memref<50x128xi32, #tpu.memory_space<vmem>> -> memref<1x128xi32, #tpu.memory_space<vmem>>
      %dma_start3A_182 = tpu.memref_squeeze %dma_start3A_181 : memref<1x128xi32, #tpu.memory_space<vmem>> -> memref<128xi32, #tpu.memory_space<vmem>>
      %dma_start3A_183 = arith.constant 0 : i32
      %dma_start3A_184 = arith.constant 0 : i32
      %dma_start3A_185 = tpu.memref_slice %arg2[%dma_start3A_183, %dma_start3A_184] : memref<102400x128xf32, #tpu.memory_space<hbm>> -> memref<102400x128xf32, #tpu.memory_space<hbm>>
      tpu.enqueue_indirect_dma source(%dma_start3A_185 : memref<102400x128xf32, #tpu.memory_space<hbm>>) target(%arg6 : memref<128x128xf32, #tpu.memory_space<vmem>>) offsets(%dma_start3A_182 : memref<128xi32, #tpu.memory_space<vmem>>) semaphore(%arg9 : memref<!tpu.dma_semaphore, #tpu.memory_space<semaphore_mem>>)
      %dma_wait3A_186 = arith.constant 10 : i32
      %dma_wait3A_187 = arith.constant 0 : i32
      %dma_wait3A_188 = tpu.memref_slice %arg5[%dma_wait3A_186, %dma_wait3A_187] : memref<50x128xi32, #tpu.memory_space<vmem>> -> memref<1x128xi32, #tpu.memory_space<vmem>>
      %dma_wait3A_189 = tpu.memref_squeeze %dma_wait3A_188 : memref<1x128xi32, #tpu.memory_space<vmem>> -> memref<128xi32, #tpu.memory_space<vmem>>
      %dma_wait3A_190 = arith.constant 0 : i32
      %dma_wait3A_191 = arith.constant 0 : i32
      %dma_wait3A_192 = tpu.memref_slice %arg2[%dma_wait3A_190, %dma_wait3A_191] : memref<102400x128xf32, #tpu.memory_space<hbm>> -> memref<102400x128xf32, #tpu.memory_space<hbm>>
      tpu.wait_indirect_dma semaphore(%arg10 : memref<!tpu.dma_semaphore, #tpu.memory_space<semaphore_mem>>) src(%dma_wait3A_192 : memref<102400x128xf32, #tpu.memory_space<hbm>>) dst(%arg7 : memref<128x128xf32, #tpu.memory_space<vmem>>)
      %add3A_193 = arith.constant 1280 : i32
      %add3A_194 = arith.addi %mul3A_0, %add3A_193 : i32
      "tpu.region"() ({
        %run_scoped3A = tpu.sem_alloc : memref<!tpu.dma_semaphore, #tpu.memory_space<semaphore_mem>>
        %dma_start3A_677 = arith.constant 0 : i32
        %dma_start3A_678 = tpu.memref_slice %arg4[%add3A_194, %dma_start3A_677] : memref<102400x128xf32, #tpu.memory_space<hbm>> -> memref<128x128xf32, #tpu.memory_space<hbm>>
        %dma_start3A_679 = arith.constant 0 : i32
        %dma_start3A_680 = tpu.memref_slice %arg4[%add3A_194, %dma_start3A_679] : memref<102400x128xf32, #tpu.memory_space<hbm>> -> memref<128x128xf32, #tpu.memory_space<hbm>>
        tpu.enqueue_dma source(%arg7 : memref<128x128xf32, #tpu.memory_space<vmem>>) target(%dma_start3A_680 : memref<128x128xf32, #tpu.memory_space<hbm>>) target_semaphore(%run_scoped3A : memref<!tpu.dma_semaphore, #tpu.memory_space<semaphore_mem>>)
        %dma_wait3A_681 = arith.constant 0 : i32
        %dma_wait3A_682 = tpu.memref_slice %arg4[%add3A_194, %dma_wait3A_681] : memref<102400x128xf32, #tpu.memory_space<hbm>> -> memref<128x128xf32, #tpu.memory_space<hbm>>
        %dma_wait3A_683 = arith.constant 0 : i32
        %dma_wait3A_684 = tpu.memref_slice %arg4[%add3A_194, %dma_wait3A_683] : memref<102400x128xf32, #tpu.memory_space<hbm>> -> memref<128x128xf32, #tpu.memory_space<hbm>>
        tpu.wait_dma2 semaphore(%run_scoped3A : memref<!tpu.dma_semaphore, #tpu.memory_space<semaphore_mem>>) src(%arg7 : memref<128x128xf32, #tpu.memory_space<vmem>>) dst(%dma_wait3A_684 : memref<128x128xf32, #tpu.memory_space<hbm>>)
        tpu.yield
      }) : () -> ()
      %dma_start3A_195 = arith.constant 13 : i32
      %dma_start3A_196 = arith.constant 0 : i32
      %dma_start3A_197 = tpu.memref_slice %arg5[%dma_start3A_195, %dma_start3A_196] : memref<50x128xi32, #tpu.memory_space<vmem>> -> memref<1x128xi32, #tpu.memory_space<vmem>>
      %dma_start3A_198 = tpu.memref_squeeze %dma_start3A_197 : memref<1x128xi32, #tpu.memory_space<vmem>> -> memref<128xi32, #tpu.memory_space<vmem>>
      %dma_start3A_199 = arith.constant 0 : i32
      %dma_start3A_200 = arith.constant 0 : i32
      %dma_start3A_201 = tpu.memref_slice %arg2[%dma_start3A_199, %dma_start3A_200] : memref<102400x128xf32, #tpu.memory_space<hbm>> -> memref<102400x128xf32, #tpu.memory_space<hbm>>
      tpu.enqueue_indirect_dma source(%dma_start3A_201 : memref<102400x128xf32, #tpu.memory_space<hbm>>) target(%arg7 : memref<128x128xf32, #tpu.memory_space<vmem>>) offsets(%dma_start3A_198 : memref<128xi32, #tpu.memory_space<vmem>>) semaphore(%arg10 : memref<!tpu.dma_semaphore, #tpu.memory_space<semaphore_mem>>)
      %dma_wait3A_202 = arith.constant 11 : i32
      %dma_wait3A_203 = arith.constant 0 : i32
      %dma_wait3A_204 = tpu.memref_slice %arg5[%dma_wait3A_202, %dma_wait3A_203] : memref<50x128xi32, #tpu.memory_space<vmem>> -> memref<1x128xi32, #tpu.memory_space<vmem>>
      %dma_wait3A_205 = tpu.memref_squeeze %dma_wait3A_204 : memref<1x128xi32, #tpu.memory_space<vmem>> -> memref<128xi32, #tpu.memory_space<vmem>>
      %dma_wait3A_206 = arith.constant 0 : i32
      %dma_wait3A_207 = arith.constant 0 : i32
      %dma_wait3A_208 = tpu.memref_slice %arg2[%dma_wait3A_206, %dma_wait3A_207] : memref<102400x128xf32, #tpu.memory_space<hbm>> -> memref<102400x128xf32, #tpu.memory_space<hbm>>
      tpu.wait_indirect_dma semaphore(%arg11 : memref<!tpu.dma_semaphore, #tpu.memory_space<semaphore_mem>>) src(%dma_wait3A_208 : memref<102400x128xf32, #tpu.memory_space<hbm>>) dst(%arg8 : memref<128x128xf32, #tpu.memory_space<vmem>>)
      %add3A_209 = arith.constant 1408 : i32
      %add3A_210 = arith.addi %mul3A_0, %add3A_209 : i32
      "tpu.region"() ({
        %run_scoped3A = tpu.sem_alloc : memref<!tpu.dma_semaphore, #tpu.memory_space<semaphore_mem>>
        %dma_start3A_677 = arith.constant 0 : i32
        %dma_start3A_678 = tpu.memref_slice %arg4[%add3A_210, %dma_start3A_677] : memref<102400x128xf32, #tpu.memory_space<hbm>> -> memref<128x128xf32, #tpu.memory_space<hbm>>
        %dma_start3A_679 = arith.constant 0 : i32
        %dma_start3A_680 = tpu.memref_slice %arg4[%add3A_210, %dma_start3A_679] : memref<102400x128xf32, #tpu.memory_space<hbm>> -> memref<128x128xf32, #tpu.memory_space<hbm>>
        tpu.enqueue_dma source(%arg8 : memref<128x128xf32, #tpu.memory_space<vmem>>) target(%dma_start3A_680 : memref<128x128xf32, #tpu.memory_space<hbm>>) target_semaphore(%run_scoped3A : memref<!tpu.dma_semaphore, #tpu.memory_space<semaphore_mem>>)
        %dma_wait3A_681 = arith.constant 0 : i32
        %dma_wait3A_682 = tpu.memref_slice %arg4[%add3A_210, %dma_wait3A_681] : memref<102400x128xf32, #tpu.memory_space<hbm>> -> memref<128x128xf32, #tpu.memory_space<hbm>>
        %dma_wait3A_683 = arith.constant 0 : i32
        %dma_wait3A_684 = tpu.memref_slice %arg4[%add3A_210, %dma_wait3A_683] : memref<102400x128xf32, #tpu.memory_space<hbm>> -> memref<128x128xf32, #tpu.memory_space<hbm>>
        tpu.wait_dma2 semaphore(%run_scoped3A : memref<!tpu.dma_semaphore, #tpu.memory_space<semaphore_mem>>) src(%arg8 : memref<128x128xf32, #tpu.memory_space<vmem>>) dst(%dma_wait3A_684 : memref<128x128xf32, #tpu.memory_space<hbm>>)
        tpu.yield
      }) : () -> ()
      %dma_start3A_211 = arith.constant 14 : i32
      %dma_start3A_212 = arith.constant 0 : i32
      %dma_start3A_213 = tpu.memref_slice %arg5[%dma_start3A_211, %dma_start3A_212] : memref<50x128xi32, #tpu.memory_space<vmem>> -> memref<1x128xi32, #tpu.memory_space<vmem>>
      %dma_start3A_214 = tpu.memref_squeeze %dma_start3A_213 : memref<1x128xi32, #tpu.memory_space<vmem>> -> memref<128xi32, #tpu.memory_space<vmem>>
      %dma_start3A_215 = arith.constant 0 : i32
      %dma_start3A_216 = arith.constant 0 : i32
      %dma_start3A_217 = tpu.memref_slice %arg2[%dma_start3A_215, %dma_start3A_216] : memref<102400x128xf32, #tpu.memory_space<hbm>> -> memref<102400x128xf32, #tpu.memory_space<hbm>>
      tpu.enqueue_indirect_dma source(%dma_start3A_217 : memref<102400x128xf32, #tpu.memory_space<hbm>>) target(%arg8 : memref<128x128xf32, #tpu.memory_space<vmem>>) offsets(%dma_start3A_214 : memref<128xi32, #tpu.memory_space<vmem>>) semaphore(%arg11 : memref<!tpu.dma_semaphore, #tpu.memory_space<semaphore_mem>>)
      %dma_wait3A_218 = arith.constant 12 : i32
      %dma_wait3A_219 = arith.constant 0 : i32
      %dma_wait3A_220 = tpu.memref_slice %arg5[%dma_wait3A_218, %dma_wait3A_219] : memref<50x128xi32, #tpu.memory_space<vmem>> -> memref<1x128xi32, #tpu.memory_space<vmem>>
      %dma_wait3A_221 = tpu.memref_squeeze %dma_wait3A_220 : memref<1x128xi32, #tpu.memory_space<vmem>> -> memref<128xi32, #tpu.memory_space<vmem>>
      %dma_wait3A_222 = arith.constant 0 : i32
      %dma_wait3A_223 = arith.constant 0 : i32
      %dma_wait3A_224 = tpu.memref_slice %arg2[%dma_wait3A_222, %dma_wait3A_223] : memref<102400x128xf32, #tpu.memory_space<hbm>> -> memref<102400x128xf32, #tpu.memory_space<hbm>>
      tpu.wait_indirect_dma semaphore(%arg9 : memref<!tpu.dma_semaphore, #tpu.memory_space<semaphore_mem>>) src(%dma_wait3A_224 : memref<102400x128xf32, #tpu.memory_space<hbm>>) dst(%arg6 : memref<128x128xf32, #tpu.memory_space<vmem>>)
      %add3A_225 = arith.constant 1536 : i32
      %add3A_226 = arith.addi %mul3A_0, %add3A_225 : i32
      "tpu.region"() ({
        %run_scoped3A = tpu.sem_alloc : memref<!tpu.dma_semaphore, #tpu.memory_space<semaphore_mem>>
        %dma_start3A_677 = arith.constant 0 : i32
        %dma_start3A_678 = tpu.memref_slice %arg4[%add3A_226, %dma_start3A_677] : memref<102400x128xf32, #tpu.memory_space<hbm>> -> memref<128x128xf32, #tpu.memory_space<hbm>>
        %dma_start3A_679 = arith.constant 0 : i32
        %dma_start3A_680 = tpu.memref_slice %arg4[%add3A_226, %dma_start3A_679] : memref<102400x128xf32, #tpu.memory_space<hbm>> -> memref<128x128xf32, #tpu.memory_space<hbm>>
        tpu.enqueue_dma source(%arg6 : memref<128x128xf32, #tpu.memory_space<vmem>>) target(%dma_start3A_680 : memref<128x128xf32, #tpu.memory_space<hbm>>) target_semaphore(%run_scoped3A : memref<!tpu.dma_semaphore, #tpu.memory_space<semaphore_mem>>)
        %dma_wait3A_681 = arith.constant 0 : i32
        %dma_wait3A_682 = tpu.memref_slice %arg4[%add3A_226, %dma_wait3A_681] : memref<102400x128xf32, #tpu.memory_space<hbm>> -> memref<128x128xf32, #tpu.memory_space<hbm>>
        %dma_wait3A_683 = arith.constant 0 : i32
        %dma_wait3A_684 = tpu.memref_slice %arg4[%add3A_226, %dma_wait3A_683] : memref<102400x128xf32, #tpu.memory_space<hbm>> -> memref<128x128xf32, #tpu.memory_space<hbm>>
        tpu.wait_dma2 semaphore(%run_scoped3A : memref<!tpu.dma_semaphore, #tpu.memory_space<semaphore_mem>>) src(%arg6 : memref<128x128xf32, #tpu.memory_space<vmem>>) dst(%dma_wait3A_684 : memref<128x128xf32, #tpu.memory_space<hbm>>)
        tpu.yield
      }) : () -> ()
      %dma_start3A_227 = arith.constant 15 : i32
      %dma_start3A_228 = arith.constant 0 : i32
      %dma_start3A_229 = tpu.memref_slice %arg5[%dma_start3A_227, %dma_start3A_228] : memref<50x128xi32, #tpu.memory_space<vmem>> -> memref<1x128xi32, #tpu.memory_space<vmem>>
      %dma_start3A_230 = tpu.memref_squeeze %dma_start3A_229 : memref<1x128xi32, #tpu.memory_space<vmem>> -> memref<128xi32, #tpu.memory_space<vmem>>
      %dma_start3A_231 = arith.constant 0 : i32
      %dma_start3A_232 = arith.constant 0 : i32
      %dma_start3A_233 = tpu.memref_slice %arg2[%dma_start3A_231, %dma_start3A_232] : memref<102400x128xf32, #tpu.memory_space<hbm>> -> memref<102400x128xf32, #tpu.memory_space<hbm>>
      tpu.enqueue_indirect_dma source(%dma_start3A_233 : memref<102400x128xf32, #tpu.memory_space<hbm>>) target(%arg6 : memref<128x128xf32, #tpu.memory_space<vmem>>) offsets(%dma_start3A_230 : memref<128xi32, #tpu.memory_space<vmem>>) semaphore(%arg9 : memref<!tpu.dma_semaphore, #tpu.memory_space<semaphore_mem>>)
      %dma_wait3A_234 = arith.constant 13 : i32
      %dma_wait3A_235 = arith.constant 0 : i32
      %dma_wait3A_236 = tpu.memref_slice %arg5[%dma_wait3A_234, %dma_wait3A_235] : memref<50x128xi32, #tpu.memory_space<vmem>> -> memref<1x128xi32, #tpu.memory_space<vmem>>
      %dma_wait3A_237 = tpu.memref_squeeze %dma_wait3A_236 : memref<1x128xi32, #tpu.memory_space<vmem>> -> memref<128xi32, #tpu.memory_space<vmem>>
      %dma_wait3A_238 = arith.constant 0 : i32
      %dma_wait3A_239 = arith.constant 0 : i32
      %dma_wait3A_240 = tpu.memref_slice %arg2[%dma_wait3A_238, %dma_wait3A_239] : memref<102400x128xf32, #tpu.memory_space<hbm>> -> memref<102400x128xf32, #tpu.memory_space<hbm>>
      tpu.wait_indirect_dma semaphore(%arg10 : memref<!tpu.dma_semaphore, #tpu.memory_space<semaphore_mem>>) src(%dma_wait3A_240 : memref<102400x128xf32, #tpu.memory_space<hbm>>) dst(%arg7 : memref<128x128xf32, #tpu.memory_space<vmem>>)
      %add3A_241 = arith.constant 1664 : i32
      %add3A_242 = arith.addi %mul3A_0, %add3A_241 : i32
      "tpu.region"() ({
        %run_scoped3A = tpu.sem_alloc : memref<!tpu.dma_semaphore, #tpu.memory_space<semaphore_mem>>
        %dma_start3A_677 = arith.constant 0 : i32
        %dma_start3A_678 = tpu.memref_slice %arg4[%add3A_242, %dma_start3A_677] : memref<102400x128xf32, #tpu.memory_space<hbm>> -> memref<128x128xf32, #tpu.memory_space<hbm>>
        %dma_start3A_679 = arith.constant 0 : i32
        %dma_start3A_680 = tpu.memref_slice %arg4[%add3A_242, %dma_start3A_679] : memref<102400x128xf32, #tpu.memory_space<hbm>> -> memref<128x128xf32, #tpu.memory_space<hbm>>
        tpu.enqueue_dma source(%arg7 : memref<128x128xf32, #tpu.memory_space<vmem>>) target(%dma_start3A_680 : memref<128x128xf32, #tpu.memory_space<hbm>>) target_semaphore(%run_scoped3A : memref<!tpu.dma_semaphore, #tpu.memory_space<semaphore_mem>>)
        %dma_wait3A_681 = arith.constant 0 : i32
        %dma_wait3A_682 = tpu.memref_slice %arg4[%add3A_242, %dma_wait3A_681] : memref<102400x128xf32, #tpu.memory_space<hbm>> -> memref<128x128xf32, #tpu.memory_space<hbm>>
        %dma_wait3A_683 = arith.constant 0 : i32
        %dma_wait3A_684 = tpu.memref_slice %arg4[%add3A_242, %dma_wait3A_683] : memref<102400x128xf32, #tpu.memory_space<hbm>> -> memref<128x128xf32, #tpu.memory_space<hbm>>
        tpu.wait_dma2 semaphore(%run_scoped3A : memref<!tpu.dma_semaphore, #tpu.memory_space<semaphore_mem>>) src(%arg7 : memref<128x128xf32, #tpu.memory_space<vmem>>) dst(%dma_wait3A_684 : memref<128x128xf32, #tpu.memory_space<hbm>>)
        tpu.yield
      }) : () -> ()
      %dma_start3A_243 = arith.constant 16 : i32
      %dma_start3A_244 = arith.constant 0 : i32
      %dma_start3A_245 = tpu.memref_slice %arg5[%dma_start3A_243, %dma_start3A_244] : memref<50x128xi32, #tpu.memory_space<vmem>> -> memref<1x128xi32, #tpu.memory_space<vmem>>
      %dma_start3A_246 = tpu.memref_squeeze %dma_start3A_245 : memref<1x128xi32, #tpu.memory_space<vmem>> -> memref<128xi32, #tpu.memory_space<vmem>>
      %dma_start3A_247 = arith.constant 0 : i32
      %dma_start3A_248 = arith.constant 0 : i32
      %dma_start3A_249 = tpu.memref_slice %arg2[%dma_start3A_247, %dma_start3A_248] : memref<102400x128xf32, #tpu.memory_space<hbm>> -> memref<102400x128xf32, #tpu.memory_space<hbm>>
      tpu.enqueue_indirect_dma source(%dma_start3A_249 : memref<102400x128xf32, #tpu.memory_space<hbm>>) target(%arg7 : memref<128x128xf32, #tpu.memory_space<vmem>>) offsets(%dma_start3A_246 : memref<128xi32, #tpu.memory_space<vmem>>) semaphore(%arg10 : memref<!tpu.dma_semaphore, #tpu.memory_space<semaphore_mem>>)
      %dma_wait3A_250 = arith.constant 14 : i32
      %dma_wait3A_251 = arith.constant 0 : i32
      %dma_wait3A_252 = tpu.memref_slice %arg5[%dma_wait3A_250, %dma_wait3A_251] : memref<50x128xi32, #tpu.memory_space<vmem>> -> memref<1x128xi32, #tpu.memory_space<vmem>>
      %dma_wait3A_253 = tpu.memref_squeeze %dma_wait3A_252 : memref<1x128xi32, #tpu.memory_space<vmem>> -> memref<128xi32, #tpu.memory_space<vmem>>
      %dma_wait3A_254 = arith.constant 0 : i32
      %dma_wait3A_255 = arith.constant 0 : i32
      %dma_wait3A_256 = tpu.memref_slice %arg2[%dma_wait3A_254, %dma_wait3A_255] : memref<102400x128xf32, #tpu.memory_space<hbm>> -> memref<102400x128xf32, #tpu.memory_space<hbm>>
      tpu.wait_indirect_dma semaphore(%arg11 : memref<!tpu.dma_semaphore, #tpu.memory_space<semaphore_mem>>) src(%dma_wait3A_256 : memref<102400x128xf32, #tpu.memory_space<hbm>>) dst(%arg8 : memref<128x128xf32, #tpu.memory_space<vmem>>)
      %add3A_257 = arith.constant 1792 : i32
      %add3A_258 = arith.addi %mul3A_0, %add3A_257 : i32
      "tpu.region"() ({
        %run_scoped3A = tpu.sem_alloc : memref<!tpu.dma_semaphore, #tpu.memory_space<semaphore_mem>>
        %dma_start3A_677 = arith.constant 0 : i32
        %dma_start3A_678 = tpu.memref_slice %arg4[%add3A_258, %dma_start3A_677] : memref<102400x128xf32, #tpu.memory_space<hbm>> -> memref<128x128xf32, #tpu.memory_space<hbm>>
        %dma_start3A_679 = arith.constant 0 : i32
        %dma_start3A_680 = tpu.memref_slice %arg4[%add3A_258, %dma_start3A_679] : memref<102400x128xf32, #tpu.memory_space<hbm>> -> memref<128x128xf32, #tpu.memory_space<hbm>>
        tpu.enqueue_dma source(%arg8 : memref<128x128xf32, #tpu.memory_space<vmem>>) target(%dma_start3A_680 : memref<128x128xf32, #tpu.memory_space<hbm>>) target_semaphore(%run_scoped3A : memref<!tpu.dma_semaphore, #tpu.memory_space<semaphore_mem>>)
        %dma_wait3A_681 = arith.constant 0 : i32
        %dma_wait3A_682 = tpu.memref_slice %arg4[%add3A_258, %dma_wait3A_681] : memref<102400x128xf32, #tpu.memory_space<hbm>> -> memref<128x128xf32, #tpu.memory_space<hbm>>
        %dma_wait3A_683 = arith.constant 0 : i32
        %dma_wait3A_684 = tpu.memref_slice %arg4[%add3A_258, %dma_wait3A_683] : memref<102400x128xf32, #tpu.memory_space<hbm>> -> memref<128x128xf32, #tpu.memory_space<hbm>>
        tpu.wait_dma2 semaphore(%run_scoped3A : memref<!tpu.dma_semaphore, #tpu.memory_space<semaphore_mem>>) src(%arg8 : memref<128x128xf32, #tpu.memory_space<vmem>>) dst(%dma_wait3A_684 : memref<128x128xf32, #tpu.memory_space<hbm>>)
        tpu.yield
      }) : () -> ()
      %dma_start3A_259 = arith.constant 17 : i32
      %dma_start3A_260 = arith.constant 0 : i32
      %dma_start3A_261 = tpu.memref_slice %arg5[%dma_start3A_259, %dma_start3A_260] : memref<50x128xi32, #tpu.memory_space<vmem>> -> memref<1x128xi32, #tpu.memory_space<vmem>>
      %dma_start3A_262 = tpu.memref_squeeze %dma_start3A_261 : memref<1x128xi32, #tpu.memory_space<vmem>> -> memref<128xi32, #tpu.memory_space<vmem>>
      %dma_start3A_263 = arith.constant 0 : i32
      %dma_start3A_264 = arith.constant 0 : i32
      %dma_start3A_265 = tpu.memref_slice %arg2[%dma_start3A_263, %dma_start3A_264] : memref<102400x128xf32, #tpu.memory_space<hbm>> -> memref<102400x128xf32, #tpu.memory_space<hbm>>
      tpu.enqueue_indirect_dma source(%dma_start3A_265 : memref<102400x128xf32, #tpu.memory_space<hbm>>) target(%arg8 : memref<128x128xf32, #tpu.memory_space<vmem>>) offsets(%dma_start3A_262 : memref<128xi32, #tpu.memory_space<vmem>>) semaphore(%arg11 : memref<!tpu.dma_semaphore, #tpu.memory_space<semaphore_mem>>)
      %dma_wait3A_266 = arith.constant 15 : i32
      %dma_wait3A_267 = arith.constant 0 : i32
      %dma_wait3A_268 = tpu.memref_slice %arg5[%dma_wait3A_266, %dma_wait3A_267] : memref<50x128xi32, #tpu.memory_space<vmem>> -> memref<1x128xi32, #tpu.memory_space<vmem>>
      %dma_wait3A_269 = tpu.memref_squeeze %dma_wait3A_268 : memref<1x128xi32, #tpu.memory_space<vmem>> -> memref<128xi32, #tpu.memory_space<vmem>>
      %dma_wait3A_270 = arith.constant 0 : i32
      %dma_wait3A_271 = arith.constant 0 : i32
      %dma_wait3A_272 = tpu.memref_slice %arg2[%dma_wait3A_270, %dma_wait3A_271] : memref<102400x128xf32, #tpu.memory_space<hbm>> -> memref<102400x128xf32, #tpu.memory_space<hbm>>
      tpu.wait_indirect_dma semaphore(%arg9 : memref<!tpu.dma_semaphore, #tpu.memory_space<semaphore_mem>>) src(%dma_wait3A_272 : memref<102400x128xf32, #tpu.memory_space<hbm>>) dst(%arg6 : memref<128x128xf32, #tpu.memory_space<vmem>>)
      %add3A_273 = arith.constant 1920 : i32
      %add3A_274 = arith.addi %mul3A_0, %add3A_273 : i32
      "tpu.region"() ({
        %run_scoped3A = tpu.sem_alloc : memref<!tpu.dma_semaphore, #tpu.memory_space<semaphore_mem>>
        %dma_start3A_677 = arith.constant 0 : i32
        %dma_start3A_678 = tpu.memref_slice %arg4[%add3A_274, %dma_start3A_677] : memref<102400x128xf32, #tpu.memory_space<hbm>> -> memref<128x128xf32, #tpu.memory_space<hbm>>
        %dma_start3A_679 = arith.constant 0 : i32
        %dma_start3A_680 = tpu.memref_slice %arg4[%add3A_274, %dma_start3A_679] : memref<102400x128xf32, #tpu.memory_space<hbm>> -> memref<128x128xf32, #tpu.memory_space<hbm>>
        tpu.enqueue_dma source(%arg6 : memref<128x128xf32, #tpu.memory_space<vmem>>) target(%dma_start3A_680 : memref<128x128xf32, #tpu.memory_space<hbm>>) target_semaphore(%run_scoped3A : memref<!tpu.dma_semaphore, #tpu.memory_space<semaphore_mem>>)
        %dma_wait3A_681 = arith.constant 0 : i32
        %dma_wait3A_682 = tpu.memref_slice %arg4[%add3A_274, %dma_wait3A_681] : memref<102400x128xf32, #tpu.memory_space<hbm>> -> memref<128x128xf32, #tpu.memory_space<hbm>>
        %dma_wait3A_683 = arith.constant 0 : i32
        %dma_wait3A_684 = tpu.memref_slice %arg4[%add3A_274, %dma_wait3A_683] : memref<102400x128xf32, #tpu.memory_space<hbm>> -> memref<128x128xf32, #tpu.memory_space<hbm>>
        tpu.wait_dma2 semaphore(%run_scoped3A : memref<!tpu.dma_semaphore, #tpu.memory_space<semaphore_mem>>) src(%arg6 : memref<128x128xf32, #tpu.memory_space<vmem>>) dst(%dma_wait3A_684 : memref<128x128xf32, #tpu.memory_space<hbm>>)
        tpu.yield
      }) : () -> ()
      %dma_start3A_275 = arith.constant 18 : i32
      %dma_start3A_276 = arith.constant 0 : i32
      %dma_start3A_277 = tpu.memref_slice %arg5[%dma_start3A_275, %dma_start3A_276] : memref<50x128xi32, #tpu.memory_space<vmem>> -> memref<1x128xi32, #tpu.memory_space<vmem>>
      %dma_start3A_278 = tpu.memref_squeeze %dma_start3A_277 : memref<1x128xi32, #tpu.memory_space<vmem>> -> memref<128xi32, #tpu.memory_space<vmem>>
      %dma_start3A_279 = arith.constant 0 : i32
      %dma_start3A_280 = arith.constant 0 : i32
      %dma_start3A_281 = tpu.memref_slice %arg2[%dma_start3A_279, %dma_start3A_280] : memref<102400x128xf32, #tpu.memory_space<hbm>> -> memref<102400x128xf32, #tpu.memory_space<hbm>>
      tpu.enqueue_indirect_dma source(%dma_start3A_281 : memref<102400x128xf32, #tpu.memory_space<hbm>>) target(%arg6 : memref<128x128xf32, #tpu.memory_space<vmem>>) offsets(%dma_start3A_278 : memref<128xi32, #tpu.memory_space<vmem>>) semaphore(%arg9 : memref<!tpu.dma_semaphore, #tpu.memory_space<semaphore_mem>>)
      %dma_wait3A_282 = arith.constant 16 : i32
      %dma_wait3A_283 = arith.constant 0 : i32
      %dma_wait3A_284 = tpu.memref_slice %arg5[%dma_wait3A_282, %dma_wait3A_283] : memref<50x128xi32, #tpu.memory_space<vmem>> -> memref<1x128xi32, #tpu.memory_space<vmem>>
      %dma_wait3A_285 = tpu.memref_squeeze %dma_wait3A_284 : memref<1x128xi32, #tpu.memory_space<vmem>> -> memref<128xi32, #tpu.memory_space<vmem>>
      %dma_wait3A_286 = arith.constant 0 : i32
      %dma_wait3A_287 = arith.constant 0 : i32
      %dma_wait3A_288 = tpu.memref_slice %arg2[%dma_wait3A_286, %dma_wait3A_287] : memref<102400x128xf32, #tpu.memory_space<hbm>> -> memref<102400x128xf32, #tpu.memory_space<hbm>>
      tpu.wait_indirect_dma semaphore(%arg10 : memref<!tpu.dma_semaphore, #tpu.memory_space<semaphore_mem>>) src(%dma_wait3A_288 : memref<102400x128xf32, #tpu.memory_space<hbm>>) dst(%arg7 : memref<128x128xf32, #tpu.memory_space<vmem>>)
      %add3A_289 = arith.constant 2048 : i32
      %add3A_290 = arith.addi %mul3A_0, %add3A_289 : i32
      "tpu.region"() ({
        %run_scoped3A = tpu.sem_alloc : memref<!tpu.dma_semaphore, #tpu.memory_space<semaphore_mem>>
        %dma_start3A_677 = arith.constant 0 : i32
        %dma_start3A_678 = tpu.memref_slice %arg4[%add3A_290, %dma_start3A_677] : memref<102400x128xf32, #tpu.memory_space<hbm>> -> memref<128x128xf32, #tpu.memory_space<hbm>>
        %dma_start3A_679 = arith.constant 0 : i32
        %dma_start3A_680 = tpu.memref_slice %arg4[%add3A_290, %dma_start3A_679] : memref<102400x128xf32, #tpu.memory_space<hbm>> -> memref<128x128xf32, #tpu.memory_space<hbm>>
        tpu.enqueue_dma source(%arg7 : memref<128x128xf32, #tpu.memory_space<vmem>>) target(%dma_start3A_680 : memref<128x128xf32, #tpu.memory_space<hbm>>) target_semaphore(%run_scoped3A : memref<!tpu.dma_semaphore, #tpu.memory_space<semaphore_mem>>)
        %dma_wait3A_681 = arith.constant 0 : i32
        %dma_wait3A_682 = tpu.memref_slice %arg4[%add3A_290, %dma_wait3A_681] : memref<102400x128xf32, #tpu.memory_space<hbm>> -> memref<128x128xf32, #tpu.memory_space<hbm>>
        %dma_wait3A_683 = arith.constant 0 : i32
        %dma_wait3A_684 = tpu.memref_slice %arg4[%add3A_290, %dma_wait3A_683] : memref<102400x128xf32, #tpu.memory_space<hbm>> -> memref<128x128xf32, #tpu.memory_space<hbm>>
        tpu.wait_dma2 semaphore(%run_scoped3A : memref<!tpu.dma_semaphore, #tpu.memory_space<semaphore_mem>>) src(%arg7 : memref<128x128xf32, #tpu.memory_space<vmem>>) dst(%dma_wait3A_684 : memref<128x128xf32, #tpu.memory_space<hbm>>)
        tpu.yield
      }) : () -> ()
      %dma_start3A_291 = arith.constant 19 : i32
      %dma_start3A_292 = arith.constant 0 : i32
      %dma_start3A_293 = tpu.memref_slice %arg5[%dma_start3A_291, %dma_start3A_292] : memref<50x128xi32, #tpu.memory_space<vmem>> -> memref<1x128xi32, #tpu.memory_space<vmem>>
      %dma_start3A_294 = tpu.memref_squeeze %dma_start3A_293 : memref<1x128xi32, #tpu.memory_space<vmem>> -> memref<128xi32, #tpu.memory_space<vmem>>
      %dma_start3A_295 = arith.constant 0 : i32
      %dma_start3A_296 = arith.constant 0 : i32
      %dma_start3A_297 = tpu.memref_slice %arg2[%dma_start3A_295, %dma_start3A_296] : memref<102400x128xf32, #tpu.memory_space<hbm>> -> memref<102400x128xf32, #tpu.memory_space<hbm>>
      tpu.enqueue_indirect_dma source(%dma_start3A_297 : memref<102400x128xf32, #tpu.memory_space<hbm>>) target(%arg7 : memref<128x128xf32, #tpu.memory_space<vmem>>) offsets(%dma_start3A_294 : memref<128xi32, #tpu.memory_space<vmem>>) semaphore(%arg10 : memref<!tpu.dma_semaphore, #tpu.memory_space<semaphore_mem>>)
      %dma_wait3A_298 = arith.constant 17 : i32
      %dma_wait3A_299 = arith.constant 0 : i32
      %dma_wait3A_300 = tpu.memref_slice %arg5[%dma_wait3A_298, %dma_wait3A_299] : memref<50x128xi32, #tpu.memory_space<vmem>> -> memref<1x128xi32, #tpu.memory_space<vmem>>
      %dma_wait3A_301 = tpu.memref_squeeze %dma_wait3A_300 : memref<1x128xi32, #tpu.memory_space<vmem>> -> memref<128xi32, #tpu.memory_space<vmem>>
      %dma_wait3A_302 = arith.constant 0 : i32
      %dma_wait3A_303 = arith.constant 0 : i32
      %dma_wait3A_304 = tpu.memref_slice %arg2[%dma_wait3A_302, %dma_wait3A_303] : memref<102400x128xf32, #tpu.memory_space<hbm>> -> memref<102400x128xf32, #tpu.memory_space<hbm>>
      tpu.wait_indirect_dma semaphore(%arg11 : memref<!tpu.dma_semaphore, #tpu.memory_space<semaphore_mem>>) src(%dma_wait3A_304 : memref<102400x128xf32, #tpu.memory_space<hbm>>) dst(%arg8 : memref<128x128xf32, #tpu.memory_space<vmem>>)
      %add3A_305 = arith.constant 2176 : i32
      %add3A_306 = arith.addi %mul3A_0, %add3A_305 : i32
      "tpu.region"() ({
        %run_scoped3A = tpu.sem_alloc : memref<!tpu.dma_semaphore, #tpu.memory_space<semaphore_mem>>
        %dma_start3A_677 = arith.constant 0 : i32
        %dma_start3A_678 = tpu.memref_slice %arg4[%add3A_306, %dma_start3A_677] : memref<102400x128xf32, #tpu.memory_space<hbm>> -> memref<128x128xf32, #tpu.memory_space<hbm>>
        %dma_start3A_679 = arith.constant 0 : i32
        %dma_start3A_680 = tpu.memref_slice %arg4[%add3A_306, %dma_start3A_679] : memref<102400x128xf32, #tpu.memory_space<hbm>> -> memref<128x128xf32, #tpu.memory_space<hbm>>
        tpu.enqueue_dma source(%arg8 : memref<128x128xf32, #tpu.memory_space<vmem>>) target(%dma_start3A_680 : memref<128x128xf32, #tpu.memory_space<hbm>>) target_semaphore(%run_scoped3A : memref<!tpu.dma_semaphore, #tpu.memory_space<semaphore_mem>>)
        %dma_wait3A_681 = arith.constant 0 : i32
        %dma_wait3A_682 = tpu.memref_slice %arg4[%add3A_306, %dma_wait3A_681] : memref<102400x128xf32, #tpu.memory_space<hbm>> -> memref<128x128xf32, #tpu.memory_space<hbm>>
        %dma_wait3A_683 = arith.constant 0 : i32
        %dma_wait3A_684 = tpu.memref_slice %arg4[%add3A_306, %dma_wait3A_683] : memref<102400x128xf32, #tpu.memory_space<hbm>> -> memref<128x128xf32, #tpu.memory_space<hbm>>
        tpu.wait_dma2 semaphore(%run_scoped3A : memref<!tpu.dma_semaphore, #tpu.memory_space<semaphore_mem>>) src(%arg8 : memref<128x128xf32, #tpu.memory_space<vmem>>) dst(%dma_wait3A_684 : memref<128x128xf32, #tpu.memory_space<hbm>>)
        tpu.yield
      }) : () -> ()
      %dma_start3A_307 = arith.constant 20 : i32
      %dma_start3A_308 = arith.constant 0 : i32
      %dma_start3A_309 = tpu.memref_slice %arg5[%dma_start3A_307, %dma_start3A_308] : memref<50x128xi32, #tpu.memory_space<vmem>> -> memref<1x128xi32, #tpu.memory_space<vmem>>
      %dma_start3A_310 = tpu.memref_squeeze %dma_start3A_309 : memref<1x128xi32, #tpu.memory_space<vmem>> -> memref<128xi32, #tpu.memory_space<vmem>>
      %dma_start3A_311 = arith.constant 0 : i32
      %dma_start3A_312 = arith.constant 0 : i32
      %dma_start3A_313 = tpu.memref_slice %arg2[%dma_start3A_311, %dma_start3A_312] : memref<102400x128xf32, #tpu.memory_space<hbm>> -> memref<102400x128xf32, #tpu.memory_space<hbm>>
      tpu.enqueue_indirect_dma source(%dma_start3A_313 : memref<102400x128xf32, #tpu.memory_space<hbm>>) target(%arg8 : memref<128x128xf32, #tpu.memory_space<vmem>>) offsets(%dma_start3A_310 : memref<128xi32, #tpu.memory_space<vmem>>) semaphore(%arg11 : memref<!tpu.dma_semaphore, #tpu.memory_space<semaphore_mem>>)
      %dma_wait3A_314 = arith.constant 18 : i32
      %dma_wait3A_315 = arith.constant 0 : i32
      %dma_wait3A_316 = tpu.memref_slice %arg5[%dma_wait3A_314, %dma_wait3A_315] : memref<50x128xi32, #tpu.memory_space<vmem>> -> memref<1x128xi32, #tpu.memory_space<vmem>>
      %dma_wait3A_317 = tpu.memref_squeeze %dma_wait3A_316 : memref<1x128xi32, #tpu.memory_space<vmem>> -> memref<128xi32, #tpu.memory_space<vmem>>
      %dma_wait3A_318 = arith.constant 0 : i32
      %dma_wait3A_319 = arith.constant 0 : i32
      %dma_wait3A_320 = tpu.memref_slice %arg2[%dma_wait3A_318, %dma_wait3A_319] : memref<102400x128xf32, #tpu.memory_space<hbm>> -> memref<102400x128xf32, #tpu.memory_space<hbm>>
      tpu.wait_indirect_dma semaphore(%arg9 : memref<!tpu.dma_semaphore, #tpu.memory_space<semaphore_mem>>) src(%dma_wait3A_320 : memref<102400x128xf32, #tpu.memory_space<hbm>>) dst(%arg6 : memref<128x128xf32, #tpu.memory_space<vmem>>)
      %add3A_321 = arith.constant 2304 : i32
      %add3A_322 = arith.addi %mul3A_0, %add3A_321 : i32
      "tpu.region"() ({
        %run_scoped3A = tpu.sem_alloc : memref<!tpu.dma_semaphore, #tpu.memory_space<semaphore_mem>>
        %dma_start3A_677 = arith.constant 0 : i32
        %dma_start3A_678 = tpu.memref_slice %arg4[%add3A_322, %dma_start3A_677] : memref<102400x128xf32, #tpu.memory_space<hbm>> -> memref<128x128xf32, #tpu.memory_space<hbm>>
        %dma_start3A_679 = arith.constant 0 : i32
        %dma_start3A_680 = tpu.memref_slice %arg4[%add3A_322, %dma_start3A_679] : memref<102400x128xf32, #tpu.memory_space<hbm>> -> memref<128x128xf32, #tpu.memory_space<hbm>>
        tpu.enqueue_dma source(%arg6 : memref<128x128xf32, #tpu.memory_space<vmem>>) target(%dma_start3A_680 : memref<128x128xf32, #tpu.memory_space<hbm>>) target_semaphore(%run_scoped3A : memref<!tpu.dma_semaphore, #tpu.memory_space<semaphore_mem>>)
        %dma_wait3A_681 = arith.constant 0 : i32
        %dma_wait3A_682 = tpu.memref_slice %arg4[%add3A_322, %dma_wait3A_681] : memref<102400x128xf32, #tpu.memory_space<hbm>> -> memref<128x128xf32, #tpu.memory_space<hbm>>
        %dma_wait3A_683 = arith.constant 0 : i32
        %dma_wait3A_684 = tpu.memref_slice %arg4[%add3A_322, %dma_wait3A_683] : memref<102400x128xf32, #tpu.memory_space<hbm>> -> memref<128x128xf32, #tpu.memory_space<hbm>>
        tpu.wait_dma2 semaphore(%run_scoped3A : memref<!tpu.dma_semaphore, #tpu.memory_space<semaphore_mem>>) src(%arg6 : memref<128x128xf32, #tpu.memory_space<vmem>>) dst(%dma_wait3A_684 : memref<128x128xf32, #tpu.memory_space<hbm>>)
        tpu.yield
      }) : () -> ()
      %dma_start3A_323 = arith.constant 21 : i32
      %dma_start3A_324 = arith.constant 0 : i32
      %dma_start3A_325 = tpu.memref_slice %arg5[%dma_start3A_323, %dma_start3A_324] : memref<50x128xi32, #tpu.memory_space<vmem>> -> memref<1x128xi32, #tpu.memory_space<vmem>>
      %dma_start3A_326 = tpu.memref_squeeze %dma_start3A_325 : memref<1x128xi32, #tpu.memory_space<vmem>> -> memref<128xi32, #tpu.memory_space<vmem>>
      %dma_start3A_327 = arith.constant 0 : i32
      %dma_start3A_328 = arith.constant 0 : i32
      %dma_start3A_329 = tpu.memref_slice %arg2[%dma_start3A_327, %dma_start3A_328] : memref<102400x128xf32, #tpu.memory_space<hbm>> -> memref<102400x128xf32, #tpu.memory_space<hbm>>
      tpu.enqueue_indirect_dma source(%dma_start3A_329 : memref<102400x128xf32, #tpu.memory_space<hbm>>) target(%arg6 : memref<128x128xf32, #tpu.memory_space<vmem>>) offsets(%dma_start3A_326 : memref<128xi32, #tpu.memory_space<vmem>>) semaphore(%arg9 : memref<!tpu.dma_semaphore, #tpu.memory_space<semaphore_mem>>)
      %dma_wait3A_330 = arith.constant 19 : i32
      %dma_wait3A_331 = arith.constant 0 : i32
      %dma_wait3A_332 = tpu.memref_slice %arg5[%dma_wait3A_330, %dma_wait3A_331] : memref<50x128xi32, #tpu.memory_space<vmem>> -> memref<1x128xi32, #tpu.memory_space<vmem>>
      %dma_wait3A_333 = tpu.memref_squeeze %dma_wait3A_332 : memref<1x128xi32, #tpu.memory_space<vmem>> -> memref<128xi32, #tpu.memory_space<vmem>>
      %dma_wait3A_334 = arith.constant 0 : i32
      %dma_wait3A_335 = arith.constant 0 : i32
      %dma_wait3A_336 = tpu.memref_slice %arg2[%dma_wait3A_334, %dma_wait3A_335] : memref<102400x128xf32, #tpu.memory_space<hbm>> -> memref<102400x128xf32, #tpu.memory_space<hbm>>
      tpu.wait_indirect_dma semaphore(%arg10 : memref<!tpu.dma_semaphore, #tpu.memory_space<semaphore_mem>>) src(%dma_wait3A_336 : memref<102400x128xf32, #tpu.memory_space<hbm>>) dst(%arg7 : memref<128x128xf32, #tpu.memory_space<vmem>>)
      %add3A_337 = arith.constant 2432 : i32
      %add3A_338 = arith.addi %mul3A_0, %add3A_337 : i32
      "tpu.region"() ({
        %run_scoped3A = tpu.sem_alloc : memref<!tpu.dma_semaphore, #tpu.memory_space<semaphore_mem>>
        %dma_start3A_677 = arith.constant 0 : i32
        %dma_start3A_678 = tpu.memref_slice %arg4[%add3A_338, %dma_start3A_677] : memref<102400x128xf32, #tpu.memory_space<hbm>> -> memref<128x128xf32, #tpu.memory_space<hbm>>
        %dma_start3A_679 = arith.constant 0 : i32
        %dma_start3A_680 = tpu.memref_slice %arg4[%add3A_338, %dma_start3A_679] : memref<102400x128xf32, #tpu.memory_space<hbm>> -> memref<128x128xf32, #tpu.memory_space<hbm>>
        tpu.enqueue_dma source(%arg7 : memref<128x128xf32, #tpu.memory_space<vmem>>) target(%dma_start3A_680 : memref<128x128xf32, #tpu.memory_space<hbm>>) target_semaphore(%run_scoped3A : memref<!tpu.dma_semaphore, #tpu.memory_space<semaphore_mem>>)
        %dma_wait3A_681 = arith.constant 0 : i32
        %dma_wait3A_682 = tpu.memref_slice %arg4[%add3A_338, %dma_wait3A_681] : memref<102400x128xf32, #tpu.memory_space<hbm>> -> memref<128x128xf32, #tpu.memory_space<hbm>>
        %dma_wait3A_683 = arith.constant 0 : i32
        %dma_wait3A_684 = tpu.memref_slice %arg4[%add3A_338, %dma_wait3A_683] : memref<102400x128xf32, #tpu.memory_space<hbm>> -> memref<128x128xf32, #tpu.memory_space<hbm>>
        tpu.wait_dma2 semaphore(%run_scoped3A : memref<!tpu.dma_semaphore, #tpu.memory_space<semaphore_mem>>) src(%arg7 : memref<128x128xf32, #tpu.memory_space<vmem>>) dst(%dma_wait3A_684 : memref<128x128xf32, #tpu.memory_space<hbm>>)
        tpu.yield
      }) : () -> ()
      %dma_start3A_339 = arith.constant 22 : i32
      %dma_start3A_340 = arith.constant 0 : i32
      %dma_start3A_341 = tpu.memref_slice %arg5[%dma_start3A_339, %dma_start3A_340] : memref<50x128xi32, #tpu.memory_space<vmem>> -> memref<1x128xi32, #tpu.memory_space<vmem>>
      %dma_start3A_342 = tpu.memref_squeeze %dma_start3A_341 : memref<1x128xi32, #tpu.memory_space<vmem>> -> memref<128xi32, #tpu.memory_space<vmem>>
      %dma_start3A_343 = arith.constant 0 : i32
      %dma_start3A_344 = arith.constant 0 : i32
      %dma_start3A_345 = tpu.memref_slice %arg2[%dma_start3A_343, %dma_start3A_344] : memref<102400x128xf32, #tpu.memory_space<hbm>> -> memref<102400x128xf32, #tpu.memory_space<hbm>>
      tpu.enqueue_indirect_dma source(%dma_start3A_345 : memref<102400x128xf32, #tpu.memory_space<hbm>>) target(%arg7 : memref<128x128xf32, #tpu.memory_space<vmem>>) offsets(%dma_start3A_342 : memref<128xi32, #tpu.memory_space<vmem>>) semaphore(%arg10 : memref<!tpu.dma_semaphore, #tpu.memory_space<semaphore_mem>>)
      %dma_wait3A_346 = arith.constant 20 : i32
      %dma_wait3A_347 = arith.constant 0 : i32
      %dma_wait3A_348 = tpu.memref_slice %arg5[%dma_wait3A_346, %dma_wait3A_347] : memref<50x128xi32, #tpu.memory_space<vmem>> -> memref<1x128xi32, #tpu.memory_space<vmem>>
      %dma_wait3A_349 = tpu.memref_squeeze %dma_wait3A_348 : memref<1x128xi32, #tpu.memory_space<vmem>> -> memref<128xi32, #tpu.memory_space<vmem>>
      %dma_wait3A_350 = arith.constant 0 : i32
      %dma_wait3A_351 = arith.constant 0 : i32
      %dma_wait3A_352 = tpu.memref_slice %arg2[%dma_wait3A_350, %dma_wait3A_351] : memref<102400x128xf32, #tpu.memory_space<hbm>> -> memref<102400x128xf32, #tpu.memory_space<hbm>>
      tpu.wait_indirect_dma semaphore(%arg11 : memref<!tpu.dma_semaphore, #tpu.memory_space<semaphore_mem>>) src(%dma_wait3A_352 : memref<102400x128xf32, #tpu.memory_space<hbm>>) dst(%arg8 : memref<128x128xf32, #tpu.memory_space<vmem>>)
      %add3A_353 = arith.constant 2560 : i32
      %add3A_354 = arith.addi %mul3A_0, %add3A_353 : i32
      "tpu.region"() ({
        %run_scoped3A = tpu.sem_alloc : memref<!tpu.dma_semaphore, #tpu.memory_space<semaphore_mem>>
        %dma_start3A_677 = arith.constant 0 : i32
        %dma_start3A_678 = tpu.memref_slice %arg4[%add3A_354, %dma_start3A_677] : memref<102400x128xf32, #tpu.memory_space<hbm>> -> memref<128x128xf32, #tpu.memory_space<hbm>>
        %dma_start3A_679 = arith.constant 0 : i32
        %dma_start3A_680 = tpu.memref_slice %arg4[%add3A_354, %dma_start3A_679] : memref<102400x128xf32, #tpu.memory_space<hbm>> -> memref<128x128xf32, #tpu.memory_space<hbm>>
        tpu.enqueue_dma source(%arg8 : memref<128x128xf32, #tpu.memory_space<vmem>>) target(%dma_start3A_680 : memref<128x128xf32, #tpu.memory_space<hbm>>) target_semaphore(%run_scoped3A : memref<!tpu.dma_semaphore, #tpu.memory_space<semaphore_mem>>)
        %dma_wait3A_681 = arith.constant 0 : i32
        %dma_wait3A_682 = tpu.memref_slice %arg4[%add3A_354, %dma_wait3A_681] : memref<102400x128xf32, #tpu.memory_space<hbm>> -> memref<128x128xf32, #tpu.memory_space<hbm>>
        %dma_wait3A_683 = arith.constant 0 : i32
        %dma_wait3A_684 = tpu.memref_slice %arg4[%add3A_354, %dma_wait3A_683] : memref<102400x128xf32, #tpu.memory_space<hbm>> -> memref<128x128xf32, #tpu.memory_space<hbm>>
        tpu.wait_dma2 semaphore(%run_scoped3A : memref<!tpu.dma_semaphore, #tpu.memory_space<semaphore_mem>>) src(%arg8 : memref<128x128xf32, #tpu.memory_space<vmem>>) dst(%dma_wait3A_684 : memref<128x128xf32, #tpu.memory_space<hbm>>)
        tpu.yield
      }) : () -> ()
      %dma_start3A_355 = arith.constant 23 : i32
      %dma_start3A_356 = arith.constant 0 : i32
      %dma_start3A_357 = tpu.memref_slice %arg5[%dma_start3A_355, %dma_start3A_356] : memref<50x128xi32, #tpu.memory_space<vmem>> -> memref<1x128xi32, #tpu.memory_space<vmem>>
      %dma_start3A_358 = tpu.memref_squeeze %dma_start3A_357 : memref<1x128xi32, #tpu.memory_space<vmem>> -> memref<128xi32, #tpu.memory_space<vmem>>
      %dma_start3A_359 = arith.constant 0 : i32
      %dma_start3A_360 = arith.constant 0 : i32
      %dma_start3A_361 = tpu.memref_slice %arg2[%dma_start3A_359, %dma_start3A_360] : memref<102400x128xf32, #tpu.memory_space<hbm>> -> memref<102400x128xf32, #tpu.memory_space<hbm>>
      tpu.enqueue_indirect_dma source(%dma_start3A_361 : memref<102400x128xf32, #tpu.memory_space<hbm>>) target(%arg8 : memref<128x128xf32, #tpu.memory_space<vmem>>) offsets(%dma_start3A_358 : memref<128xi32, #tpu.memory_space<vmem>>) semaphore(%arg11 : memref<!tpu.dma_semaphore, #tpu.memory_space<semaphore_mem>>)
      %dma_wait3A_362 = arith.constant 21 : i32
      %dma_wait3A_363 = arith.constant 0 : i32
      %dma_wait3A_364 = tpu.memref_slice %arg5[%dma_wait3A_362, %dma_wait3A_363] : memref<50x128xi32, #tpu.memory_space<vmem>> -> memref<1x128xi32, #tpu.memory_space<vmem>>
      %dma_wait3A_365 = tpu.memref_squeeze %dma_wait3A_364 : memref<1x128xi32, #tpu.memory_space<vmem>> -> memref<128xi32, #tpu.memory_space<vmem>>
      %dma_wait3A_366 = arith.constant 0 : i32
      %dma_wait3A_367 = arith.constant 0 : i32
      %dma_wait3A_368 = tpu.memref_slice %arg2[%dma_wait3A_366, %dma_wait3A_367] : memref<102400x128xf32, #tpu.memory_space<hbm>> -> memref<102400x128xf32, #tpu.memory_space<hbm>>
      tpu.wait_indirect_dma semaphore(%arg9 : memref<!tpu.dma_semaphore, #tpu.memory_space<semaphore_mem>>) src(%dma_wait3A_368 : memref<102400x128xf32, #tpu.memory_space<hbm>>) dst(%arg6 : memref<128x128xf32, #tpu.memory_space<vmem>>)
      %add3A_369 = arith.constant 2688 : i32
      %add3A_370 = arith.addi %mul3A_0, %add3A_369 : i32
      "tpu.region"() ({
        %run_scoped3A = tpu.sem_alloc : memref<!tpu.dma_semaphore, #tpu.memory_space<semaphore_mem>>
        %dma_start3A_677 = arith.constant 0 : i32
        %dma_start3A_678 = tpu.memref_slice %arg4[%add3A_370, %dma_start3A_677] : memref<102400x128xf32, #tpu.memory_space<hbm>> -> memref<128x128xf32, #tpu.memory_space<hbm>>
        %dma_start3A_679 = arith.constant 0 : i32
        %dma_start3A_680 = tpu.memref_slice %arg4[%add3A_370, %dma_start3A_679] : memref<102400x128xf32, #tpu.memory_space<hbm>> -> memref<128x128xf32, #tpu.memory_space<hbm>>
        tpu.enqueue_dma source(%arg6 : memref<128x128xf32, #tpu.memory_space<vmem>>) target(%dma_start3A_680 : memref<128x128xf32, #tpu.memory_space<hbm>>) target_semaphore(%run_scoped3A : memref<!tpu.dma_semaphore, #tpu.memory_space<semaphore_mem>>)
        %dma_wait3A_681 = arith.constant 0 : i32
        %dma_wait3A_682 = tpu.memref_slice %arg4[%add3A_370, %dma_wait3A_681] : memref<102400x128xf32, #tpu.memory_space<hbm>> -> memref<128x128xf32, #tpu.memory_space<hbm>>
        %dma_wait3A_683 = arith.constant 0 : i32
        %dma_wait3A_684 = tpu.memref_slice %arg4[%add3A_370, %dma_wait3A_683] : memref<102400x128xf32, #tpu.memory_space<hbm>> -> memref<128x128xf32, #tpu.memory_space<hbm>>
        tpu.wait_dma2 semaphore(%run_scoped3A : memref<!tpu.dma_semaphore, #tpu.memory_space<semaphore_mem>>) src(%arg6 : memref<128x128xf32, #tpu.memory_space<vmem>>) dst(%dma_wait3A_684 : memref<128x128xf32, #tpu.memory_space<hbm>>)
        tpu.yield
      }) : () -> ()
      %dma_start3A_371 = arith.constant 24 : i32
      %dma_start3A_372 = arith.constant 0 : i32
      %dma_start3A_373 = tpu.memref_slice %arg5[%dma_start3A_371, %dma_start3A_372] : memref<50x128xi32, #tpu.memory_space<vmem>> -> memref<1x128xi32, #tpu.memory_space<vmem>>
      %dma_start3A_374 = tpu.memref_squeeze %dma_start3A_373 : memref<1x128xi32, #tpu.memory_space<vmem>> -> memref<128xi32, #tpu.memory_space<vmem>>
      %dma_start3A_375 = arith.constant 0 : i32
      %dma_start3A_376 = arith.constant 0 : i32
      %dma_start3A_377 = tpu.memref_slice %arg2[%dma_start3A_375, %dma_start3A_376] : memref<102400x128xf32, #tpu.memory_space<hbm>> -> memref<102400x128xf32, #tpu.memory_space<hbm>>
      tpu.enqueue_indirect_dma source(%dma_start3A_377 : memref<102400x128xf32, #tpu.memory_space<hbm>>) target(%arg6 : memref<128x128xf32, #tpu.memory_space<vmem>>) offsets(%dma_start3A_374 : memref<128xi32, #tpu.memory_space<vmem>>) semaphore(%arg9 : memref<!tpu.dma_semaphore, #tpu.memory_space<semaphore_mem>>)
      %dma_wait3A_378 = arith.constant 22 : i32
      %dma_wait3A_379 = arith.constant 0 : i32
      %dma_wait3A_380 = tpu.memref_slice %arg5[%dma_wait3A_378, %dma_wait3A_379] : memref<50x128xi32, #tpu.memory_space<vmem>> -> memref<1x128xi32, #tpu.memory_space<vmem>>
      %dma_wait3A_381 = tpu.memref_squeeze %dma_wait3A_380 : memref<1x128xi32, #tpu.memory_space<vmem>> -> memref<128xi32, #tpu.memory_space<vmem>>
      %dma_wait3A_382 = arith.constant 0 : i32
      %dma_wait3A_383 = arith.constant 0 : i32
      %dma_wait3A_384 = tpu.memref_slice %arg2[%dma_wait3A_382, %dma_wait3A_383] : memref<102400x128xf32, #tpu.memory_space<hbm>> -> memref<102400x128xf32, #tpu.memory_space<hbm>>
      tpu.wait_indirect_dma semaphore(%arg10 : memref<!tpu.dma_semaphore, #tpu.memory_space<semaphore_mem>>) src(%dma_wait3A_384 : memref<102400x128xf32, #tpu.memory_space<hbm>>) dst(%arg7 : memref<128x128xf32, #tpu.memory_space<vmem>>)
      %add3A_385 = arith.constant 2816 : i32
      %add3A_386 = arith.addi %mul3A_0, %add3A_385 : i32
      "tpu.region"() ({
        %run_scoped3A = tpu.sem_alloc : memref<!tpu.dma_semaphore, #tpu.memory_space<semaphore_mem>>
        %dma_start3A_677 = arith.constant 0 : i32
        %dma_start3A_678 = tpu.memref_slice %arg4[%add3A_386, %dma_start3A_677] : memref<102400x128xf32, #tpu.memory_space<hbm>> -> memref<128x128xf32, #tpu.memory_space<hbm>>
        %dma_start3A_679 = arith.constant 0 : i32
        %dma_start3A_680 = tpu.memref_slice %arg4[%add3A_386, %dma_start3A_679] : memref<102400x128xf32, #tpu.memory_space<hbm>> -> memref<128x128xf32, #tpu.memory_space<hbm>>
        tpu.enqueue_dma source(%arg7 : memref<128x128xf32, #tpu.memory_space<vmem>>) target(%dma_start3A_680 : memref<128x128xf32, #tpu.memory_space<hbm>>) target_semaphore(%run_scoped3A : memref<!tpu.dma_semaphore, #tpu.memory_space<semaphore_mem>>)
        %dma_wait3A_681 = arith.constant 0 : i32
        %dma_wait3A_682 = tpu.memref_slice %arg4[%add3A_386, %dma_wait3A_681] : memref<102400x128xf32, #tpu.memory_space<hbm>> -> memref<128x128xf32, #tpu.memory_space<hbm>>
        %dma_wait3A_683 = arith.constant 0 : i32
        %dma_wait3A_684 = tpu.memref_slice %arg4[%add3A_386, %dma_wait3A_683] : memref<102400x128xf32, #tpu.memory_space<hbm>> -> memref<128x128xf32, #tpu.memory_space<hbm>>
        tpu.wait_dma2 semaphore(%run_scoped3A : memref<!tpu.dma_semaphore, #tpu.memory_space<semaphore_mem>>) src(%arg7 : memref<128x128xf32, #tpu.memory_space<vmem>>) dst(%dma_wait3A_684 : memref<128x128xf32, #tpu.memory_space<hbm>>)
        tpu.yield
      }) : () -> ()
      %dma_start3A_387 = arith.constant 25 : i32
      %dma_start3A_388 = arith.constant 0 : i32
      %dma_start3A_389 = tpu.memref_slice %arg5[%dma_start3A_387, %dma_start3A_388] : memref<50x128xi32, #tpu.memory_space<vmem>> -> memref<1x128xi32, #tpu.memory_space<vmem>>
      %dma_start3A_390 = tpu.memref_squeeze %dma_start3A_389 : memref<1x128xi32, #tpu.memory_space<vmem>> -> memref<128xi32, #tpu.memory_space<vmem>>
      %dma_start3A_391 = arith.constant 0 : i32
      %dma_start3A_392 = arith.constant 0 : i32
      %dma_start3A_393 = tpu.memref_slice %arg2[%dma_start3A_391, %dma_start3A_392] : memref<102400x128xf32, #tpu.memory_space<hbm>> -> memref<102400x128xf32, #tpu.memory_space<hbm>>
      tpu.enqueue_indirect_dma source(%dma_start3A_393 : memref<102400x128xf32, #tpu.memory_space<hbm>>) target(%arg7 : memref<128x128xf32, #tpu.memory_space<vmem>>) offsets(%dma_start3A_390 : memref<128xi32, #tpu.memory_space<vmem>>) semaphore(%arg10 : memref<!tpu.dma_semaphore, #tpu.memory_space<semaphore_mem>>)
      %dma_wait3A_394 = arith.constant 23 : i32
      %dma_wait3A_395 = arith.constant 0 : i32
      %dma_wait3A_396 = tpu.memref_slice %arg5[%dma_wait3A_394, %dma_wait3A_395] : memref<50x128xi32, #tpu.memory_space<vmem>> -> memref<1x128xi32, #tpu.memory_space<vmem>>
      %dma_wait3A_397 = tpu.memref_squeeze %dma_wait3A_396 : memref<1x128xi32, #tpu.memory_space<vmem>> -> memref<128xi32, #tpu.memory_space<vmem>>
      %dma_wait3A_398 = arith.constant 0 : i32
      %dma_wait3A_399 = arith.constant 0 : i32
      %dma_wait3A_400 = tpu.memref_slice %arg2[%dma_wait3A_398, %dma_wait3A_399] : memref<102400x128xf32, #tpu.memory_space<hbm>> -> memref<102400x128xf32, #tpu.memory_space<hbm>>
      tpu.wait_indirect_dma semaphore(%arg11 : memref<!tpu.dma_semaphore, #tpu.memory_space<semaphore_mem>>) src(%dma_wait3A_400 : memref<102400x128xf32, #tpu.memory_space<hbm>>) dst(%arg8 : memref<128x128xf32, #tpu.memory_space<vmem>>)
      %add3A_401 = arith.constant 2944 : i32
      %add3A_402 = arith.addi %mul3A_0, %add3A_401 : i32
      "tpu.region"() ({
        %run_scoped3A = tpu.sem_alloc : memref<!tpu.dma_semaphore, #tpu.memory_space<semaphore_mem>>
        %dma_start3A_677 = arith.constant 0 : i32
        %dma_start3A_678 = tpu.memref_slice %arg4[%add3A_402, %dma_start3A_677] : memref<102400x128xf32, #tpu.memory_space<hbm>> -> memref<128x128xf32, #tpu.memory_space<hbm>>
        %dma_start3A_679 = arith.constant 0 : i32
        %dma_start3A_680 = tpu.memref_slice %arg4[%add3A_402, %dma_start3A_679] : memref<102400x128xf32, #tpu.memory_space<hbm>> -> memref<128x128xf32, #tpu.memory_space<hbm>>
        tpu.enqueue_dma source(%arg8 : memref<128x128xf32, #tpu.memory_space<vmem>>) target(%dma_start3A_680 : memref<128x128xf32, #tpu.memory_space<hbm>>) target_semaphore(%run_scoped3A : memref<!tpu.dma_semaphore, #tpu.memory_space<semaphore_mem>>)
        %dma_wait3A_681 = arith.constant 0 : i32
        %dma_wait3A_682 = tpu.memref_slice %arg4[%add3A_402, %dma_wait3A_681] : memref<102400x128xf32, #tpu.memory_space<hbm>> -> memref<128x128xf32, #tpu.memory_space<hbm>>
        %dma_wait3A_683 = arith.constant 0 : i32
        %dma_wait3A_684 = tpu.memref_slice %arg4[%add3A_402, %dma_wait3A_683] : memref<102400x128xf32, #tpu.memory_space<hbm>> -> memref<128x128xf32, #tpu.memory_space<hbm>>
        tpu.wait_dma2 semaphore(%run_scoped3A : memref<!tpu.dma_semaphore, #tpu.memory_space<semaphore_mem>>) src(%arg8 : memref<128x128xf32, #tpu.memory_space<vmem>>) dst(%dma_wait3A_684 : memref<128x128xf32, #tpu.memory_space<hbm>>)
        tpu.yield
      }) : () -> ()
      %dma_start3A_403 = arith.constant 26 : i32
      %dma_start3A_404 = arith.constant 0 : i32
      %dma_start3A_405 = tpu.memref_slice %arg5[%dma_start3A_403, %dma_start3A_404] : memref<50x128xi32, #tpu.memory_space<vmem>> -> memref<1x128xi32, #tpu.memory_space<vmem>>
      %dma_start3A_406 = tpu.memref_squeeze %dma_start3A_405 : memref<1x128xi32, #tpu.memory_space<vmem>> -> memref<128xi32, #tpu.memory_space<vmem>>
      %dma_start3A_407 = arith.constant 0 : i32
      %dma_start3A_408 = arith.constant 0 : i32
      %dma_start3A_409 = tpu.memref_slice %arg2[%dma_start3A_407, %dma_start3A_408] : memref<102400x128xf32, #tpu.memory_space<hbm>> -> memref<102400x128xf32, #tpu.memory_space<hbm>>
      tpu.enqueue_indirect_dma source(%dma_start3A_409 : memref<102400x128xf32, #tpu.memory_space<hbm>>) target(%arg8 : memref<128x128xf32, #tpu.memory_space<vmem>>) offsets(%dma_start3A_406 : memref<128xi32, #tpu.memory_space<vmem>>) semaphore(%arg11 : memref<!tpu.dma_semaphore, #tpu.memory_space<semaphore_mem>>)
      %dma_wait3A_410 = arith.constant 24 : i32
      %dma_wait3A_411 = arith.constant 0 : i32
      %dma_wait3A_412 = tpu.memref_slice %arg5[%dma_wait3A_410, %dma_wait3A_411] : memref<50x128xi32, #tpu.memory_space<vmem>> -> memref<1x128xi32, #tpu.memory_space<vmem>>
      %dma_wait3A_413 = tpu.memref_squeeze %dma_wait3A_412 : memref<1x128xi32, #tpu.memory_space<vmem>> -> memref<128xi32, #tpu.memory_space<vmem>>
      %dma_wait3A_414 = arith.constant 0 : i32
      %dma_wait3A_415 = arith.constant 0 : i32
      %dma_wait3A_416 = tpu.memref_slice %arg2[%dma_wait3A_414, %dma_wait3A_415] : memref<102400x128xf32, #tpu.memory_space<hbm>> -> memref<102400x128xf32, #tpu.memory_space<hbm>>
      tpu.wait_indirect_dma semaphore(%arg9 : memref<!tpu.dma_semaphore, #tpu.memory_space<semaphore_mem>>) src(%dma_wait3A_416 : memref<102400x128xf32, #tpu.memory_space<hbm>>) dst(%arg6 : memref<128x128xf32, #tpu.memory_space<vmem>>)
      %add3A_417 = arith.constant 3072 : i32
      %add3A_418 = arith.addi %mul3A_0, %add3A_417 : i32
      "tpu.region"() ({
        %run_scoped3A = tpu.sem_alloc : memref<!tpu.dma_semaphore, #tpu.memory_space<semaphore_mem>>
        %dma_start3A_677 = arith.constant 0 : i32
        %dma_start3A_678 = tpu.memref_slice %arg4[%add3A_418, %dma_start3A_677] : memref<102400x128xf32, #tpu.memory_space<hbm>> -> memref<128x128xf32, #tpu.memory_space<hbm>>
        %dma_start3A_679 = arith.constant 0 : i32
        %dma_start3A_680 = tpu.memref_slice %arg4[%add3A_418, %dma_start3A_679] : memref<102400x128xf32, #tpu.memory_space<hbm>> -> memref<128x128xf32, #tpu.memory_space<hbm>>
        tpu.enqueue_dma source(%arg6 : memref<128x128xf32, #tpu.memory_space<vmem>>) target(%dma_start3A_680 : memref<128x128xf32, #tpu.memory_space<hbm>>) target_semaphore(%run_scoped3A : memref<!tpu.dma_semaphore, #tpu.memory_space<semaphore_mem>>)
        %dma_wait3A_681 = arith.constant 0 : i32
        %dma_wait3A_682 = tpu.memref_slice %arg4[%add3A_418, %dma_wait3A_681] : memref<102400x128xf32, #tpu.memory_space<hbm>> -> memref<128x128xf32, #tpu.memory_space<hbm>>
        %dma_wait3A_683 = arith.constant 0 : i32
        %dma_wait3A_684 = tpu.memref_slice %arg4[%add3A_418, %dma_wait3A_683] : memref<102400x128xf32, #tpu.memory_space<hbm>> -> memref<128x128xf32, #tpu.memory_space<hbm>>
        tpu.wait_dma2 semaphore(%run_scoped3A : memref<!tpu.dma_semaphore, #tpu.memory_space<semaphore_mem>>) src(%arg6 : memref<128x128xf32, #tpu.memory_space<vmem>>) dst(%dma_wait3A_684 : memref<128x128xf32, #tpu.memory_space<hbm>>)
        tpu.yield
      }) : () -> ()
      %dma_start3A_419 = arith.constant 27 : i32
      %dma_start3A_420 = arith.constant 0 : i32
      %dma_start3A_421 = tpu.memref_slice %arg5[%dma_start3A_419, %dma_start3A_420] : memref<50x128xi32, #tpu.memory_space<vmem>> -> memref<1x128xi32, #tpu.memory_space<vmem>>
      %dma_start3A_422 = tpu.memref_squeeze %dma_start3A_421 : memref<1x128xi32, #tpu.memory_space<vmem>> -> memref<128xi32, #tpu.memory_space<vmem>>
      %dma_start3A_423 = arith.constant 0 : i32
      %dma_start3A_424 = arith.constant 0 : i32
      %dma_start3A_425 = tpu.memref_slice %arg2[%dma_start3A_423, %dma_start3A_424] : memref<102400x128xf32, #tpu.memory_space<hbm>> -> memref<102400x128xf32, #tpu.memory_space<hbm>>
      tpu.enqueue_indirect_dma source(%dma_start3A_425 : memref<102400x128xf32, #tpu.memory_space<hbm>>) target(%arg6 : memref<128x128xf32, #tpu.memory_space<vmem>>) offsets(%dma_start3A_422 : memref<128xi32, #tpu.memory_space<vmem>>) semaphore(%arg9 : memref<!tpu.dma_semaphore, #tpu.memory_space<semaphore_mem>>)
      %dma_wait3A_426 = arith.constant 25 : i32
      %dma_wait3A_427 = arith.constant 0 : i32
      %dma_wait3A_428 = tpu.memref_slice %arg5[%dma_wait3A_426, %dma_wait3A_427] : memref<50x128xi32, #tpu.memory_space<vmem>> -> memref<1x128xi32, #tpu.memory_space<vmem>>
      %dma_wait3A_429 = tpu.memref_squeeze %dma_wait3A_428 : memref<1x128xi32, #tpu.memory_space<vmem>> -> memref<128xi32, #tpu.memory_space<vmem>>
      %dma_wait3A_430 = arith.constant 0 : i32
      %dma_wait3A_431 = arith.constant 0 : i32
      %dma_wait3A_432 = tpu.memref_slice %arg2[%dma_wait3A_430, %dma_wait3A_431] : memref<102400x128xf32, #tpu.memory_space<hbm>> -> memref<102400x128xf32, #tpu.memory_space<hbm>>
      tpu.wait_indirect_dma semaphore(%arg10 : memref<!tpu.dma_semaphore, #tpu.memory_space<semaphore_mem>>) src(%dma_wait3A_432 : memref<102400x128xf32, #tpu.memory_space<hbm>>) dst(%arg7 : memref<128x128xf32, #tpu.memory_space<vmem>>)
      %add3A_433 = arith.constant 3200 : i32
      %add3A_434 = arith.addi %mul3A_0, %add3A_433 : i32
      "tpu.region"() ({
        %run_scoped3A = tpu.sem_alloc : memref<!tpu.dma_semaphore, #tpu.memory_space<semaphore_mem>>
        %dma_start3A_677 = arith.constant 0 : i32
        %dma_start3A_678 = tpu.memref_slice %arg4[%add3A_434, %dma_start3A_677] : memref<102400x128xf32, #tpu.memory_space<hbm>> -> memref<128x128xf32, #tpu.memory_space<hbm>>
        %dma_start3A_679 = arith.constant 0 : i32
        %dma_start3A_680 = tpu.memref_slice %arg4[%add3A_434, %dma_start3A_679] : memref<102400x128xf32, #tpu.memory_space<hbm>> -> memref<128x128xf32, #tpu.memory_space<hbm>>
        tpu.enqueue_dma source(%arg7 : memref<128x128xf32, #tpu.memory_space<vmem>>) target(%dma_start3A_680 : memref<128x128xf32, #tpu.memory_space<hbm>>) target_semaphore(%run_scoped3A : memref<!tpu.dma_semaphore, #tpu.memory_space<semaphore_mem>>)
        %dma_wait3A_681 = arith.constant 0 : i32
        %dma_wait3A_682 = tpu.memref_slice %arg4[%add3A_434, %dma_wait3A_681] : memref<102400x128xf32, #tpu.memory_space<hbm>> -> memref<128x128xf32, #tpu.memory_space<hbm>>
        %dma_wait3A_683 = arith.constant 0 : i32
        %dma_wait3A_684 = tpu.memref_slice %arg4[%add3A_434, %dma_wait3A_683] : memref<102400x128xf32, #tpu.memory_space<hbm>> -> memref<128x128xf32, #tpu.memory_space<hbm>>
        tpu.wait_dma2 semaphore(%run_scoped3A : memref<!tpu.dma_semaphore, #tpu.memory_space<semaphore_mem>>) src(%arg7 : memref<128x128xf32, #tpu.memory_space<vmem>>) dst(%dma_wait3A_684 : memref<128x128xf32, #tpu.memory_space<hbm>>)
        tpu.yield
      }) : () -> ()
      %dma_start3A_435 = arith.constant 28 : i32
      %dma_start3A_436 = arith.constant 0 : i32
      %dma_start3A_437 = tpu.memref_slice %arg5[%dma_start3A_435, %dma_start3A_436] : memref<50x128xi32, #tpu.memory_space<vmem>> -> memref<1x128xi32, #tpu.memory_space<vmem>>
      %dma_start3A_438 = tpu.memref_squeeze %dma_start3A_437 : memref<1x128xi32, #tpu.memory_space<vmem>> -> memref<128xi32, #tpu.memory_space<vmem>>
      %dma_start3A_439 = arith.constant 0 : i32
      %dma_start3A_440 = arith.constant 0 : i32
      %dma_start3A_441 = tpu.memref_slice %arg2[%dma_start3A_439, %dma_start3A_440] : memref<102400x128xf32, #tpu.memory_space<hbm>> -> memref<102400x128xf32, #tpu.memory_space<hbm>>
      tpu.enqueue_indirect_dma source(%dma_start3A_441 : memref<102400x128xf32, #tpu.memory_space<hbm>>) target(%arg7 : memref<128x128xf32, #tpu.memory_space<vmem>>) offsets(%dma_start3A_438 : memref<128xi32, #tpu.memory_space<vmem>>) semaphore(%arg10 : memref<!tpu.dma_semaphore, #tpu.memory_space<semaphore_mem>>)
      %dma_wait3A_442 = arith.constant 26 : i32
      %dma_wait3A_443 = arith.constant 0 : i32
      %dma_wait3A_444 = tpu.memref_slice %arg5[%dma_wait3A_442, %dma_wait3A_443] : memref<50x128xi32, #tpu.memory_space<vmem>> -> memref<1x128xi32, #tpu.memory_space<vmem>>
      %dma_wait3A_445 = tpu.memref_squeeze %dma_wait3A_444 : memref<1x128xi32, #tpu.memory_space<vmem>> -> memref<128xi32, #tpu.memory_space<vmem>>
      %dma_wait3A_446 = arith.constant 0 : i32
      %dma_wait3A_447 = arith.constant 0 : i32
      %dma_wait3A_448 = tpu.memref_slice %arg2[%dma_wait3A_446, %dma_wait3A_447] : memref<102400x128xf32, #tpu.memory_space<hbm>> -> memref<102400x128xf32, #tpu.memory_space<hbm>>
      tpu.wait_indirect_dma semaphore(%arg11 : memref<!tpu.dma_semaphore, #tpu.memory_space<semaphore_mem>>) src(%dma_wait3A_448 : memref<102400x128xf32, #tpu.memory_space<hbm>>) dst(%arg8 : memref<128x128xf32, #tpu.memory_space<vmem>>)
      %add3A_449 = arith.constant 3328 : i32
      %add3A_450 = arith.addi %mul3A_0, %add3A_449 : i32
      "tpu.region"() ({
        %run_scoped3A = tpu.sem_alloc : memref<!tpu.dma_semaphore, #tpu.memory_space<semaphore_mem>>
        %dma_start3A_677 = arith.constant 0 : i32
        %dma_start3A_678 = tpu.memref_slice %arg4[%add3A_450, %dma_start3A_677] : memref<102400x128xf32, #tpu.memory_space<hbm>> -> memref<128x128xf32, #tpu.memory_space<hbm>>
        %dma_start3A_679 = arith.constant 0 : i32
        %dma_start3A_680 = tpu.memref_slice %arg4[%add3A_450, %dma_start3A_679] : memref<102400x128xf32, #tpu.memory_space<hbm>> -> memref<128x128xf32, #tpu.memory_space<hbm>>
        tpu.enqueue_dma source(%arg8 : memref<128x128xf32, #tpu.memory_space<vmem>>) target(%dma_start3A_680 : memref<128x128xf32, #tpu.memory_space<hbm>>) target_semaphore(%run_scoped3A : memref<!tpu.dma_semaphore, #tpu.memory_space<semaphore_mem>>)
        %dma_wait3A_681 = arith.constant 0 : i32
        %dma_wait3A_682 = tpu.memref_slice %arg4[%add3A_450, %dma_wait3A_681] : memref<102400x128xf32, #tpu.memory_space<hbm>> -> memref<128x128xf32, #tpu.memory_space<hbm>>
        %dma_wait3A_683 = arith.constant 0 : i32
        %dma_wait3A_684 = tpu.memref_slice %arg4[%add3A_450, %dma_wait3A_683] : memref<102400x128xf32, #tpu.memory_space<hbm>> -> memref<128x128xf32, #tpu.memory_space<hbm>>
        tpu.wait_dma2 semaphore(%run_scoped3A : memref<!tpu.dma_semaphore, #tpu.memory_space<semaphore_mem>>) src(%arg8 : memref<128x128xf32, #tpu.memory_space<vmem>>) dst(%dma_wait3A_684 : memref<128x128xf32, #tpu.memory_space<hbm>>)
        tpu.yield
      }) : () -> ()
      %dma_start3A_451 = arith.constant 29 : i32
      %dma_start3A_452 = arith.constant 0 : i32
      %dma_start3A_453 = tpu.memref_slice %arg5[%dma_start3A_451, %dma_start3A_452] : memref<50x128xi32, #tpu.memory_space<vmem>> -> memref<1x128xi32, #tpu.memory_space<vmem>>
      %dma_start3A_454 = tpu.memref_squeeze %dma_start3A_453 : memref<1x128xi32, #tpu.memory_space<vmem>> -> memref<128xi32, #tpu.memory_space<vmem>>
      %dma_start3A_455 = arith.constant 0 : i32
      %dma_start3A_456 = arith.constant 0 : i32
      %dma_start3A_457 = tpu.memref_slice %arg2[%dma_start3A_455, %dma_start3A_456] : memref<102400x128xf32, #tpu.memory_space<hbm>> -> memref<102400x128xf32, #tpu.memory_space<hbm>>
      tpu.enqueue_indirect_dma source(%dma_start3A_457 : memref<102400x128xf32, #tpu.memory_space<hbm>>) target(%arg8 : memref<128x128xf32, #tpu.memory_space<vmem>>) offsets(%dma_start3A_454 : memref<128xi32, #tpu.memory_space<vmem>>) semaphore(%arg11 : memref<!tpu.dma_semaphore, #tpu.memory_space<semaphore_mem>>)
      %dma_wait3A_458 = arith.constant 27 : i32
      %dma_wait3A_459 = arith.constant 0 : i32
      %dma_wait3A_460 = tpu.memref_slice %arg5[%dma_wait3A_458, %dma_wait3A_459] : memref<50x128xi32, #tpu.memory_space<vmem>> -> memref<1x128xi32, #tpu.memory_space<vmem>>
      %dma_wait3A_461 = tpu.memref_squeeze %dma_wait3A_460 : memref<1x128xi32, #tpu.memory_space<vmem>> -> memref<128xi32, #tpu.memory_space<vmem>>
      %dma_wait3A_462 = arith.constant 0 : i32
      %dma_wait3A_463 = arith.constant 0 : i32
      %dma_wait3A_464 = tpu.memref_slice %arg2[%dma_wait3A_462, %dma_wait3A_463] : memref<102400x128xf32, #tpu.memory_space<hbm>> -> memref<102400x128xf32, #tpu.memory_space<hbm>>
      tpu.wait_indirect_dma semaphore(%arg9 : memref<!tpu.dma_semaphore, #tpu.memory_space<semaphore_mem>>) src(%dma_wait3A_464 : memref<102400x128xf32, #tpu.memory_space<hbm>>) dst(%arg6 : memref<128x128xf32, #tpu.memory_space<vmem>>)
      %add3A_465 = arith.constant 3456 : i32
      %add3A_466 = arith.addi %mul3A_0, %add3A_465 : i32
      "tpu.region"() ({
        %run_scoped3A = tpu.sem_alloc : memref<!tpu.dma_semaphore, #tpu.memory_space<semaphore_mem>>
        %dma_start3A_677 = arith.constant 0 : i32
        %dma_start3A_678 = tpu.memref_slice %arg4[%add3A_466, %dma_start3A_677] : memref<102400x128xf32, #tpu.memory_space<hbm>> -> memref<128x128xf32, #tpu.memory_space<hbm>>
        %dma_start3A_679 = arith.constant 0 : i32
        %dma_start3A_680 = tpu.memref_slice %arg4[%add3A_466, %dma_start3A_679] : memref<102400x128xf32, #tpu.memory_space<hbm>> -> memref<128x128xf32, #tpu.memory_space<hbm>>
        tpu.enqueue_dma source(%arg6 : memref<128x128xf32, #tpu.memory_space<vmem>>) target(%dma_start3A_680 : memref<128x128xf32, #tpu.memory_space<hbm>>) target_semaphore(%run_scoped3A : memref<!tpu.dma_semaphore, #tpu.memory_space<semaphore_mem>>)
        %dma_wait3A_681 = arith.constant 0 : i32
        %dma_wait3A_682 = tpu.memref_slice %arg4[%add3A_466, %dma_wait3A_681] : memref<102400x128xf32, #tpu.memory_space<hbm>> -> memref<128x128xf32, #tpu.memory_space<hbm>>
        %dma_wait3A_683 = arith.constant 0 : i32
        %dma_wait3A_684 = tpu.memref_slice %arg4[%add3A_466, %dma_wait3A_683] : memref<102400x128xf32, #tpu.memory_space<hbm>> -> memref<128x128xf32, #tpu.memory_space<hbm>>
        tpu.wait_dma2 semaphore(%run_scoped3A : memref<!tpu.dma_semaphore, #tpu.memory_space<semaphore_mem>>) src(%arg6 : memref<128x128xf32, #tpu.memory_space<vmem>>) dst(%dma_wait3A_684 : memref<128x128xf32, #tpu.memory_space<hbm>>)
        tpu.yield
      }) : () -> ()
      %dma_start3A_467 = arith.constant 30 : i32
      %dma_start3A_468 = arith.constant 0 : i32
      %dma_start3A_469 = tpu.memref_slice %arg5[%dma_start3A_467, %dma_start3A_468] : memref<50x128xi32, #tpu.memory_space<vmem>> -> memref<1x128xi32, #tpu.memory_space<vmem>>
      %dma_start3A_470 = tpu.memref_squeeze %dma_start3A_469 : memref<1x128xi32, #tpu.memory_space<vmem>> -> memref<128xi32, #tpu.memory_space<vmem>>
      %dma_start3A_471 = arith.constant 0 : i32
      %dma_start3A_472 = arith.constant 0 : i32
      %dma_start3A_473 = tpu.memref_slice %arg2[%dma_start3A_471, %dma_start3A_472] : memref<102400x128xf32, #tpu.memory_space<hbm>> -> memref<102400x128xf32, #tpu.memory_space<hbm>>
      tpu.enqueue_indirect_dma source(%dma_start3A_473 : memref<102400x128xf32, #tpu.memory_space<hbm>>) target(%arg6 : memref<128x128xf32, #tpu.memory_space<vmem>>) offsets(%dma_start3A_470 : memref<128xi32, #tpu.memory_space<vmem>>) semaphore(%arg9 : memref<!tpu.dma_semaphore, #tpu.memory_space<semaphore_mem>>)
      %dma_wait3A_474 = arith.constant 28 : i32
      %dma_wait3A_475 = arith.constant 0 : i32
      %dma_wait3A_476 = tpu.memref_slice %arg5[%dma_wait3A_474, %dma_wait3A_475] : memref<50x128xi32, #tpu.memory_space<vmem>> -> memref<1x128xi32, #tpu.memory_space<vmem>>
      %dma_wait3A_477 = tpu.memref_squeeze %dma_wait3A_476 : memref<1x128xi32, #tpu.memory_space<vmem>> -> memref<128xi32, #tpu.memory_space<vmem>>
      %dma_wait3A_478 = arith.constant 0 : i32
      %dma_wait3A_479 = arith.constant 0 : i32
      %dma_wait3A_480 = tpu.memref_slice %arg2[%dma_wait3A_478, %dma_wait3A_479] : memref<102400x128xf32, #tpu.memory_space<hbm>> -> memref<102400x128xf32, #tpu.memory_space<hbm>>
      tpu.wait_indirect_dma semaphore(%arg10 : memref<!tpu.dma_semaphore, #tpu.memory_space<semaphore_mem>>) src(%dma_wait3A_480 : memref<102400x128xf32, #tpu.memory_space<hbm>>) dst(%arg7 : memref<128x128xf32, #tpu.memory_space<vmem>>)
      %add3A_481 = arith.constant 3584 : i32
      %add3A_482 = arith.addi %mul3A_0, %add3A_481 : i32
      "tpu.region"() ({
        %run_scoped3A = tpu.sem_alloc : memref<!tpu.dma_semaphore, #tpu.memory_space<semaphore_mem>>
        %dma_start3A_677 = arith.constant 0 : i32
        %dma_start3A_678 = tpu.memref_slice %arg4[%add3A_482, %dma_start3A_677] : memref<102400x128xf32, #tpu.memory_space<hbm>> -> memref<128x128xf32, #tpu.memory_space<hbm>>
        %dma_start3A_679 = arith.constant 0 : i32
        %dma_start3A_680 = tpu.memref_slice %arg4[%add3A_482, %dma_start3A_679] : memref<102400x128xf32, #tpu.memory_space<hbm>> -> memref<128x128xf32, #tpu.memory_space<hbm>>
        tpu.enqueue_dma source(%arg7 : memref<128x128xf32, #tpu.memory_space<vmem>>) target(%dma_start3A_680 : memref<128x128xf32, #tpu.memory_space<hbm>>) target_semaphore(%run_scoped3A : memref<!tpu.dma_semaphore, #tpu.memory_space<semaphore_mem>>)
        %dma_wait3A_681 = arith.constant 0 : i32
        %dma_wait3A_682 = tpu.memref_slice %arg4[%add3A_482, %dma_wait3A_681] : memref<102400x128xf32, #tpu.memory_space<hbm>> -> memref<128x128xf32, #tpu.memory_space<hbm>>
        %dma_wait3A_683 = arith.constant 0 : i32
        %dma_wait3A_684 = tpu.memref_slice %arg4[%add3A_482, %dma_wait3A_683] : memref<102400x128xf32, #tpu.memory_space<hbm>> -> memref<128x128xf32, #tpu.memory_space<hbm>>
        tpu.wait_dma2 semaphore(%run_scoped3A : memref<!tpu.dma_semaphore, #tpu.memory_space<semaphore_mem>>) src(%arg7 : memref<128x128xf32, #tpu.memory_space<vmem>>) dst(%dma_wait3A_684 : memref<128x128xf32, #tpu.memory_space<hbm>>)
        tpu.yield
      }) : () -> ()
      %dma_start3A_483 = arith.constant 31 : i32
      %dma_start3A_484 = arith.constant 0 : i32
      %dma_start3A_485 = tpu.memref_slice %arg5[%dma_start3A_483, %dma_start3A_484] : memref<50x128xi32, #tpu.memory_space<vmem>> -> memref<1x128xi32, #tpu.memory_space<vmem>>
      %dma_start3A_486 = tpu.memref_squeeze %dma_start3A_485 : memref<1x128xi32, #tpu.memory_space<vmem>> -> memref<128xi32, #tpu.memory_space<vmem>>
      %dma_start3A_487 = arith.constant 0 : i32
      %dma_start3A_488 = arith.constant 0 : i32
      %dma_start3A_489 = tpu.memref_slice %arg2[%dma_start3A_487, %dma_start3A_488] : memref<102400x128xf32, #tpu.memory_space<hbm>> -> memref<102400x128xf32, #tpu.memory_space<hbm>>
      tpu.enqueue_indirect_dma source(%dma_start3A_489 : memref<102400x128xf32, #tpu.memory_space<hbm>>) target(%arg7 : memref<128x128xf32, #tpu.memory_space<vmem>>) offsets(%dma_start3A_486 : memref<128xi32, #tpu.memory_space<vmem>>) semaphore(%arg10 : memref<!tpu.dma_semaphore, #tpu.memory_space<semaphore_mem>>)
      %dma_wait3A_490 = arith.constant 29 : i32
      %dma_wait3A_491 = arith.constant 0 : i32
      %dma_wait3A_492 = tpu.memref_slice %arg5[%dma_wait3A_490, %dma_wait3A_491] : memref<50x128xi32, #tpu.memory_space<vmem>> -> memref<1x128xi32, #tpu.memory_space<vmem>>
      %dma_wait3A_493 = tpu.memref_squeeze %dma_wait3A_492 : memref<1x128xi32, #tpu.memory_space<vmem>> -> memref<128xi32, #tpu.memory_space<vmem>>
      %dma_wait3A_494 = arith.constant 0 : i32
      %dma_wait3A_495 = arith.constant 0 : i32
      %dma_wait3A_496 = tpu.memref_slice %arg2[%dma_wait3A_494, %dma_wait3A_495] : memref<102400x128xf32, #tpu.memory_space<hbm>> -> memref<102400x128xf32, #tpu.memory_space<hbm>>
      tpu.wait_indirect_dma semaphore(%arg11 : memref<!tpu.dma_semaphore, #tpu.memory_space<semaphore_mem>>) src(%dma_wait3A_496 : memref<102400x128xf32, #tpu.memory_space<hbm>>) dst(%arg8 : memref<128x128xf32, #tpu.memory_space<vmem>>)
      %add3A_497 = arith.constant 3712 : i32
      %add3A_498 = arith.addi %mul3A_0, %add3A_497 : i32
      "tpu.region"() ({
        %run_scoped3A = tpu.sem_alloc : memref<!tpu.dma_semaphore, #tpu.memory_space<semaphore_mem>>
        %dma_start3A_677 = arith.constant 0 : i32
        %dma_start3A_678 = tpu.memref_slice %arg4[%add3A_498, %dma_start3A_677] : memref<102400x128xf32, #tpu.memory_space<hbm>> -> memref<128x128xf32, #tpu.memory_space<hbm>>
        %dma_start3A_679 = arith.constant 0 : i32
        %dma_start3A_680 = tpu.memref_slice %arg4[%add3A_498, %dma_start3A_679] : memref<102400x128xf32, #tpu.memory_space<hbm>> -> memref<128x128xf32, #tpu.memory_space<hbm>>
        tpu.enqueue_dma source(%arg8 : memref<128x128xf32, #tpu.memory_space<vmem>>) target(%dma_start3A_680 : memref<128x128xf32, #tpu.memory_space<hbm>>) target_semaphore(%run_scoped3A : memref<!tpu.dma_semaphore, #tpu.memory_space<semaphore_mem>>)
        %dma_wait3A_681 = arith.constant 0 : i32
        %dma_wait3A_682 = tpu.memref_slice %arg4[%add3A_498, %dma_wait3A_681] : memref<102400x128xf32, #tpu.memory_space<hbm>> -> memref<128x128xf32, #tpu.memory_space<hbm>>
        %dma_wait3A_683 = arith.constant 0 : i32
        %dma_wait3A_684 = tpu.memref_slice %arg4[%add3A_498, %dma_wait3A_683] : memref<102400x128xf32, #tpu.memory_space<hbm>> -> memref<128x128xf32, #tpu.memory_space<hbm>>
        tpu.wait_dma2 semaphore(%run_scoped3A : memref<!tpu.dma_semaphore, #tpu.memory_space<semaphore_mem>>) src(%arg8 : memref<128x128xf32, #tpu.memory_space<vmem>>) dst(%dma_wait3A_684 : memref<128x128xf32, #tpu.memory_space<hbm>>)
        tpu.yield
      }) : () -> ()
      %dma_start3A_499 = arith.constant 32 : i32
      %dma_start3A_500 = arith.constant 0 : i32
      %dma_start3A_501 = tpu.memref_slice %arg5[%dma_start3A_499, %dma_start3A_500] : memref<50x128xi32, #tpu.memory_space<vmem>> -> memref<1x128xi32, #tpu.memory_space<vmem>>
      %dma_start3A_502 = tpu.memref_squeeze %dma_start3A_501 : memref<1x128xi32, #tpu.memory_space<vmem>> -> memref<128xi32, #tpu.memory_space<vmem>>
      %dma_start3A_503 = arith.constant 0 : i32
      %dma_start3A_504 = arith.constant 0 : i32
      %dma_start3A_505 = tpu.memref_slice %arg2[%dma_start3A_503, %dma_start3A_504] : memref<102400x128xf32, #tpu.memory_space<hbm>> -> memref<102400x128xf32, #tpu.memory_space<hbm>>
      tpu.enqueue_indirect_dma source(%dma_start3A_505 : memref<102400x128xf32, #tpu.memory_space<hbm>>) target(%arg8 : memref<128x128xf32, #tpu.memory_space<vmem>>) offsets(%dma_start3A_502 : memref<128xi32, #tpu.memory_space<vmem>>) semaphore(%arg11 : memref<!tpu.dma_semaphore, #tpu.memory_space<semaphore_mem>>)
      %dma_wait3A_506 = arith.constant 30 : i32
      %dma_wait3A_507 = arith.constant 0 : i32
      %dma_wait3A_508 = tpu.memref_slice %arg5[%dma_wait3A_506, %dma_wait3A_507] : memref<50x128xi32, #tpu.memory_space<vmem>> -> memref<1x128xi32, #tpu.memory_space<vmem>>
      %dma_wait3A_509 = tpu.memref_squeeze %dma_wait3A_508 : memref<1x128xi32, #tpu.memory_space<vmem>> -> memref<128xi32, #tpu.memory_space<vmem>>
      %dma_wait3A_510 = arith.constant 0 : i32
      %dma_wait3A_511 = arith.constant 0 : i32
      %dma_wait3A_512 = tpu.memref_slice %arg2[%dma_wait3A_510, %dma_wait3A_511] : memref<102400x128xf32, #tpu.memory_space<hbm>> -> memref<102400x128xf32, #tpu.memory_space<hbm>>
      tpu.wait_indirect_dma semaphore(%arg9 : memref<!tpu.dma_semaphore, #tpu.memory_space<semaphore_mem>>) src(%dma_wait3A_512 : memref<102400x128xf32, #tpu.memory_space<hbm>>) dst(%arg6 : memref<128x128xf32, #tpu.memory_space<vmem>>)
      %add3A_513 = arith.constant 3840 : i32
      %add3A_514 = arith.addi %mul3A_0, %add3A_513 : i32
      "tpu.region"() ({
        %run_scoped3A = tpu.sem_alloc : memref<!tpu.dma_semaphore, #tpu.memory_space<semaphore_mem>>
        %dma_start3A_677 = arith.constant 0 : i32
        %dma_start3A_678 = tpu.memref_slice %arg4[%add3A_514, %dma_start3A_677] : memref<102400x128xf32, #tpu.memory_space<hbm>> -> memref<128x128xf32, #tpu.memory_space<hbm>>
        %dma_start3A_679 = arith.constant 0 : i32
        %dma_start3A_680 = tpu.memref_slice %arg4[%add3A_514, %dma_start3A_679] : memref<102400x128xf32, #tpu.memory_space<hbm>> -> memref<128x128xf32, #tpu.memory_space<hbm>>
        tpu.enqueue_dma source(%arg6 : memref<128x128xf32, #tpu.memory_space<vmem>>) target(%dma_start3A_680 : memref<128x128xf32, #tpu.memory_space<hbm>>) target_semaphore(%run_scoped3A : memref<!tpu.dma_semaphore, #tpu.memory_space<semaphore_mem>>)
        %dma_wait3A_681 = arith.constant 0 : i32
        %dma_wait3A_682 = tpu.memref_slice %arg4[%add3A_514, %dma_wait3A_681] : memref<102400x128xf32, #tpu.memory_space<hbm>> -> memref<128x128xf32, #tpu.memory_space<hbm>>
        %dma_wait3A_683 = arith.constant 0 : i32
        %dma_wait3A_684 = tpu.memref_slice %arg4[%add3A_514, %dma_wait3A_683] : memref<102400x128xf32, #tpu.memory_space<hbm>> -> memref<128x128xf32, #tpu.memory_space<hbm>>
        tpu.wait_dma2 semaphore(%run_scoped3A : memref<!tpu.dma_semaphore, #tpu.memory_space<semaphore_mem>>) src(%arg6 : memref<128x128xf32, #tpu.memory_space<vmem>>) dst(%dma_wait3A_684 : memref<128x128xf32, #tpu.memory_space<hbm>>)
        tpu.yield
      }) : () -> ()
      %dma_start3A_515 = arith.constant 33 : i32
      %dma_start3A_516 = arith.constant 0 : i32
      %dma_start3A_517 = tpu.memref_slice %arg5[%dma_start3A_515, %dma_start3A_516] : memref<50x128xi32, #tpu.memory_space<vmem>> -> memref<1x128xi32, #tpu.memory_space<vmem>>
      %dma_start3A_518 = tpu.memref_squeeze %dma_start3A_517 : memref<1x128xi32, #tpu.memory_space<vmem>> -> memref<128xi32, #tpu.memory_space<vmem>>
      %dma_start3A_519 = arith.constant 0 : i32
      %dma_start3A_520 = arith.constant 0 : i32
      %dma_start3A_521 = tpu.memref_slice %arg2[%dma_start3A_519, %dma_start3A_520] : memref<102400x128xf32, #tpu.memory_space<hbm>> -> memref<102400x128xf32, #tpu.memory_space<hbm>>
      tpu.enqueue_indirect_dma source(%dma_start3A_521 : memref<102400x128xf32, #tpu.memory_space<hbm>>) target(%arg6 : memref<128x128xf32, #tpu.memory_space<vmem>>) offsets(%dma_start3A_518 : memref<128xi32, #tpu.memory_space<vmem>>) semaphore(%arg9 : memref<!tpu.dma_semaphore, #tpu.memory_space<semaphore_mem>>)
      %dma_wait3A_522 = arith.constant 31 : i32
      %dma_wait3A_523 = arith.constant 0 : i32
      %dma_wait3A_524 = tpu.memref_slice %arg5[%dma_wait3A_522, %dma_wait3A_523] : memref<50x128xi32, #tpu.memory_space<vmem>> -> memref<1x128xi32, #tpu.memory_space<vmem>>
      %dma_wait3A_525 = tpu.memref_squeeze %dma_wait3A_524 : memref<1x128xi32, #tpu.memory_space<vmem>> -> memref<128xi32, #tpu.memory_space<vmem>>
      %dma_wait3A_526 = arith.constant 0 : i32
      %dma_wait3A_527 = arith.constant 0 : i32
      %dma_wait3A_528 = tpu.memref_slice %arg2[%dma_wait3A_526, %dma_wait3A_527] : memref<102400x128xf32, #tpu.memory_space<hbm>> -> memref<102400x128xf32, #tpu.memory_space<hbm>>
      tpu.wait_indirect_dma semaphore(%arg10 : memref<!tpu.dma_semaphore, #tpu.memory_space<semaphore_mem>>) src(%dma_wait3A_528 : memref<102400x128xf32, #tpu.memory_space<hbm>>) dst(%arg7 : memref<128x128xf32, #tpu.memory_space<vmem>>)
      %add3A_529 = arith.constant 3968 : i32
      %add3A_530 = arith.addi %mul3A_0, %add3A_529 : i32
      "tpu.region"() ({
        %run_scoped3A = tpu.sem_alloc : memref<!tpu.dma_semaphore, #tpu.memory_space<semaphore_mem>>
        %dma_start3A_677 = arith.constant 0 : i32
        %dma_start3A_678 = tpu.memref_slice %arg4[%add3A_530, %dma_start3A_677] : memref<102400x128xf32, #tpu.memory_space<hbm>> -> memref<128x128xf32, #tpu.memory_space<hbm>>
        %dma_start3A_679 = arith.constant 0 : i32
        %dma_start3A_680 = tpu.memref_slice %arg4[%add3A_530, %dma_start3A_679] : memref<102400x128xf32, #tpu.memory_space<hbm>> -> memref<128x128xf32, #tpu.memory_space<hbm>>
        tpu.enqueue_dma source(%arg7 : memref<128x128xf32, #tpu.memory_space<vmem>>) target(%dma_start3A_680 : memref<128x128xf32, #tpu.memory_space<hbm>>) target_semaphore(%run_scoped3A : memref<!tpu.dma_semaphore, #tpu.memory_space<semaphore_mem>>)
        %dma_wait3A_681 = arith.constant 0 : i32
        %dma_wait3A_682 = tpu.memref_slice %arg4[%add3A_530, %dma_wait3A_681] : memref<102400x128xf32, #tpu.memory_space<hbm>> -> memref<128x128xf32, #tpu.memory_space<hbm>>
        %dma_wait3A_683 = arith.constant 0 : i32
        %dma_wait3A_684 = tpu.memref_slice %arg4[%add3A_530, %dma_wait3A_683] : memref<102400x128xf32, #tpu.memory_space<hbm>> -> memref<128x128xf32, #tpu.memory_space<hbm>>
        tpu.wait_dma2 semaphore(%run_scoped3A : memref<!tpu.dma_semaphore, #tpu.memory_space<semaphore_mem>>) src(%arg7 : memref<128x128xf32, #tpu.memory_space<vmem>>) dst(%dma_wait3A_684 : memref<128x128xf32, #tpu.memory_space<hbm>>)
        tpu.yield
      }) : () -> ()
      %dma_start3A_531 = arith.constant 34 : i32
      %dma_start3A_532 = arith.constant 0 : i32
      %dma_start3A_533 = tpu.memref_slice %arg5[%dma_start3A_531, %dma_start3A_532] : memref<50x128xi32, #tpu.memory_space<vmem>> -> memref<1x128xi32, #tpu.memory_space<vmem>>
      %dma_start3A_534 = tpu.memref_squeeze %dma_start3A_533 : memref<1x128xi32, #tpu.memory_space<vmem>> -> memref<128xi32, #tpu.memory_space<vmem>>
      %dma_start3A_535 = arith.constant 0 : i32
      %dma_start3A_536 = arith.constant 0 : i32
      %dma_start3A_537 = tpu.memref_slice %arg2[%dma_start3A_535, %dma_start3A_536] : memref<102400x128xf32, #tpu.memory_space<hbm>> -> memref<102400x128xf32, #tpu.memory_space<hbm>>
      tpu.enqueue_indirect_dma source(%dma_start3A_537 : memref<102400x128xf32, #tpu.memory_space<hbm>>) target(%arg7 : memref<128x128xf32, #tpu.memory_space<vmem>>) offsets(%dma_start3A_534 : memref<128xi32, #tpu.memory_space<vmem>>) semaphore(%arg10 : memref<!tpu.dma_semaphore, #tpu.memory_space<semaphore_mem>>)
      %dma_wait3A_538 = arith.constant 32 : i32
      %dma_wait3A_539 = arith.constant 0 : i32
      %dma_wait3A_540 = tpu.memref_slice %arg5[%dma_wait3A_538, %dma_wait3A_539] : memref<50x128xi32, #tpu.memory_space<vmem>> -> memref<1x128xi32, #tpu.memory_space<vmem>>
      %dma_wait3A_541 = tpu.memref_squeeze %dma_wait3A_540 : memref<1x128xi32, #tpu.memory_space<vmem>> -> memref<128xi32, #tpu.memory_space<vmem>>
      %dma_wait3A_542 = arith.constant 0 : i32
      %dma_wait3A_543 = arith.constant 0 : i32
      %dma_wait3A_544 = tpu.memref_slice %arg2[%dma_wait3A_542, %dma_wait3A_543] : memref<102400x128xf32, #tpu.memory_space<hbm>> -> memref<102400x128xf32, #tpu.memory_space<hbm>>
      tpu.wait_indirect_dma semaphore(%arg11 : memref<!tpu.dma_semaphore, #tpu.memory_space<semaphore_mem>>) src(%dma_wait3A_544 : memref<102400x128xf32, #tpu.memory_space<hbm>>) dst(%arg8 : memref<128x128xf32, #tpu.memory_space<vmem>>)
      %add3A_545 = arith.constant 4096 : i32
      %add3A_546 = arith.addi %mul3A_0, %add3A_545 : i32
      "tpu.region"() ({
        %run_scoped3A = tpu.sem_alloc : memref<!tpu.dma_semaphore, #tpu.memory_space<semaphore_mem>>
        %dma_start3A_677 = arith.constant 0 : i32
        %dma_start3A_678 = tpu.memref_slice %arg4[%add3A_546, %dma_start3A_677] : memref<102400x128xf32, #tpu.memory_space<hbm>> -> memref<128x128xf32, #tpu.memory_space<hbm>>
        %dma_start3A_679 = arith.constant 0 : i32
        %dma_start3A_680 = tpu.memref_slice %arg4[%add3A_546, %dma_start3A_679] : memref<102400x128xf32, #tpu.memory_space<hbm>> -> memref<128x128xf32, #tpu.memory_space<hbm>>
        tpu.enqueue_dma source(%arg8 : memref<128x128xf32, #tpu.memory_space<vmem>>) target(%dma_start3A_680 : memref<128x128xf32, #tpu.memory_space<hbm>>) target_semaphore(%run_scoped3A : memref<!tpu.dma_semaphore, #tpu.memory_space<semaphore_mem>>)
        %dma_wait3A_681 = arith.constant 0 : i32
        %dma_wait3A_682 = tpu.memref_slice %arg4[%add3A_546, %dma_wait3A_681] : memref<102400x128xf32, #tpu.memory_space<hbm>> -> memref<128x128xf32, #tpu.memory_space<hbm>>
        %dma_wait3A_683 = arith.constant 0 : i32
        %dma_wait3A_684 = tpu.memref_slice %arg4[%add3A_546, %dma_wait3A_683] : memref<102400x128xf32, #tpu.memory_space<hbm>> -> memref<128x128xf32, #tpu.memory_space<hbm>>
        tpu.wait_dma2 semaphore(%run_scoped3A : memref<!tpu.dma_semaphore, #tpu.memory_space<semaphore_mem>>) src(%arg8 : memref<128x128xf32, #tpu.memory_space<vmem>>) dst(%dma_wait3A_684 : memref<128x128xf32, #tpu.memory_space<hbm>>)
        tpu.yield
      }) : () -> ()
      %dma_start3A_547 = arith.constant 35 : i32
      %dma_start3A_548 = arith.constant 0 : i32
      %dma_start3A_549 = tpu.memref_slice %arg5[%dma_start3A_547, %dma_start3A_548] : memref<50x128xi32, #tpu.memory_space<vmem>> -> memref<1x128xi32, #tpu.memory_space<vmem>>
      %dma_start3A_550 = tpu.memref_squeeze %dma_start3A_549 : memref<1x128xi32, #tpu.memory_space<vmem>> -> memref<128xi32, #tpu.memory_space<vmem>>
      %dma_start3A_551 = arith.constant 0 : i32
      %dma_start3A_552 = arith.constant 0 : i32
      %dma_start3A_553 = tpu.memref_slice %arg2[%dma_start3A_551, %dma_start3A_552] : memref<102400x128xf32, #tpu.memory_space<hbm>> -> memref<102400x128xf32, #tpu.memory_space<hbm>>
      tpu.enqueue_indirect_dma source(%dma_start3A_553 : memref<102400x128xf32, #tpu.memory_space<hbm>>) target(%arg8 : memref<128x128xf32, #tpu.memory_space<vmem>>) offsets(%dma_start3A_550 : memref<128xi32, #tpu.memory_space<vmem>>) semaphore(%arg11 : memref<!tpu.dma_semaphore, #tpu.memory_space<semaphore_mem>>)
      %dma_wait3A_554 = arith.constant 33 : i32
      %dma_wait3A_555 = arith.constant 0 : i32
      %dma_wait3A_556 = tpu.memref_slice %arg5[%dma_wait3A_554, %dma_wait3A_555] : memref<50x128xi32, #tpu.memory_space<vmem>> -> memref<1x128xi32, #tpu.memory_space<vmem>>
      %dma_wait3A_557 = tpu.memref_squeeze %dma_wait3A_556 : memref<1x128xi32, #tpu.memory_space<vmem>> -> memref<128xi32, #tpu.memory_space<vmem>>
      %dma_wait3A_558 = arith.constant 0 : i32
      %dma_wait3A_559 = arith.constant 0 : i32
      %dma_wait3A_560 = tpu.memref_slice %arg2[%dma_wait3A_558, %dma_wait3A_559] : memref<102400x128xf32, #tpu.memory_space<hbm>> -> memref<102400x128xf32, #tpu.memory_space<hbm>>
      tpu.wait_indirect_dma semaphore(%arg9 : memref<!tpu.dma_semaphore, #tpu.memory_space<semaphore_mem>>) src(%dma_wait3A_560 : memref<102400x128xf32, #tpu.memory_space<hbm>>) dst(%arg6 : memref<128x128xf32, #tpu.memory_space<vmem>>)
      %add3A_561 = arith.constant 4224 : i32
      %add3A_562 = arith.addi %mul3A_0, %add3A_561 : i32
      "tpu.region"() ({
        %run_scoped3A = tpu.sem_alloc : memref<!tpu.dma_semaphore, #tpu.memory_space<semaphore_mem>>
        %dma_start3A_677 = arith.constant 0 : i32
        %dma_start3A_678 = tpu.memref_slice %arg4[%add3A_562, %dma_start3A_677] : memref<102400x128xf32, #tpu.memory_space<hbm>> -> memref<128x128xf32, #tpu.memory_space<hbm>>
        %dma_start3A_679 = arith.constant 0 : i32
        %dma_start3A_680 = tpu.memref_slice %arg4[%add3A_562, %dma_start3A_679] : memref<102400x128xf32, #tpu.memory_space<hbm>> -> memref<128x128xf32, #tpu.memory_space<hbm>>
        tpu.enqueue_dma source(%arg6 : memref<128x128xf32, #tpu.memory_space<vmem>>) target(%dma_start3A_680 : memref<128x128xf32, #tpu.memory_space<hbm>>) target_semaphore(%run_scoped3A : memref<!tpu.dma_semaphore, #tpu.memory_space<semaphore_mem>>)
        %dma_wait3A_681 = arith.constant 0 : i32
        %dma_wait3A_682 = tpu.memref_slice %arg4[%add3A_562, %dma_wait3A_681] : memref<102400x128xf32, #tpu.memory_space<hbm>> -> memref<128x128xf32, #tpu.memory_space<hbm>>
        %dma_wait3A_683 = arith.constant 0 : i32
        %dma_wait3A_684 = tpu.memref_slice %arg4[%add3A_562, %dma_wait3A_683] : memref<102400x128xf32, #tpu.memory_space<hbm>> -> memref<128x128xf32, #tpu.memory_space<hbm>>
        tpu.wait_dma2 semaphore(%run_scoped3A : memref<!tpu.dma_semaphore, #tpu.memory_space<semaphore_mem>>) src(%arg6 : memref<128x128xf32, #tpu.memory_space<vmem>>) dst(%dma_wait3A_684 : memref<128x128xf32, #tpu.memory_space<hbm>>)
        tpu.yield
      }) : () -> ()
      %dma_start3A_563 = arith.constant 36 : i32
      %dma_start3A_564 = arith.constant 0 : i32
      %dma_start3A_565 = tpu.memref_slice %arg5[%dma_start3A_563, %dma_start3A_564] : memref<50x128xi32, #tpu.memory_space<vmem>> -> memref<1x128xi32, #tpu.memory_space<vmem>>
      %dma_start3A_566 = tpu.memref_squeeze %dma_start3A_565 : memref<1x128xi32, #tpu.memory_space<vmem>> -> memref<128xi32, #tpu.memory_space<vmem>>
      %dma_start3A_567 = arith.constant 0 : i32
      %dma_start3A_568 = arith.constant 0 : i32
      %dma_start3A_569 = tpu.memref_slice %arg2[%dma_start3A_567, %dma_start3A_568] : memref<102400x128xf32, #tpu.memory_space<hbm>> -> memref<102400x128xf32, #tpu.memory_space<hbm>>
      tpu.enqueue_indirect_dma source(%dma_start3A_569 : memref<102400x128xf32, #tpu.memory_space<hbm>>) target(%arg6 : memref<128x128xf32, #tpu.memory_space<vmem>>) offsets(%dma_start3A_566 : memref<128xi32, #tpu.memory_space<vmem>>) semaphore(%arg9 : memref<!tpu.dma_semaphore, #tpu.memory_space<semaphore_mem>>)
      %dma_wait3A_570 = arith.constant 34 : i32
      %dma_wait3A_571 = arith.constant 0 : i32
      %dma_wait3A_572 = tpu.memref_slice %arg5[%dma_wait3A_570, %dma_wait3A_571] : memref<50x128xi32, #tpu.memory_space<vmem>> -> memref<1x128xi32, #tpu.memory_space<vmem>>
      %dma_wait3A_573 = tpu.memref_squeeze %dma_wait3A_572 : memref<1x128xi32, #tpu.memory_space<vmem>> -> memref<128xi32, #tpu.memory_space<vmem>>
      %dma_wait3A_574 = arith.constant 0 : i32
      %dma_wait3A_575 = arith.constant 0 : i32
      %dma_wait3A_576 = tpu.memref_slice %arg2[%dma_wait3A_574, %dma_wait3A_575] : memref<102400x128xf32, #tpu.memory_space<hbm>> -> memref<102400x128xf32, #tpu.memory_space<hbm>>
      tpu.wait_indirect_dma semaphore(%arg10 : memref<!tpu.dma_semaphore, #tpu.memory_space<semaphore_mem>>) src(%dma_wait3A_576 : memref<102400x128xf32, #tpu.memory_space<hbm>>) dst(%arg7 : memref<128x128xf32, #tpu.memory_space<vmem>>)
      %add3A_577 = arith.constant 4352 : i32
      %add3A_578 = arith.addi %mul3A_0, %add3A_577 : i32
      "tpu.region"() ({
        %run_scoped3A = tpu.sem_alloc : memref<!tpu.dma_semaphore, #tpu.memory_space<semaphore_mem>>
        %dma_start3A_677 = arith.constant 0 : i32
        %dma_start3A_678 = tpu.memref_slice %arg4[%add3A_578, %dma_start3A_677] : memref<102400x128xf32, #tpu.memory_space<hbm>> -> memref<128x128xf32, #tpu.memory_space<hbm>>
        %dma_start3A_679 = arith.constant 0 : i32
        %dma_start3A_680 = tpu.memref_slice %arg4[%add3A_578, %dma_start3A_679] : memref<102400x128xf32, #tpu.memory_space<hbm>> -> memref<128x128xf32, #tpu.memory_space<hbm>>
        tpu.enqueue_dma source(%arg7 : memref<128x128xf32, #tpu.memory_space<vmem>>) target(%dma_start3A_680 : memref<128x128xf32, #tpu.memory_space<hbm>>) target_semaphore(%run_scoped3A : memref<!tpu.dma_semaphore, #tpu.memory_space<semaphore_mem>>)
        %dma_wait3A_681 = arith.constant 0 : i32
        %dma_wait3A_682 = tpu.memref_slice %arg4[%add3A_578, %dma_wait3A_681] : memref<102400x128xf32, #tpu.memory_space<hbm>> -> memref<128x128xf32, #tpu.memory_space<hbm>>
        %dma_wait3A_683 = arith.constant 0 : i32
        %dma_wait3A_684 = tpu.memref_slice %arg4[%add3A_578, %dma_wait3A_683] : memref<102400x128xf32, #tpu.memory_space<hbm>> -> memref<128x128xf32, #tpu.memory_space<hbm>>
        tpu.wait_dma2 semaphore(%run_scoped3A : memref<!tpu.dma_semaphore, #tpu.memory_space<semaphore_mem>>) src(%arg7 : memref<128x128xf32, #tpu.memory_space<vmem>>) dst(%dma_wait3A_684 : memref<128x128xf32, #tpu.memory_space<hbm>>)
        tpu.yield
      }) : () -> ()
      %dma_start3A_579 = arith.constant 37 : i32
      %dma_start3A_580 = arith.constant 0 : i32
      %dma_start3A_581 = tpu.memref_slice %arg5[%dma_start3A_579, %dma_start3A_580] : memref<50x128xi32, #tpu.memory_space<vmem>> -> memref<1x128xi32, #tpu.memory_space<vmem>>
      %dma_start3A_582 = tpu.memref_squeeze %dma_start3A_581 : memref<1x128xi32, #tpu.memory_space<vmem>> -> memref<128xi32, #tpu.memory_space<vmem>>
      %dma_start3A_583 = arith.constant 0 : i32
      %dma_start3A_584 = arith.constant 0 : i32
      %dma_start3A_585 = tpu.memref_slice %arg2[%dma_start3A_583, %dma_start3A_584] : memref<102400x128xf32, #tpu.memory_space<hbm>> -> memref<102400x128xf32, #tpu.memory_space<hbm>>
      tpu.enqueue_indirect_dma source(%dma_start3A_585 : memref<102400x128xf32, #tpu.memory_space<hbm>>) target(%arg7 : memref<128x128xf32, #tpu.memory_space<vmem>>) offsets(%dma_start3A_582 : memref<128xi32, #tpu.memory_space<vmem>>) semaphore(%arg10 : memref<!tpu.dma_semaphore, #tpu.memory_space<semaphore_mem>>)
      %dma_wait3A_586 = arith.constant 35 : i32
      %dma_wait3A_587 = arith.constant 0 : i32
      %dma_wait3A_588 = tpu.memref_slice %arg5[%dma_wait3A_586, %dma_wait3A_587] : memref<50x128xi32, #tpu.memory_space<vmem>> -> memref<1x128xi32, #tpu.memory_space<vmem>>
      %dma_wait3A_589 = tpu.memref_squeeze %dma_wait3A_588 : memref<1x128xi32, #tpu.memory_space<vmem>> -> memref<128xi32, #tpu.memory_space<vmem>>
      %dma_wait3A_590 = arith.constant 0 : i32
      %dma_wait3A_591 = arith.constant 0 : i32
      %dma_wait3A_592 = tpu.memref_slice %arg2[%dma_wait3A_590, %dma_wait3A_591] : memref<102400x128xf32, #tpu.memory_space<hbm>> -> memref<102400x128xf32, #tpu.memory_space<hbm>>
      tpu.wait_indirect_dma semaphore(%arg11 : memref<!tpu.dma_semaphore, #tpu.memory_space<semaphore_mem>>) src(%dma_wait3A_592 : memref<102400x128xf32, #tpu.memory_space<hbm>>) dst(%arg8 : memref<128x128xf32, #tpu.memory_space<vmem>>)
      %add3A_593 = arith.constant 4480 : i32
      %add3A_594 = arith.addi %mul3A_0, %add3A_593 : i32
      "tpu.region"() ({
        %run_scoped3A = tpu.sem_alloc : memref<!tpu.dma_semaphore, #tpu.memory_space<semaphore_mem>>
        %dma_start3A_677 = arith.constant 0 : i32
        %dma_start3A_678 = tpu.memref_slice %arg4[%add3A_594, %dma_start3A_677] : memref<102400x128xf32, #tpu.memory_space<hbm>> -> memref<128x128xf32, #tpu.memory_space<hbm>>
        %dma_start3A_679 = arith.constant 0 : i32
        %dma_start3A_680 = tpu.memref_slice %arg4[%add3A_594, %dma_start3A_679] : memref<102400x128xf32, #tpu.memory_space<hbm>> -> memref<128x128xf32, #tpu.memory_space<hbm>>
        tpu.enqueue_dma source(%arg8 : memref<128x128xf32, #tpu.memory_space<vmem>>) target(%dma_start3A_680 : memref<128x128xf32, #tpu.memory_space<hbm>>) target_semaphore(%run_scoped3A : memref<!tpu.dma_semaphore, #tpu.memory_space<semaphore_mem>>)
        %dma_wait3A_681 = arith.constant 0 : i32
        %dma_wait3A_682 = tpu.memref_slice %arg4[%add3A_594, %dma_wait3A_681] : memref<102400x128xf32, #tpu.memory_space<hbm>> -> memref<128x128xf32, #tpu.memory_space<hbm>>
        %dma_wait3A_683 = arith.constant 0 : i32
        %dma_wait3A_684 = tpu.memref_slice %arg4[%add3A_594, %dma_wait3A_683] : memref<102400x128xf32, #tpu.memory_space<hbm>> -> memref<128x128xf32, #tpu.memory_space<hbm>>
        tpu.wait_dma2 semaphore(%run_scoped3A : memref<!tpu.dma_semaphore, #tpu.memory_space<semaphore_mem>>) src(%arg8 : memref<128x128xf32, #tpu.memory_space<vmem>>) dst(%dma_wait3A_684 : memref<128x128xf32, #tpu.memory_space<hbm>>)
        tpu.yield
      }) : () -> ()
      %dma_start3A_595 = arith.constant 38 : i32
      %dma_start3A_596 = arith.constant 0 : i32
      %dma_start3A_597 = tpu.memref_slice %arg5[%dma_start3A_595, %dma_start3A_596] : memref<50x128xi32, #tpu.memory_space<vmem>> -> memref<1x128xi32, #tpu.memory_space<vmem>>
      %dma_start3A_598 = tpu.memref_squeeze %dma_start3A_597 : memref<1x128xi32, #tpu.memory_space<vmem>> -> memref<128xi32, #tpu.memory_space<vmem>>
      %dma_start3A_599 = arith.constant 0 : i32
      %dma_start3A_600 = arith.constant 0 : i32
      %dma_start3A_601 = tpu.memref_slice %arg2[%dma_start3A_599, %dma_start3A_600] : memref<102400x128xf32, #tpu.memory_space<hbm>> -> memref<102400x128xf32, #tpu.memory_space<hbm>>
      tpu.enqueue_indirect_dma source(%dma_start3A_601 : memref<102400x128xf32, #tpu.memory_space<hbm>>) target(%arg8 : memref<128x128xf32, #tpu.memory_space<vmem>>) offsets(%dma_start3A_598 : memref<128xi32, #tpu.memory_space<vmem>>) semaphore(%arg11 : memref<!tpu.dma_semaphore, #tpu.memory_space<semaphore_mem>>)
      %dma_wait3A_602 = arith.constant 36 : i32
      %dma_wait3A_603 = arith.constant 0 : i32
      %dma_wait3A_604 = tpu.memref_slice %arg5[%dma_wait3A_602, %dma_wait3A_603] : memref<50x128xi32, #tpu.memory_space<vmem>> -> memref<1x128xi32, #tpu.memory_space<vmem>>
      %dma_wait3A_605 = tpu.memref_squeeze %dma_wait3A_604 : memref<1x128xi32, #tpu.memory_space<vmem>> -> memref<128xi32, #tpu.memory_space<vmem>>
      %dma_wait3A_606 = arith.constant 0 : i32
      %dma_wait3A_607 = arith.constant 0 : i32
      %dma_wait3A_608 = tpu.memref_slice %arg2[%dma_wait3A_606, %dma_wait3A_607] : memref<102400x128xf32, #tpu.memory_space<hbm>> -> memref<102400x128xf32, #tpu.memory_space<hbm>>
      tpu.wait_indirect_dma semaphore(%arg9 : memref<!tpu.dma_semaphore, #tpu.memory_space<semaphore_mem>>) src(%dma_wait3A_608 : memref<102400x128xf32, #tpu.memory_space<hbm>>) dst(%arg6 : memref<128x128xf32, #tpu.memory_space<vmem>>)
      %add3A_609 = arith.constant 4608 : i32
      %add3A_610 = arith.addi %mul3A_0, %add3A_609 : i32
      "tpu.region"() ({
        %run_scoped3A = tpu.sem_alloc : memref<!tpu.dma_semaphore, #tpu.memory_space<semaphore_mem>>
        %dma_start3A_677 = arith.constant 0 : i32
        %dma_start3A_678 = tpu.memref_slice %arg4[%add3A_610, %dma_start3A_677] : memref<102400x128xf32, #tpu.memory_space<hbm>> -> memref<128x128xf32, #tpu.memory_space<hbm>>
        %dma_start3A_679 = arith.constant 0 : i32
        %dma_start3A_680 = tpu.memref_slice %arg4[%add3A_610, %dma_start3A_679] : memref<102400x128xf32, #tpu.memory_space<hbm>> -> memref<128x128xf32, #tpu.memory_space<hbm>>
        tpu.enqueue_dma source(%arg6 : memref<128x128xf32, #tpu.memory_space<vmem>>) target(%dma_start3A_680 : memref<128x128xf32, #tpu.memory_space<hbm>>) target_semaphore(%run_scoped3A : memref<!tpu.dma_semaphore, #tpu.memory_space<semaphore_mem>>)
        %dma_wait3A_681 = arith.constant 0 : i32
        %dma_wait3A_682 = tpu.memref_slice %arg4[%add3A_610, %dma_wait3A_681] : memref<102400x128xf32, #tpu.memory_space<hbm>> -> memref<128x128xf32, #tpu.memory_space<hbm>>
        %dma_wait3A_683 = arith.constant 0 : i32
        %dma_wait3A_684 = tpu.memref_slice %arg4[%add3A_610, %dma_wait3A_683] : memref<102400x128xf32, #tpu.memory_space<hbm>> -> memref<128x128xf32, #tpu.memory_space<hbm>>
        tpu.wait_dma2 semaphore(%run_scoped3A : memref<!tpu.dma_semaphore, #tpu.memory_space<semaphore_mem>>) src(%arg6 : memref<128x128xf32, #tpu.memory_space<vmem>>) dst(%dma_wait3A_684 : memref<128x128xf32, #tpu.memory_space<hbm>>)
        tpu.yield
      }) : () -> ()
      %dma_start3A_611 = arith.constant 39 : i32
      %dma_start3A_612 = arith.constant 0 : i32
      %dma_start3A_613 = tpu.memref_slice %arg5[%dma_start3A_611, %dma_start3A_612] : memref<50x128xi32, #tpu.memory_space<vmem>> -> memref<1x128xi32, #tpu.memory_space<vmem>>
      %dma_start3A_614 = tpu.memref_squeeze %dma_start3A_613 : memref<1x128xi32, #tpu.memory_space<vmem>> -> memref<128xi32, #tpu.memory_space<vmem>>
      %dma_start3A_615 = arith.constant 0 : i32
      %dma_start3A_616 = arith.constant 0 : i32
      %dma_start3A_617 = tpu.memref_slice %arg2[%dma_start3A_615, %dma_start3A_616] : memref<102400x128xf32, #tpu.memory_space<hbm>> -> memref<102400x128xf32, #tpu.memory_space<hbm>>
      tpu.enqueue_indirect_dma source(%dma_start3A_617 : memref<102400x128xf32, #tpu.memory_space<hbm>>) target(%arg6 : memref<128x128xf32, #tpu.memory_space<vmem>>) offsets(%dma_start3A_614 : memref<128xi32, #tpu.memory_space<vmem>>) semaphore(%arg9 : memref<!tpu.dma_semaphore, #tpu.memory_space<semaphore_mem>>)
      %dma_wait3A_618 = arith.constant 37 : i32
      %dma_wait3A_619 = arith.constant 0 : i32
      %dma_wait3A_620 = tpu.memref_slice %arg5[%dma_wait3A_618, %dma_wait3A_619] : memref<50x128xi32, #tpu.memory_space<vmem>> -> memref<1x128xi32, #tpu.memory_space<vmem>>
      %dma_wait3A_621 = tpu.memref_squeeze %dma_wait3A_620 : memref<1x128xi32, #tpu.memory_space<vmem>> -> memref<128xi32, #tpu.memory_space<vmem>>
      %dma_wait3A_622 = arith.constant 0 : i32
      %dma_wait3A_623 = arith.constant 0 : i32
      %dma_wait3A_624 = tpu.memref_slice %arg2[%dma_wait3A_622, %dma_wait3A_623] : memref<102400x128xf32, #tpu.memory_space<hbm>> -> memref<102400x128xf32, #tpu.memory_space<hbm>>
      tpu.wait_indirect_dma semaphore(%arg10 : memref<!tpu.dma_semaphore, #tpu.memory_space<semaphore_mem>>) src(%dma_wait3A_624 : memref<102400x128xf32, #tpu.memory_space<hbm>>) dst(%arg7 : memref<128x128xf32, #tpu.memory_space<vmem>>)
      %add3A_625 = arith.constant 4736 : i32
      %add3A_626 = arith.addi %mul3A_0, %add3A_625 : i32
      "tpu.region"() ({
        %run_scoped3A = tpu.sem_alloc : memref<!tpu.dma_semaphore, #tpu.memory_space<semaphore_mem>>
        %dma_start3A_677 = arith.constant 0 : i32
        %dma_start3A_678 = tpu.memref_slice %arg4[%add3A_626, %dma_start3A_677] : memref<102400x128xf32, #tpu.memory_space<hbm>> -> memref<128x128xf32, #tpu.memory_space<hbm>>
        %dma_start3A_679 = arith.constant 0 : i32
        %dma_start3A_680 = tpu.memref_slice %arg4[%add3A_626, %dma_start3A_679] : memref<102400x128xf32, #tpu.memory_space<hbm>> -> memref<128x128xf32, #tpu.memory_space<hbm>>
        tpu.enqueue_dma source(%arg7 : memref<128x128xf32, #tpu.memory_space<vmem>>) target(%dma_start3A_680 : memref<128x128xf32, #tpu.memory_space<hbm>>) target_semaphore(%run_scoped3A : memref<!tpu.dma_semaphore, #tpu.memory_space<semaphore_mem>>)
        %dma_wait3A_681 = arith.constant 0 : i32
        %dma_wait3A_682 = tpu.memref_slice %arg4[%add3A_626, %dma_wait3A_681] : memref<102400x128xf32, #tpu.memory_space<hbm>> -> memref<128x128xf32, #tpu.memory_space<hbm>>
        %dma_wait3A_683 = arith.constant 0 : i32
        %dma_wait3A_684 = tpu.memref_slice %arg4[%add3A_626, %dma_wait3A_683] : memref<102400x128xf32, #tpu.memory_space<hbm>> -> memref<128x128xf32, #tpu.memory_space<hbm>>
        tpu.wait_dma2 semaphore(%run_scoped3A : memref<!tpu.dma_semaphore, #tpu.memory_space<semaphore_mem>>) src(%arg7 : memref<128x128xf32, #tpu.memory_space<vmem>>) dst(%dma_wait3A_684 : memref<128x128xf32, #tpu.memory_space<hbm>>)
        tpu.yield
      }) : () -> ()
      %dma_start3A_627 = arith.constant 40 : i32
      %dma_start3A_628 = arith.constant 0 : i32
      %dma_start3A_629 = tpu.memref_slice %arg5[%dma_start3A_627, %dma_start3A_628] : memref<50x128xi32, #tpu.memory_space<vmem>> -> memref<1x128xi32, #tpu.memory_space<vmem>>
      %dma_start3A_630 = tpu.memref_squeeze %dma_start3A_629 : memref<1x128xi32, #tpu.memory_space<vmem>> -> memref<128xi32, #tpu.memory_space<vmem>>
      %dma_start3A_631 = arith.constant 0 : i32
      %dma_start3A_632 = arith.constant 0 : i32
      %dma_start3A_633 = tpu.memref_slice %arg2[%dma_start3A_631, %dma_start3A_632] : memref<102400x128xf32, #tpu.memory_space<hbm>> -> memref<102400x128xf32, #tpu.memory_space<hbm>>
      tpu.enqueue_indirect_dma source(%dma_start3A_633 : memref<102400x128xf32, #tpu.memory_space<hbm>>) target(%arg7 : memref<128x128xf32, #tpu.memory_space<vmem>>) offsets(%dma_start3A_630 : memref<128xi32, #tpu.memory_space<vmem>>) semaphore(%arg10 : memref<!tpu.dma_semaphore, #tpu.memory_space<semaphore_mem>>)
      %dma_wait3A_634 = arith.constant 38 : i32
      %dma_wait3A_635 = arith.constant 0 : i32
      %dma_wait3A_636 = tpu.memref_slice %arg5[%dma_wait3A_634, %dma_wait3A_635] : memref<50x128xi32, #tpu.memory_space<vmem>> -> memref<1x128xi32, #tpu.memory_space<vmem>>
      %dma_wait3A_637 = tpu.memref_squeeze %dma_wait3A_636 : memref<1x128xi32, #tpu.memory_space<vmem>> -> memref<128xi32, #tpu.memory_space<vmem>>
      %dma_wait3A_638 = arith.constant 0 : i32
      %dma_wait3A_639 = arith.constant 0 : i32
      %dma_wait3A_640 = tpu.memref_slice %arg2[%dma_wait3A_638, %dma_wait3A_639] : memref<102400x128xf32, #tpu.memory_space<hbm>> -> memref<102400x128xf32, #tpu.memory_space<hbm>>
      tpu.wait_indirect_dma semaphore(%arg11 : memref<!tpu.dma_semaphore, #tpu.memory_space<semaphore_mem>>) src(%dma_wait3A_640 : memref<102400x128xf32, #tpu.memory_space<hbm>>) dst(%arg8 : memref<128x128xf32, #tpu.memory_space<vmem>>)
      %add3A_641 = arith.constant 4864 : i32
      %add3A_642 = arith.addi %mul3A_0, %add3A_641 : i32
      "tpu.region"() ({
        %run_scoped3A = tpu.sem_alloc : memref<!tpu.dma_semaphore, #tpu.memory_space<semaphore_mem>>
        %dma_start3A_677 = arith.constant 0 : i32
        %dma_start3A_678 = tpu.memref_slice %arg4[%add3A_642, %dma_start3A_677] : memref<102400x128xf32, #tpu.memory_space<hbm>> -> memref<128x128xf32, #tpu.memory_space<hbm>>
        %dma_start3A_679 = arith.constant 0 : i32
        %dma_start3A_680 = tpu.memref_slice %arg4[%add3A_642, %dma_start3A_679] : memref<102400x128xf32, #tpu.memory_space<hbm>> -> memref<128x128xf32, #tpu.memory_space<hbm>>
        tpu.enqueue_dma source(%arg8 : memref<128x128xf32, #tpu.memory_space<vmem>>) target(%dma_start3A_680 : memref<128x128xf32, #tpu.memory_space<hbm>>) target_semaphore(%run_scoped3A : memref<!tpu.dma_semaphore, #tpu.memory_space<semaphore_mem>>)
        %dma_wait3A_681 = arith.constant 0 : i32
        %dma_wait3A_682 = tpu.memref_slice %arg4[%add3A_642, %dma_wait3A_681] : memref<102400x128xf32, #tpu.memory_space<hbm>> -> memref<128x128xf32, #tpu.memory_space<hbm>>
        %dma_wait3A_683 = arith.constant 0 : i32
        %dma_wait3A_684 = tpu.memref_slice %arg4[%add3A_642, %dma_wait3A_683] : memref<102400x128xf32, #tpu.memory_space<hbm>> -> memref<128x128xf32, #tpu.memory_space<hbm>>
        tpu.wait_dma2 semaphore(%run_scoped3A : memref<!tpu.dma_semaphore, #tpu.memory_space<semaphore_mem>>) src(%arg8 : memref<128x128xf32, #tpu.memory_space<vmem>>) dst(%dma_wait3A_684 : memref<128x128xf32, #tpu.memory_space<hbm>>)
        tpu.yield
      }) : () -> ()
      %dma_start3A_643 = arith.constant 41 : i32
      %dma_start3A_644 = arith.constant 0 : i32
      %dma_start3A_645 = tpu.memref_slice %arg5[%dma_start3A_643, %dma_start3A_644] : memref<50x128xi32, #tpu.memory_space<vmem>> -> memref<1x128xi32, #tpu.memory_space<vmem>>
      %dma_start3A_646 = tpu.memref_squeeze %dma_start3A_645 : memref<1x128xi32, #tpu.memory_space<vmem>> -> memref<128xi32, #tpu.memory_space<vmem>>
      %dma_start3A_647 = arith.constant 0 : i32
      %dma_start3A_648 = arith.constant 0 : i32
      %dma_start3A_649 = tpu.memref_slice %arg2[%dma_start3A_647, %dma_start3A_648] : memref<102400x128xf32, #tpu.memory_space<hbm>> -> memref<102400x128xf32, #tpu.memory_space<hbm>>
      tpu.enqueue_indirect_dma source(%dma_start3A_649 : memref<102400x128xf32, #tpu.memory_space<hbm>>) target(%arg8 : memref<128x128xf32, #tpu.memory_space<vmem>>) offsets(%dma_start3A_646 : memref<128xi32, #tpu.memory_space<vmem>>) semaphore(%arg11 : memref<!tpu.dma_semaphore, #tpu.memory_space<semaphore_mem>>)
      %dma_wait3A_650 = arith.constant 39 : i32
      %dma_wait3A_651 = arith.constant 0 : i32
      %dma_wait3A_652 = tpu.memref_slice %arg5[%dma_wait3A_650, %dma_wait3A_651] : memref<50x128xi32, #tpu.memory_space<vmem>> -> memref<1x128xi32, #tpu.memory_space<vmem>>
      %dma_wait3A_653 = tpu.memref_squeeze %dma_wait3A_652 : memref<1x128xi32, #tpu.memory_space<vmem>> -> memref<128xi32, #tpu.memory_space<vmem>>
      %dma_wait3A_654 = arith.constant 0 : i32
      %dma_wait3A_655 = arith.constant 0 : i32
      %dma_wait3A_656 = tpu.memref_slice %arg2[%dma_wait3A_654, %dma_wait3A_655] : memref<102400x128xf32, #tpu.memory_space<hbm>> -> memref<102400x128xf32, #tpu.memory_space<hbm>>
      tpu.wait_indirect_dma semaphore(%arg9 : memref<!tpu.dma_semaphore, #tpu.memory_space<semaphore_mem>>) src(%dma_wait3A_656 : memref<102400x128xf32, #tpu.memory_space<hbm>>) dst(%arg6 : memref<128x128xf32, #tpu.memory_space<vmem>>)
      %add3A_657 = arith.constant 4992 : i32
      %add3A_658 = arith.addi %mul3A_0, %add3A_657 : i32
      "tpu.region"() ({
        %run_scoped3A = tpu.sem_alloc : memref<!tpu.dma_semaphore, #tpu.memory_space<semaphore_mem>>
        %dma_start3A_677 = arith.constant 0 : i32
        %dma_start3A_678 = tpu.memref_slice %arg4[%add3A_658, %dma_start3A_677] : memref<102400x128xf32, #tpu.memory_space<hbm>> -> memref<128x128xf32, #tpu.memory_space<hbm>>
        %dma_start3A_679 = arith.constant 0 : i32
        %dma_start3A_680 = tpu.memref_slice %arg4[%add3A_658, %dma_start3A_679] : memref<102400x128xf32, #tpu.memory_space<hbm>> -> memref<128x128xf32, #tpu.memory_space<hbm>>
        tpu.enqueue_dma source(%arg6 : memref<128x128xf32, #tpu.memory_space<vmem>>) target(%dma_start3A_680 : memref<128x128xf32, #tpu.memory_space<hbm>>) target_semaphore(%run_scoped3A : memref<!tpu.dma_semaphore, #tpu.memory_space<semaphore_mem>>)
        %dma_wait3A_681 = arith.constant 0 : i32
        %dma_wait3A_682 = tpu.memref_slice %arg4[%add3A_658, %dma_wait3A_681] : memref<102400x128xf32, #tpu.memory_space<hbm>> -> memref<128x128xf32, #tpu.memory_space<hbm>>
        %dma_wait3A_683 = arith.constant 0 : i32
        %dma_wait3A_684 = tpu.memref_slice %arg4[%add3A_658, %dma_wait3A_683] : memref<102400x128xf32, #tpu.memory_space<hbm>> -> memref<128x128xf32, #tpu.memory_space<hbm>>
        tpu.wait_dma2 semaphore(%run_scoped3A : memref<!tpu.dma_semaphore, #tpu.memory_space<semaphore_mem>>) src(%arg6 : memref<128x128xf32, #tpu.memory_space<vmem>>) dst(%dma_wait3A_684 : memref<128x128xf32, #tpu.memory_space<hbm>>)
        tpu.yield
      }) : () -> ()
      %dma_wait3A_659 = arith.constant 40 : i32
      %dma_wait3A_660 = arith.constant 0 : i32
      %dma_wait3A_661 = tpu.memref_slice %arg5[%dma_wait3A_659, %dma_wait3A_660] : memref<50x128xi32, #tpu.memory_space<vmem>> -> memref<1x128xi32, #tpu.memory_space<vmem>>
      %dma_wait3A_662 = tpu.memref_squeeze %dma_wait3A_661 : memref<1x128xi32, #tpu.memory_space<vmem>> -> memref<128xi32, #tpu.memory_space<vmem>>
      %dma_wait3A_663 = arith.constant 0 : i32
      %dma_wait3A_664 = arith.constant 0 : i32
      %dma_wait3A_665 = tpu.memref_slice %arg2[%dma_wait3A_663, %dma_wait3A_664] : memref<102400x128xf32, #tpu.memory_space<hbm>> -> memref<102400x128xf32, #tpu.memory_space<hbm>>
      tpu.wait_indirect_dma semaphore(%arg10 : memref<!tpu.dma_semaphore, #tpu.memory_space<semaphore_mem>>) src(%dma_wait3A_665 : memref<102400x128xf32, #tpu.memory_space<hbm>>) dst(%arg7 : memref<128x128xf32, #tpu.memory_space<vmem>>)
      %add3A_666 = arith.constant 5120 : i32
      %add3A_667 = arith.addi %mul3A_0, %add3A_666 : i32
      "tpu.region"() ({
        %run_scoped3A = tpu.sem_alloc : memref<!tpu.dma_semaphore, #tpu.memory_space<semaphore_mem>>
        %dma_start3A_677 = arith.constant 0 : i32
        %dma_start3A_678 = tpu.memref_slice %arg4[%add3A_667, %dma_start3A_677] : memref<102400x128xf32, #tpu.memory_space<hbm>> -> memref<128x128xf32, #tpu.memory_space<hbm>>
        %dma_start3A_679 = arith.constant 0 : i32
        %dma_start3A_680 = tpu.memref_slice %arg4[%add3A_667, %dma_start3A_679] : memref<102400x128xf32, #tpu.memory_space<hbm>> -> memref<128x128xf32, #tpu.memory_space<hbm>>
        tpu.enqueue_dma source(%arg7 : memref<128x128xf32, #tpu.memory_space<vmem>>) target(%dma_start3A_680 : memref<128x128xf32, #tpu.memory_space<hbm>>) target_semaphore(%run_scoped3A : memref<!tpu.dma_semaphore, #tpu.memory_space<semaphore_mem>>)
        %dma_wait3A_681 = arith.constant 0 : i32
        %dma_wait3A_682 = tpu.memref_slice %arg4[%add3A_667, %dma_wait3A_681] : memref<102400x128xf32, #tpu.memory_space<hbm>> -> memref<128x128xf32, #tpu.memory_space<hbm>>
        %dma_wait3A_683 = arith.constant 0 : i32
        %dma_wait3A_684 = tpu.memref_slice %arg4[%add3A_667, %dma_wait3A_683] : memref<102400x128xf32, #tpu.memory_space<hbm>> -> memref<128x128xf32, #tpu.memory_space<hbm>>
        tpu.wait_dma2 semaphore(%run_scoped3A : memref<!tpu.dma_semaphore, #tpu.memory_space<semaphore_mem>>) src(%arg7 : memref<128x128xf32, #tpu.memory_space<vmem>>) dst(%dma_wait3A_684 : memref<128x128xf32, #tpu.memory_space<hbm>>)
        tpu.yield
      }) : () -> ()
      %dma_wait3A_668 = arith.constant 41 : i32
      %dma_wait3A_669 = arith.constant 0 : i32
      %dma_wait3A_670 = tpu.memref_slice %arg5[%dma_wait3A_668, %dma_wait3A_669] : memref<50x128xi32, #tpu.memory_space<vmem>> -> memref<1x128xi32, #tpu.memory_space<vmem>>
      %dma_wait3A_671 = tpu.memref_squeeze %dma_wait3A_670 : memref<1x128xi32, #tpu.memory_space<vmem>> -> memref<128xi32, #tpu.memory_space<vmem>>
      %dma_wait3A_672 = arith.constant 0 : i32
      %dma_wait3A_673 = arith.constant 0 : i32
      %dma_wait3A_674 = tpu.memref_slice %arg2[%dma_wait3A_672, %dma_wait3A_673] : memref<102400x128xf32, #tpu.memory_space<hbm>> -> memref<102400x128xf32, #tpu.memory_space<hbm>>
      tpu.wait_indirect_dma semaphore(%arg11 : memref<!tpu.dma_semaphore, #tpu.memory_space<semaphore_mem>>) src(%dma_wait3A_674 : memref<102400x128xf32, #tpu.memory_space<hbm>>) dst(%arg8 : memref<128x128xf32, #tpu.memory_space<vmem>>)
      %add3A_675 = arith.constant 5248 : i32
      %add3A_676 = arith.addi %mul3A_0, %add3A_675 : i32
      "tpu.region"() ({
        %run_scoped3A = tpu.sem_alloc : memref<!tpu.dma_semaphore, #tpu.memory_space<semaphore_mem>>
        %dma_start3A_677 = arith.constant 0 : i32
        %dma_start3A_678 = tpu.memref_slice %arg4[%add3A_676, %dma_start3A_677] : memref<102400x128xf32, #tpu.memory_space<hbm>> -> memref<128x128xf32, #tpu.memory_space<hbm>>
        %dma_start3A_679 = arith.constant 0 : i32
        %dma_start3A_680 = tpu.memref_slice %arg4[%add3A_676, %dma_start3A_679] : memref<102400x128xf32, #tpu.memory_space<hbm>> -> memref<128x128xf32, #tpu.memory_space<hbm>>
        tpu.enqueue_dma source(%arg8 : memref<128x128xf32, #tpu.memory_space<vmem>>) target(%dma_start3A_680 : memref<128x128xf32, #tpu.memory_space<hbm>>) target_semaphore(%run_scoped3A : memref<!tpu.dma_semaphore, #tpu.memory_space<semaphore_mem>>)
        %dma_wait3A_681 = arith.constant 0 : i32
        %dma_wait3A_682 = tpu.memref_slice %arg4[%add3A_676, %dma_wait3A_681] : memref<102400x128xf32, #tpu.memory_space<hbm>> -> memref<128x128xf32, #tpu.memory_space<hbm>>
        %dma_wait3A_683 = arith.constant 0 : i32
        %dma_wait3A_684 = tpu.memref_slice %arg4[%add3A_676, %dma_wait3A_683] : memref<102400x128xf32, #tpu.memory_space<hbm>> -> memref<128x128xf32, #tpu.memory_space<hbm>>
        tpu.wait_dma2 semaphore(%run_scoped3A : memref<!tpu.dma_semaphore, #tpu.memory_space<semaphore_mem>>) src(%arg8 : memref<128x128xf32, #tpu.memory_space<vmem>>) dst(%dma_wait3A_684 : memref<128x128xf32, #tpu.memory_space<hbm>>)
        tpu.yield
      }) : () -> ()
    } else {
    }
    %eq3A_3 = arith.constant 1 : i32
    %eq3A_4 = arith.cmpi eq, %arg0, %eq3A_3 : i32
    %convert_element_type3A_5 = arith.extui %eq3A_4 : i1 to i32
    %cond3A_6 = arith.constant 0 : i32
    %cond3A_7 = arith.cmpi ne, %convert_element_type3A_5, %cond3A_6 : i32
    scf.if %cond3A_7 {
      %dma_start3A = arith.constant 42 : i32
      %dma_start3A_8 = arith.constant 0 : i32
      %dma_start3A_9 = tpu.memref_slice %arg5[%dma_start3A, %dma_start3A_8] : memref<50x128xi32, #tpu.memory_space<vmem>> -> memref<1x128xi32, #tpu.memory_space<vmem>>
      %dma_start3A_10 = tpu.memref_squeeze %dma_start3A_9 : memref<1x128xi32, #tpu.memory_space<vmem>> -> memref<128xi32, #tpu.memory_space<vmem>>
      %dma_start3A_11 = arith.constant 0 : i32
      %dma_start3A_12 = arith.constant 0 : i32
      %dma_start3A_13 = tpu.memref_slice %arg2[%dma_start3A_11, %dma_start3A_12] : memref<102400x128xf32, #tpu.memory_space<hbm>> -> memref<102400x128xf32, #tpu.memory_space<hbm>>
      tpu.enqueue_indirect_dma source(%dma_start3A_13 : memref<102400x128xf32, #tpu.memory_space<hbm>>) target(%arg6 : memref<128x128xf32, #tpu.memory_space<vmem>>) offsets(%dma_start3A_10 : memref<128xi32, #tpu.memory_space<vmem>>) semaphore(%arg9 : memref<!tpu.dma_semaphore, #tpu.memory_space<semaphore_mem>>)
      %dma_start3A_14 = arith.constant 43 : i32
      %dma_start3A_15 = arith.constant 0 : i32
      %dma_start3A_16 = tpu.memref_slice %arg5[%dma_start3A_14, %dma_start3A_15] : memref<50x128xi32, #tpu.memory_space<vmem>> -> memref<1x128xi32, #tpu.memory_space<vmem>>
      %dma_start3A_17 = tpu.memref_squeeze %dma_start3A_16 : memref<1x128xi32, #tpu.memory_space<vmem>> -> memref<128xi32, #tpu.memory_space<vmem>>
      %dma_start3A_18 = arith.constant 0 : i32
      %dma_start3A_19 = arith.constant 0 : i32
      %dma_start3A_20 = tpu.memref_slice %arg2[%dma_start3A_18, %dma_start3A_19] : memref<102400x128xf32, #tpu.memory_space<hbm>> -> memref<102400x128xf32, #tpu.memory_space<hbm>>
      tpu.enqueue_indirect_dma source(%dma_start3A_20 : memref<102400x128xf32, #tpu.memory_space<hbm>>) target(%arg7 : memref<128x128xf32, #tpu.memory_space<vmem>>) offsets(%dma_start3A_17 : memref<128xi32, #tpu.memory_space<vmem>>) semaphore(%arg10 : memref<!tpu.dma_semaphore, #tpu.memory_space<semaphore_mem>>)
      %dma_start3A_21 = arith.constant 44 : i32
      %dma_start3A_22 = arith.constant 0 : i32
      %dma_start3A_23 = tpu.memref_slice %arg5[%dma_start3A_21, %dma_start3A_22] : memref<50x128xi32, #tpu.memory_space<vmem>> -> memref<1x128xi32, #tpu.memory_space<vmem>>
      %dma_start3A_24 = tpu.memref_squeeze %dma_start3A_23 : memref<1x128xi32, #tpu.memory_space<vmem>> -> memref<128xi32, #tpu.memory_space<vmem>>
      %dma_start3A_25 = arith.constant 0 : i32
      %dma_start3A_26 = arith.constant 0 : i32
      %dma_start3A_27 = tpu.memref_slice %arg2[%dma_start3A_25, %dma_start3A_26] : memref<102400x128xf32, #tpu.memory_space<hbm>> -> memref<102400x128xf32, #tpu.memory_space<hbm>>
      tpu.enqueue_indirect_dma source(%dma_start3A_27 : memref<102400x128xf32, #tpu.memory_space<hbm>>) target(%arg8 : memref<128x128xf32, #tpu.memory_space<vmem>>) offsets(%dma_start3A_24 : memref<128xi32, #tpu.memory_space<vmem>>) semaphore(%arg11 : memref<!tpu.dma_semaphore, #tpu.memory_space<semaphore_mem>>)
      %dma_wait3A = arith.constant 42 : i32
      %dma_wait3A_28 = arith.constant 0 : i32
      %dma_wait3A_29 = tpu.memref_slice %arg5[%dma_wait3A, %dma_wait3A_28] : memref<50x128xi32, #tpu.memory_space<vmem>> -> memref<1x128xi32, #tpu.memory_space<vmem>>
      %dma_wait3A_30 = tpu.memref_squeeze %dma_wait3A_29 : memref<1x128xi32, #tpu.memory_space<vmem>> -> memref<128xi32, #tpu.memory_space<vmem>>
      %dma_wait3A_31 = arith.constant 0 : i32
      %dma_wait3A_32 = arith.constant 0 : i32
      %dma_wait3A_33 = tpu.memref_slice %arg2[%dma_wait3A_31, %dma_wait3A_32] : memref<102400x128xf32, #tpu.memory_space<hbm>> -> memref<102400x128xf32, #tpu.memory_space<hbm>>
      tpu.wait_indirect_dma semaphore(%arg9 : memref<!tpu.dma_semaphore, #tpu.memory_space<semaphore_mem>>) src(%dma_wait3A_33 : memref<102400x128xf32, #tpu.memory_space<hbm>>) dst(%arg6 : memref<128x128xf32, #tpu.memory_space<vmem>>)
      %add3A = arith.constant 5376 : i32
      %add3A_34 = arith.addi %mul3A_0, %add3A : i32
      "tpu.region"() ({
        %run_scoped3A = tpu.sem_alloc : memref<!tpu.dma_semaphore, #tpu.memory_space<semaphore_mem>>
        %dma_start3A_133 = arith.constant 0 : i32
        %dma_start3A_134 = tpu.memref_slice %arg4[%add3A_34, %dma_start3A_133] : memref<102400x128xf32, #tpu.memory_space<hbm>> -> memref<128x128xf32, #tpu.memory_space<hbm>>
        %dma_start3A_135 = arith.constant 0 : i32
        %dma_start3A_136 = tpu.memref_slice %arg4[%add3A_34, %dma_start3A_135] : memref<102400x128xf32, #tpu.memory_space<hbm>> -> memref<128x128xf32, #tpu.memory_space<hbm>>
        tpu.enqueue_dma source(%arg6 : memref<128x128xf32, #tpu.memory_space<vmem>>) target(%dma_start3A_136 : memref<128x128xf32, #tpu.memory_space<hbm>>) target_semaphore(%run_scoped3A : memref<!tpu.dma_semaphore, #tpu.memory_space<semaphore_mem>>)
        %dma_wait3A_137 = arith.constant 0 : i32
        %dma_wait3A_138 = tpu.memref_slice %arg4[%add3A_34, %dma_wait3A_137] : memref<102400x128xf32, #tpu.memory_space<hbm>> -> memref<128x128xf32, #tpu.memory_space<hbm>>
        %dma_wait3A_139 = arith.constant 0 : i32
        %dma_wait3A_140 = tpu.memref_slice %arg4[%add3A_34, %dma_wait3A_139] : memref<102400x128xf32, #tpu.memory_space<hbm>> -> memref<128x128xf32, #tpu.memory_space<hbm>>
        tpu.wait_dma2 semaphore(%run_scoped3A : memref<!tpu.dma_semaphore, #tpu.memory_space<semaphore_mem>>) src(%arg6 : memref<128x128xf32, #tpu.memory_space<vmem>>) dst(%dma_wait3A_140 : memref<128x128xf32, #tpu.memory_space<hbm>>)
        tpu.yield
      }) : () -> ()
      %dma_start3A_35 = arith.constant 45 : i32
      %dma_start3A_36 = arith.constant 0 : i32
      %dma_start3A_37 = tpu.memref_slice %arg5[%dma_start3A_35, %dma_start3A_36] : memref<50x128xi32, #tpu.memory_space<vmem>> -> memref<1x128xi32, #tpu.memory_space<vmem>>
      %dma_start3A_38 = tpu.memref_squeeze %dma_start3A_37 : memref<1x128xi32, #tpu.memory_space<vmem>> -> memref<128xi32, #tpu.memory_space<vmem>>
      %dma_start3A_39 = arith.constant 0 : i32
      %dma_start3A_40 = arith.constant 0 : i32
      %dma_start3A_41 = tpu.memref_slice %arg2[%dma_start3A_39, %dma_start3A_40] : memref<102400x128xf32, #tpu.memory_space<hbm>> -> memref<102400x128xf32, #tpu.memory_space<hbm>>
      tpu.enqueue_indirect_dma source(%dma_start3A_41 : memref<102400x128xf32, #tpu.memory_space<hbm>>) target(%arg6 : memref<128x128xf32, #tpu.memory_space<vmem>>) offsets(%dma_start3A_38 : memref<128xi32, #tpu.memory_space<vmem>>) semaphore(%arg9 : memref<!tpu.dma_semaphore, #tpu.memory_space<semaphore_mem>>)
      %dma_wait3A_42 = arith.constant 43 : i32
      %dma_wait3A_43 = arith.constant 0 : i32
      %dma_wait3A_44 = tpu.memref_slice %arg5[%dma_wait3A_42, %dma_wait3A_43] : memref<50x128xi32, #tpu.memory_space<vmem>> -> memref<1x128xi32, #tpu.memory_space<vmem>>
      %dma_wait3A_45 = tpu.memref_squeeze %dma_wait3A_44 : memref<1x128xi32, #tpu.memory_space<vmem>> -> memref<128xi32, #tpu.memory_space<vmem>>
      %dma_wait3A_46 = arith.constant 0 : i32
      %dma_wait3A_47 = arith.constant 0 : i32
      %dma_wait3A_48 = tpu.memref_slice %arg2[%dma_wait3A_46, %dma_wait3A_47] : memref<102400x128xf32, #tpu.memory_space<hbm>> -> memref<102400x128xf32, #tpu.memory_space<hbm>>
      tpu.wait_indirect_dma semaphore(%arg10 : memref<!tpu.dma_semaphore, #tpu.memory_space<semaphore_mem>>) src(%dma_wait3A_48 : memref<102400x128xf32, #tpu.memory_space<hbm>>) dst(%arg7 : memref<128x128xf32, #tpu.memory_space<vmem>>)
      %add3A_49 = arith.constant 5504 : i32
      %add3A_50 = arith.addi %mul3A_0, %add3A_49 : i32
      "tpu.region"() ({
        %run_scoped3A = tpu.sem_alloc : memref<!tpu.dma_semaphore, #tpu.memory_space<semaphore_mem>>
        %dma_start3A_133 = arith.constant 0 : i32
        %dma_start3A_134 = tpu.memref_slice %arg4[%add3A_50, %dma_start3A_133] : memref<102400x128xf32, #tpu.memory_space<hbm>> -> memref<128x128xf32, #tpu.memory_space<hbm>>
        %dma_start3A_135 = arith.constant 0 : i32
        %dma_start3A_136 = tpu.memref_slice %arg4[%add3A_50, %dma_start3A_135] : memref<102400x128xf32, #tpu.memory_space<hbm>> -> memref<128x128xf32, #tpu.memory_space<hbm>>
        tpu.enqueue_dma source(%arg7 : memref<128x128xf32, #tpu.memory_space<vmem>>) target(%dma_start3A_136 : memref<128x128xf32, #tpu.memory_space<hbm>>) target_semaphore(%run_scoped3A : memref<!tpu.dma_semaphore, #tpu.memory_space<semaphore_mem>>)
        %dma_wait3A_137 = arith.constant 0 : i32
        %dma_wait3A_138 = tpu.memref_slice %arg4[%add3A_50, %dma_wait3A_137] : memref<102400x128xf32, #tpu.memory_space<hbm>> -> memref<128x128xf32, #tpu.memory_space<hbm>>
        %dma_wait3A_139 = arith.constant 0 : i32
        %dma_wait3A_140 = tpu.memref_slice %arg4[%add3A_50, %dma_wait3A_139] : memref<102400x128xf32, #tpu.memory_space<hbm>> -> memref<128x128xf32, #tpu.memory_space<hbm>>
        tpu.wait_dma2 semaphore(%run_scoped3A : memref<!tpu.dma_semaphore, #tpu.memory_space<semaphore_mem>>) src(%arg7 : memref<128x128xf32, #tpu.memory_space<vmem>>) dst(%dma_wait3A_140 : memref<128x128xf32, #tpu.memory_space<hbm>>)
        tpu.yield
      }) : () -> ()
      %dma_start3A_51 = arith.constant 46 : i32
      %dma_start3A_52 = arith.constant 0 : i32
      %dma_start3A_53 = tpu.memref_slice %arg5[%dma_start3A_51, %dma_start3A_52] : memref<50x128xi32, #tpu.memory_space<vmem>> -> memref<1x128xi32, #tpu.memory_space<vmem>>
      %dma_start3A_54 = tpu.memref_squeeze %dma_start3A_53 : memref<1x128xi32, #tpu.memory_space<vmem>> -> memref<128xi32, #tpu.memory_space<vmem>>
      %dma_start3A_55 = arith.constant 0 : i32
      %dma_start3A_56 = arith.constant 0 : i32
      %dma_start3A_57 = tpu.memref_slice %arg2[%dma_start3A_55, %dma_start3A_56] : memref<102400x128xf32, #tpu.memory_space<hbm>> -> memref<102400x128xf32, #tpu.memory_space<hbm>>
      tpu.enqueue_indirect_dma source(%dma_start3A_57 : memref<102400x128xf32, #tpu.memory_space<hbm>>) target(%arg7 : memref<128x128xf32, #tpu.memory_space<vmem>>) offsets(%dma_start3A_54 : memref<128xi32, #tpu.memory_space<vmem>>) semaphore(%arg10 : memref<!tpu.dma_semaphore, #tpu.memory_space<semaphore_mem>>)
      %dma_wait3A_58 = arith.constant 44 : i32
      %dma_wait3A_59 = arith.constant 0 : i32
      %dma_wait3A_60 = tpu.memref_slice %arg5[%dma_wait3A_58, %dma_wait3A_59] : memref<50x128xi32, #tpu.memory_space<vmem>> -> memref<1x128xi32, #tpu.memory_space<vmem>>
      %dma_wait3A_61 = tpu.memref_squeeze %dma_wait3A_60 : memref<1x128xi32, #tpu.memory_space<vmem>> -> memref<128xi32, #tpu.memory_space<vmem>>
      %dma_wait3A_62 = arith.constant 0 : i32
      %dma_wait3A_63 = arith.constant 0 : i32
      %dma_wait3A_64 = tpu.memref_slice %arg2[%dma_wait3A_62, %dma_wait3A_63] : memref<102400x128xf32, #tpu.memory_space<hbm>> -> memref<102400x128xf32, #tpu.memory_space<hbm>>
      tpu.wait_indirect_dma semaphore(%arg11 : memref<!tpu.dma_semaphore, #tpu.memory_space<semaphore_mem>>) src(%dma_wait3A_64 : memref<102400x128xf32, #tpu.memory_space<hbm>>) dst(%arg8 : memref<128x128xf32, #tpu.memory_space<vmem>>)
      %add3A_65 = arith.constant 5632 : i32
      %add3A_66 = arith.addi %mul3A_0, %add3A_65 : i32
      "tpu.region"() ({
        %run_scoped3A = tpu.sem_alloc : memref<!tpu.dma_semaphore, #tpu.memory_space<semaphore_mem>>
        %dma_start3A_133 = arith.constant 0 : i32
        %dma_start3A_134 = tpu.memref_slice %arg4[%add3A_66, %dma_start3A_133] : memref<102400x128xf32, #tpu.memory_space<hbm>> -> memref<128x128xf32, #tpu.memory_space<hbm>>
        %dma_start3A_135 = arith.constant 0 : i32
        %dma_start3A_136 = tpu.memref_slice %arg4[%add3A_66, %dma_start3A_135] : memref<102400x128xf32, #tpu.memory_space<hbm>> -> memref<128x128xf32, #tpu.memory_space<hbm>>
        tpu.enqueue_dma source(%arg8 : memref<128x128xf32, #tpu.memory_space<vmem>>) target(%dma_start3A_136 : memref<128x128xf32, #tpu.memory_space<hbm>>) target_semaphore(%run_scoped3A : memref<!tpu.dma_semaphore, #tpu.memory_space<semaphore_mem>>)
        %dma_wait3A_137 = arith.constant 0 : i32
        %dma_wait3A_138 = tpu.memref_slice %arg4[%add3A_66, %dma_wait3A_137] : memref<102400x128xf32, #tpu.memory_space<hbm>> -> memref<128x128xf32, #tpu.memory_space<hbm>>
        %dma_wait3A_139 = arith.constant 0 : i32
        %dma_wait3A_140 = tpu.memref_slice %arg4[%add3A_66, %dma_wait3A_139] : memref<102400x128xf32, #tpu.memory_space<hbm>> -> memref<128x128xf32, #tpu.memory_space<hbm>>
        tpu.wait_dma2 semaphore(%run_scoped3A : memref<!tpu.dma_semaphore, #tpu.memory_space<semaphore_mem>>) src(%arg8 : memref<128x128xf32, #tpu.memory_space<vmem>>) dst(%dma_wait3A_140 : memref<128x128xf32, #tpu.memory_space<hbm>>)
        tpu.yield
      }) : () -> ()
      %dma_start3A_67 = arith.constant 47 : i32
      %dma_start3A_68 = arith.constant 0 : i32
      %dma_start3A_69 = tpu.memref_slice %arg5[%dma_start3A_67, %dma_start3A_68] : memref<50x128xi32, #tpu.memory_space<vmem>> -> memref<1x128xi32, #tpu.memory_space<vmem>>
      %dma_start3A_70 = tpu.memref_squeeze %dma_start3A_69 : memref<1x128xi32, #tpu.memory_space<vmem>> -> memref<128xi32, #tpu.memory_space<vmem>>
      %dma_start3A_71 = arith.constant 0 : i32
      %dma_start3A_72 = arith.constant 0 : i32
      %dma_start3A_73 = tpu.memref_slice %arg2[%dma_start3A_71, %dma_start3A_72] : memref<102400x128xf32, #tpu.memory_space<hbm>> -> memref<102400x128xf32, #tpu.memory_space<hbm>>
      tpu.enqueue_indirect_dma source(%dma_start3A_73 : memref<102400x128xf32, #tpu.memory_space<hbm>>) target(%arg8 : memref<128x128xf32, #tpu.memory_space<vmem>>) offsets(%dma_start3A_70 : memref<128xi32, #tpu.memory_space<vmem>>) semaphore(%arg11 : memref<!tpu.dma_semaphore, #tpu.memory_space<semaphore_mem>>)
      %dma_wait3A_74 = arith.constant 45 : i32
      %dma_wait3A_75 = arith.constant 0 : i32
      %dma_wait3A_76 = tpu.memref_slice %arg5[%dma_wait3A_74, %dma_wait3A_75] : memref<50x128xi32, #tpu.memory_space<vmem>> -> memref<1x128xi32, #tpu.memory_space<vmem>>
      %dma_wait3A_77 = tpu.memref_squeeze %dma_wait3A_76 : memref<1x128xi32, #tpu.memory_space<vmem>> -> memref<128xi32, #tpu.memory_space<vmem>>
      %dma_wait3A_78 = arith.constant 0 : i32
      %dma_wait3A_79 = arith.constant 0 : i32
      %dma_wait3A_80 = tpu.memref_slice %arg2[%dma_wait3A_78, %dma_wait3A_79] : memref<102400x128xf32, #tpu.memory_space<hbm>> -> memref<102400x128xf32, #tpu.memory_space<hbm>>
      tpu.wait_indirect_dma semaphore(%arg9 : memref<!tpu.dma_semaphore, #tpu.memory_space<semaphore_mem>>) src(%dma_wait3A_80 : memref<102400x128xf32, #tpu.memory_space<hbm>>) dst(%arg6 : memref<128x128xf32, #tpu.memory_space<vmem>>)
      %add3A_81 = arith.constant 5760 : i32
      %add3A_82 = arith.addi %mul3A_0, %add3A_81 : i32
      "tpu.region"() ({
        %run_scoped3A = tpu.sem_alloc : memref<!tpu.dma_semaphore, #tpu.memory_space<semaphore_mem>>
        %dma_start3A_133 = arith.constant 0 : i32
        %dma_start3A_134 = tpu.memref_slice %arg4[%add3A_82, %dma_start3A_133] : memref<102400x128xf32, #tpu.memory_space<hbm>> -> memref<128x128xf32, #tpu.memory_space<hbm>>
        %dma_start3A_135 = arith.constant 0 : i32
        %dma_start3A_136 = tpu.memref_slice %arg4[%add3A_82, %dma_start3A_135] : memref<102400x128xf32, #tpu.memory_space<hbm>> -> memref<128x128xf32, #tpu.memory_space<hbm>>
        tpu.enqueue_dma source(%arg6 : memref<128x128xf32, #tpu.memory_space<vmem>>) target(%dma_start3A_136 : memref<128x128xf32, #tpu.memory_space<hbm>>) target_semaphore(%run_scoped3A : memref<!tpu.dma_semaphore, #tpu.memory_space<semaphore_mem>>)
        %dma_wait3A_137 = arith.constant 0 : i32
        %dma_wait3A_138 = tpu.memref_slice %arg4[%add3A_82, %dma_wait3A_137] : memref<102400x128xf32, #tpu.memory_space<hbm>> -> memref<128x128xf32, #tpu.memory_space<hbm>>
        %dma_wait3A_139 = arith.constant 0 : i32
        %dma_wait3A_140 = tpu.memref_slice %arg4[%add3A_82, %dma_wait3A_139] : memref<102400x128xf32, #tpu.memory_space<hbm>> -> memref<128x128xf32, #tpu.memory_space<hbm>>
        tpu.wait_dma2 semaphore(%run_scoped3A : memref<!tpu.dma_semaphore, #tpu.memory_space<semaphore_mem>>) src(%arg6 : memref<128x128xf32, #tpu.memory_space<vmem>>) dst(%dma_wait3A_140 : memref<128x128xf32, #tpu.memory_space<hbm>>)
        tpu.yield
      }) : () -> ()
      %dma_start3A_83 = arith.constant 48 : i32
      %dma_start3A_84 = arith.constant 0 : i32
      %dma_start3A_85 = tpu.memref_slice %arg5[%dma_start3A_83, %dma_start3A_84] : memref<50x128xi32, #tpu.memory_space<vmem>> -> memref<1x128xi32, #tpu.memory_space<vmem>>
      %dma_start3A_86 = tpu.memref_squeeze %dma_start3A_85 : memref<1x128xi32, #tpu.memory_space<vmem>> -> memref<128xi32, #tpu.memory_space<vmem>>
      %dma_start3A_87 = arith.constant 0 : i32
      %dma_start3A_88 = arith.constant 0 : i32
      %dma_start3A_89 = tpu.memref_slice %arg2[%dma_start3A_87, %dma_start3A_88] : memref<102400x128xf32, #tpu.memory_space<hbm>> -> memref<102400x128xf32, #tpu.memory_space<hbm>>
      tpu.enqueue_indirect_dma source(%dma_start3A_89 : memref<102400x128xf32, #tpu.memory_space<hbm>>) target(%arg6 : memref<128x128xf32, #tpu.memory_space<vmem>>) offsets(%dma_start3A_86 : memref<128xi32, #tpu.memory_space<vmem>>) semaphore(%arg9 : memref<!tpu.dma_semaphore, #tpu.memory_space<semaphore_mem>>)
      %dma_wait3A_90 = arith.constant 46 : i32
      %dma_wait3A_91 = arith.constant 0 : i32
      %dma_wait3A_92 = tpu.memref_slice %arg5[%dma_wait3A_90, %dma_wait3A_91] : memref<50x128xi32, #tpu.memory_space<vmem>> -> memref<1x128xi32, #tpu.memory_space<vmem>>
      %dma_wait3A_93 = tpu.memref_squeeze %dma_wait3A_92 : memref<1x128xi32, #tpu.memory_space<vmem>> -> memref<128xi32, #tpu.memory_space<vmem>>
      %dma_wait3A_94 = arith.constant 0 : i32
      %dma_wait3A_95 = arith.constant 0 : i32
      %dma_wait3A_96 = tpu.memref_slice %arg2[%dma_wait3A_94, %dma_wait3A_95] : memref<102400x128xf32, #tpu.memory_space<hbm>> -> memref<102400x128xf32, #tpu.memory_space<hbm>>
      tpu.wait_indirect_dma semaphore(%arg10 : memref<!tpu.dma_semaphore, #tpu.memory_space<semaphore_mem>>) src(%dma_wait3A_96 : memref<102400x128xf32, #tpu.memory_space<hbm>>) dst(%arg7 : memref<128x128xf32, #tpu.memory_space<vmem>>)
      %add3A_97 = arith.constant 5888 : i32
      %add3A_98 = arith.addi %mul3A_0, %add3A_97 : i32
      "tpu.region"() ({
        %run_scoped3A = tpu.sem_alloc : memref<!tpu.dma_semaphore, #tpu.memory_space<semaphore_mem>>
        %dma_start3A_133 = arith.constant 0 : i32
        %dma_start3A_134 = tpu.memref_slice %arg4[%add3A_98, %dma_start3A_133] : memref<102400x128xf32, #tpu.memory_space<hbm>> -> memref<128x128xf32, #tpu.memory_space<hbm>>
        %dma_start3A_135 = arith.constant 0 : i32
        %dma_start3A_136 = tpu.memref_slice %arg4[%add3A_98, %dma_start3A_135] : memref<102400x128xf32, #tpu.memory_space<hbm>> -> memref<128x128xf32, #tpu.memory_space<hbm>>
        tpu.enqueue_dma source(%arg7 : memref<128x128xf32, #tpu.memory_space<vmem>>) target(%dma_start3A_136 : memref<128x128xf32, #tpu.memory_space<hbm>>) target_semaphore(%run_scoped3A : memref<!tpu.dma_semaphore, #tpu.memory_space<semaphore_mem>>)
        %dma_wait3A_137 = arith.constant 0 : i32
        %dma_wait3A_138 = tpu.memref_slice %arg4[%add3A_98, %dma_wait3A_137] : memref<102400x128xf32, #tpu.memory_space<hbm>> -> memref<128x128xf32, #tpu.memory_space<hbm>>
        %dma_wait3A_139 = arith.constant 0 : i32
        %dma_wait3A_140 = tpu.memref_slice %arg4[%add3A_98, %dma_wait3A_139] : memref<102400x128xf32, #tpu.memory_space<hbm>> -> memref<128x128xf32, #tpu.memory_space<hbm>>
        tpu.wait_dma2 semaphore(%run_scoped3A : memref<!tpu.dma_semaphore, #tpu.memory_space<semaphore_mem>>) src(%arg7 : memref<128x128xf32, #tpu.memory_space<vmem>>) dst(%dma_wait3A_140 : memref<128x128xf32, #tpu.memory_space<hbm>>)
        tpu.yield
      }) : () -> ()
      %dma_start3A_99 = arith.constant 49 : i32
      %dma_start3A_100 = arith.constant 0 : i32
      %dma_start3A_101 = tpu.memref_slice %arg5[%dma_start3A_99, %dma_start3A_100] : memref<50x128xi32, #tpu.memory_space<vmem>> -> memref<1x128xi32, #tpu.memory_space<vmem>>
      %dma_start3A_102 = tpu.memref_squeeze %dma_start3A_101 : memref<1x128xi32, #tpu.memory_space<vmem>> -> memref<128xi32, #tpu.memory_space<vmem>>
      %dma_start3A_103 = arith.constant 0 : i32
      %dma_start3A_104 = arith.constant 0 : i32
      %dma_start3A_105 = tpu.memref_slice %arg2[%dma_start3A_103, %dma_start3A_104] : memref<102400x128xf32, #tpu.memory_space<hbm>> -> memref<102400x128xf32, #tpu.memory_space<hbm>>
      tpu.enqueue_indirect_dma source(%dma_start3A_105 : memref<102400x128xf32, #tpu.memory_space<hbm>>) target(%arg7 : memref<128x128xf32, #tpu.memory_space<vmem>>) offsets(%dma_start3A_102 : memref<128xi32, #tpu.memory_space<vmem>>) semaphore(%arg10 : memref<!tpu.dma_semaphore, #tpu.memory_space<semaphore_mem>>)
      %dma_wait3A_106 = arith.constant 47 : i32
      %dma_wait3A_107 = arith.constant 0 : i32
      %dma_wait3A_108 = tpu.memref_slice %arg5[%dma_wait3A_106, %dma_wait3A_107] : memref<50x128xi32, #tpu.memory_space<vmem>> -> memref<1x128xi32, #tpu.memory_space<vmem>>
      %dma_wait3A_109 = tpu.memref_squeeze %dma_wait3A_108 : memref<1x128xi32, #tpu.memory_space<vmem>> -> memref<128xi32, #tpu.memory_space<vmem>>
      %dma_wait3A_110 = arith.constant 0 : i32
      %dma_wait3A_111 = arith.constant 0 : i32
      %dma_wait3A_112 = tpu.memref_slice %arg2[%dma_wait3A_110, %dma_wait3A_111] : memref<102400x128xf32, #tpu.memory_space<hbm>> -> memref<102400x128xf32, #tpu.memory_space<hbm>>
      tpu.wait_indirect_dma semaphore(%arg11 : memref<!tpu.dma_semaphore, #tpu.memory_space<semaphore_mem>>) src(%dma_wait3A_112 : memref<102400x128xf32, #tpu.memory_space<hbm>>) dst(%arg8 : memref<128x128xf32, #tpu.memory_space<vmem>>)
      %add3A_113 = arith.constant 6016 : i32
      %add3A_114 = arith.addi %mul3A_0, %add3A_113 : i32
      "tpu.region"() ({
        %run_scoped3A = tpu.sem_alloc : memref<!tpu.dma_semaphore, #tpu.memory_space<semaphore_mem>>
        %dma_start3A_133 = arith.constant 0 : i32
        %dma_start3A_134 = tpu.memref_slice %arg4[%add3A_114, %dma_start3A_133] : memref<102400x128xf32, #tpu.memory_space<hbm>> -> memref<128x128xf32, #tpu.memory_space<hbm>>
        %dma_start3A_135 = arith.constant 0 : i32
        %dma_start3A_136 = tpu.memref_slice %arg4[%add3A_114, %dma_start3A_135] : memref<102400x128xf32, #tpu.memory_space<hbm>> -> memref<128x128xf32, #tpu.memory_space<hbm>>
        tpu.enqueue_dma source(%arg8 : memref<128x128xf32, #tpu.memory_space<vmem>>) target(%dma_start3A_136 : memref<128x128xf32, #tpu.memory_space<hbm>>) target_semaphore(%run_scoped3A : memref<!tpu.dma_semaphore, #tpu.memory_space<semaphore_mem>>)
        %dma_wait3A_137 = arith.constant 0 : i32
        %dma_wait3A_138 = tpu.memref_slice %arg4[%add3A_114, %dma_wait3A_137] : memref<102400x128xf32, #tpu.memory_space<hbm>> -> memref<128x128xf32, #tpu.memory_space<hbm>>
        %dma_wait3A_139 = arith.constant 0 : i32
        %dma_wait3A_140 = tpu.memref_slice %arg4[%add3A_114, %dma_wait3A_139] : memref<102400x128xf32, #tpu.memory_space<hbm>> -> memref<128x128xf32, #tpu.memory_space<hbm>>
        tpu.wait_dma2 semaphore(%run_scoped3A : memref<!tpu.dma_semaphore, #tpu.memory_space<semaphore_mem>>) src(%arg8 : memref<128x128xf32, #tpu.memory_space<vmem>>) dst(%dma_wait3A_140 : memref<128x128xf32, #tpu.memory_space<hbm>>)
        tpu.yield
      }) : () -> ()
      %dma_wait3A_115 = arith.constant 48 : i32
      %dma_wait3A_116 = arith.constant 0 : i32
      %dma_wait3A_117 = tpu.memref_slice %arg5[%dma_wait3A_115, %dma_wait3A_116] : memref<50x128xi32, #tpu.memory_space<vmem>> -> memref<1x128xi32, #tpu.memory_space<vmem>>
      %dma_wait3A_118 = tpu.memref_squeeze %dma_wait3A_117 : memref<1x128xi32, #tpu.memory_space<vmem>> -> memref<128xi32, #tpu.memory_space<vmem>>
      %dma_wait3A_119 = arith.constant 0 : i32
      %dma_wait3A_120 = arith.constant 0 : i32
      %dma_wait3A_121 = tpu.memref_slice %arg2[%dma_wait3A_119, %dma_wait3A_120] : memref<102400x128xf32, #tpu.memory_space<hbm>> -> memref<102400x128xf32, #tpu.memory_space<hbm>>
      tpu.wait_indirect_dma semaphore(%arg9 : memref<!tpu.dma_semaphore, #tpu.memory_space<semaphore_mem>>) src(%dma_wait3A_121 : memref<102400x128xf32, #tpu.memory_space<hbm>>) dst(%arg6 : memref<128x128xf32, #tpu.memory_space<vmem>>)
      %add3A_122 = arith.constant 6144 : i32
      %add3A_123 = arith.addi %mul3A_0, %add3A_122 : i32
      "tpu.region"() ({
        %run_scoped3A = tpu.sem_alloc : memref<!tpu.dma_semaphore, #tpu.memory_space<semaphore_mem>>
        %dma_start3A_133 = arith.constant 0 : i32
        %dma_start3A_134 = tpu.memref_slice %arg4[%add3A_123, %dma_start3A_133] : memref<102400x128xf32, #tpu.memory_space<hbm>> -> memref<128x128xf32, #tpu.memory_space<hbm>>
        %dma_start3A_135 = arith.constant 0 : i32
        %dma_start3A_136 = tpu.memref_slice %arg4[%add3A_123, %dma_start3A_135] : memref<102400x128xf32, #tpu.memory_space<hbm>> -> memref<128x128xf32, #tpu.memory_space<hbm>>
        tpu.enqueue_dma source(%arg6 : memref<128x128xf32, #tpu.memory_space<vmem>>) target(%dma_start3A_136 : memref<128x128xf32, #tpu.memory_space<hbm>>) target_semaphore(%run_scoped3A : memref<!tpu.dma_semaphore, #tpu.memory_space<semaphore_mem>>)
        %dma_wait3A_137 = arith.constant 0 : i32
        %dma_wait3A_138 = tpu.memref_slice %arg4[%add3A_123, %dma_wait3A_137] : memref<102400x128xf32, #tpu.memory_space<hbm>> -> memref<128x128xf32, #tpu.memory_space<hbm>>
        %dma_wait3A_139 = arith.constant 0 : i32
        %dma_wait3A_140 = tpu.memref_slice %arg4[%add3A_123, %dma_wait3A_139] : memref<102400x128xf32, #tpu.memory_space<hbm>> -> memref<128x128xf32, #tpu.memory_space<hbm>>
        tpu.wait_dma2 semaphore(%run_scoped3A : memref<!tpu.dma_semaphore, #tpu.memory_space<semaphore_mem>>) src(%arg6 : memref<128x128xf32, #tpu.memory_space<vmem>>) dst(%dma_wait3A_140 : memref<128x128xf32, #tpu.memory_space<hbm>>)
        tpu.yield
      }) : () -> ()
      %dma_wait3A_124 = arith.constant 49 : i32
      %dma_wait3A_125 = arith.constant 0 : i32
      %dma_wait3A_126 = tpu.memref_slice %arg5[%dma_wait3A_124, %dma_wait3A_125] : memref<50x128xi32, #tpu.memory_space<vmem>> -> memref<1x128xi32, #tpu.memory_space<vmem>>
      %dma_wait3A_127 = tpu.memref_squeeze %dma_wait3A_126 : memref<1x128xi32, #tpu.memory_space<vmem>> -> memref<128xi32, #tpu.memory_space<vmem>>
      %dma_wait3A_128 = arith.constant 0 : i32
      %dma_wait3A_129 = arith.constant 0 : i32
      %dma_wait3A_130 = tpu.memref_slice %arg2[%dma_wait3A_128, %dma_wait3A_129] : memref<102400x128xf32, #tpu.memory_space<hbm>> -> memref<102400x128xf32, #tpu.memory_space<hbm>>
      tpu.wait_indirect_dma semaphore(%arg10 : memref<!tpu.dma_semaphore, #tpu.memory_space<semaphore_mem>>) src(%dma_wait3A_130 : memref<102400x128xf32, #tpu.memory_space<hbm>>) dst(%arg7 : memref<128x128xf32, #tpu.memory_space<vmem>>)
      %add3A_131 = arith.constant 6272 : i32
      %add3A_132 = arith.addi %mul3A_0, %add3A_131 : i32
      "tpu.region"() ({
        %run_scoped3A = tpu.sem_alloc : memref<!tpu.dma_semaphore, #tpu.memory_space<semaphore_mem>>
        %dma_start3A_133 = arith.constant 0 : i32
        %dma_start3A_134 = tpu.memref_slice %arg4[%add3A_132, %dma_start3A_133] : memref<102400x128xf32, #tpu.memory_space<hbm>> -> memref<128x128xf32, #tpu.memory_space<hbm>>
        %dma_start3A_135 = arith.constant 0 : i32
        %dma_start3A_136 = tpu.memref_slice %arg4[%add3A_132, %dma_start3A_135] : memref<102400x128xf32, #tpu.memory_space<hbm>> -> memref<128x128xf32, #tpu.memory_space<hbm>>
        tpu.enqueue_dma source(%arg7 : memref<128x128xf32, #tpu.memory_space<vmem>>) target(%dma_start3A_136 : memref<128x128xf32, #tpu.memory_space<hbm>>) target_semaphore(%run_scoped3A : memref<!tpu.dma_semaphore, #tpu.memory_space<semaphore_mem>>)
        %dma_wait3A_137 = arith.constant 0 : i32
        %dma_wait3A_138 = tpu.memref_slice %arg4[%add3A_132, %dma_wait3A_137] : memref<102400x128xf32, #tpu.memory_space<hbm>> -> memref<128x128xf32, #tpu.memory_space<hbm>>
        %dma_wait3A_139 = arith.constant 0 : i32
        %dma_wait3A_140 = tpu.memref_slice %arg4[%add3A_132, %dma_wait3A_139] : memref<102400x128xf32, #tpu.memory_space<hbm>> -> memref<128x128xf32, #tpu.memory_space<hbm>>
        tpu.wait_dma2 semaphore(%run_scoped3A : memref<!tpu.dma_semaphore, #tpu.memory_space<semaphore_mem>>) src(%arg7 : memref<128x128xf32, #tpu.memory_space<vmem>>) dst(%dma_wait3A_140 : memref<128x128xf32, #tpu.memory_space<hbm>>)
        tpu.yield
      }) : () -> ()
    } else {
    }
    return
  }
}

module attributes {stable_mosaic.version = 14 : i64} {
  func.func @_mlp_body(%arg0: i32, %arg1: memref<2048x128xf32, #tpu.memory_space<vmem>>, %arg2: memref<128x128xbf16, #tpu.memory_space<vmem>>, %arg3: memref<1x128xf32, #tpu.memory_space<vmem>>, %arg4: memref<1x128xf32, #tpu.memory_space<vmem>>, %arg5: memref<1x128xf32, #tpu.memory_space<vmem>>, %arg6: memref<128x128xbf16, #tpu.memory_space<vmem>>, %arg7: memref<1x128xf32, #tpu.memory_space<vmem>>, %arg8: memref<1x128xf32, #tpu.memory_space<vmem>>, %arg9: memref<1x128xf32, #tpu.memory_space<vmem>>, %arg10: memref<2048x128xf32, #tpu.memory_space<vmem>>) attributes {dimension_semantics = [#tpu.dimension_semantics<arbitrary>], iteration_bounds = array<i64: 49>, scalar_prefetch = 0 : i64, scratch_operands = 0 : i64, tpu.core_type = #tpu.core_type<tc>, window_params = [{transform_indices = @transform_0, window_bounds = array<i64: 2048, 128>}, {pipeline_mode = #tpu.pipeline_mode<synchronous>, transform_indices = @transform_1, window_bounds = array<i64: 128, 128>}, {pipeline_mode = #tpu.pipeline_mode<synchronous>, transform_indices = @transform_2, window_bounds = array<i64: 1, 128>}, {pipeline_mode = #tpu.pipeline_mode<synchronous>, transform_indices = @transform_3, window_bounds = array<i64: 1, 128>}, {pipeline_mode = #tpu.pipeline_mode<synchronous>, transform_indices = @transform_4, window_bounds = array<i64: 1, 128>}, {pipeline_mode = #tpu.pipeline_mode<synchronous>, transform_indices = @transform_5, window_bounds = array<i64: 128, 128>}, {pipeline_mode = #tpu.pipeline_mode<synchronous>, transform_indices = @transform_6, window_bounds = array<i64: 1, 128>}, {pipeline_mode = #tpu.pipeline_mode<synchronous>, transform_indices = @transform_7, window_bounds = array<i64: 1, 128>}, {pipeline_mode = #tpu.pipeline_mode<synchronous>, transform_indices = @transform_8, window_bounds = array<i64: 1, 128>}, {transform_indices = @transform_9, window_bounds = array<i64: 2048, 128>}]} {
    %get3A = arith.constant 0 : index
    %get3A_0 = arith.constant 0 : index
    %get3A_1 = vector.load %arg1[%get3A, %get3A_0] : memref<2048x128xf32, #tpu.memory_space<vmem>>, vector<2048x128xf32>
    %convert_element_type3A = arith.truncf %get3A_1 : vector<2048x128xf32> to vector<2048x128xbf16>
    %get3A_2 = arith.constant 0 : index
    %get3A_3 = arith.constant 0 : index
    %get3A_4 = vector.load %arg2[%get3A_2, %get3A_3] : memref<128x128xbf16, #tpu.memory_space<vmem>>, vector<128x128xbf16>
    %dot_general3A = arith.constant dense<0.000000e+00> : vector<2048x128xf32>
    %dot_general3A_5 = tpu.matmul %convert_element_type3A, %get3A_4, %dot_general3A {dimension_numbers = #tpu.dot_dimension_numbers<[1], [0], [0], [1], [0, 0, 1, 1], [], []>, transpose_lhs_hint = false} : vector<2048x128xbf16>, vector<128x128xbf16>, vector<2048x128xf32> -> vector<2048x128xf32>
    %get3A_6 = arith.constant 0 : index
    %get3A_7 = arith.constant 0 : index
    %get3A_8 = vector.load %arg3[%get3A_6, %get3A_7] : memref<1x128xf32, #tpu.memory_space<vmem>>, vector<1x128xf32>
    %add3A = vector.broadcast %get3A_8 : vector<1x128xf32> to vector<2048x128xf32>
    %add3A_9 = arith.addf %dot_general3A_5, %add3A : vector<2048x128xf32>
    %get3A_10 = arith.constant 0 : index
    %get3A_11 = arith.constant 0 : index
    %get3A_12 = vector.load %arg4[%get3A_10, %get3A_11] : memref<1x128xf32, #tpu.memory_space<vmem>>, vector<1x128xf32>
    %get3A_13 = arith.constant 0 : index
    %get3A_14 = arith.constant 0 : index
    %get3A_15 = vector.load %arg5[%get3A_13, %get3A_14] : memref<1x128xf32, #tpu.memory_space<vmem>>, vector<1x128xf32>
    %reduce_sum3A = arith.constant dense<0.000000e+00> : vector<2048xf32>
    %reduce_sum3A_16 = vector.multi_reduction <add>, %add3A_9, %reduce_sum3A [1] : vector<2048x128xf32> to vector<2048xf32>
    %broadcast_in_dim3A = vector.shape_cast %reduce_sum3A_16 : vector<2048xf32> to vector<2048x1xf32>
    %div3A = arith.constant 1.280000e+02 : f32
    %div3A_17 = vector.broadcast %div3A : f32 to vector<2048x1xf32>
    %div3A_18 = arith.divf %broadcast_in_dim3A, %div3A_17 : vector<2048x1xf32>
    %jit3A = arith.constant 0 : i32
    %reduce_sum3A_19 = arith.constant dense<0.000000e+00> : vector<2048xf32>
    %reduce_sum3A_20 = vector.multi_reduction <add>, %add3A_9, %reduce_sum3A_19 [1] : vector<2048x128xf32> to vector<2048xf32>
    %broadcast_in_dim3A_21 = vector.shape_cast %reduce_sum3A_20 : vector<2048xf32> to vector<2048x1xf32>
    %div3A_22 = arith.constant 1.280000e+02 : f32
    %div3A_23 = vector.broadcast %div3A_22 : f32 to vector<2048x1xf32>
    %div3A_24 = arith.divf %broadcast_in_dim3A_21, %div3A_23 : vector<2048x1xf32>
    %sub3A = vector.broadcast %div3A_24 : vector<2048x1xf32> to vector<2048x128xf32>
    %sub3A_25 = arith.subf %add3A_9, %sub3A : vector<2048x128xf32>
    %square3A = arith.mulf %sub3A_25, %sub3A_25 : vector<2048x128xf32>
    %convert_element_type3A_26 = arith.sitofp %jit3A : i32 to f32
    %sub3A_27 = arith.constant 1.280000e+02 : f32
    %sub3A_28 = arith.subf %sub3A_27, %convert_element_type3A_26 : f32
    %reduce_sum3A_29 = arith.constant dense<0.000000e+00> : vector<2048xf32>
    %reduce_sum3A_30 = vector.multi_reduction <add>, %square3A, %reduce_sum3A_29 [1] : vector<2048x128xf32> to vector<2048xf32>
    %broadcast_in_dim3A_31 = vector.shape_cast %reduce_sum3A_30 : vector<2048xf32> to vector<2048x1xf32>
    %div3A_32 = vector.broadcast %sub3A_28 : f32 to vector<2048x1xf32>
    %div3A_33 = arith.divf %broadcast_in_dim3A_31, %div3A_32 : vector<2048x1xf32>
    %gt3A = arith.constant 0.000000e+00 : f32
    %gt3A_34 = arith.cmpf ogt, %sub3A_28, %gt3A : f32
    %jit3A_35 = arith.constant 0x7FC00000 : f32
    %broadcast_in_dim3A_36 = vector.broadcast %jit3A_35 : f32 to vector<2048x1xf32>
    %select_n3A = arith.select %gt3A_34, %div3A_33, %broadcast_in_dim3A_36 : vector<2048x1xf32>
    %sub3A_37 = vector.broadcast %div3A_18 : vector<2048x1xf32> to vector<2048x128xf32>
    %sub3A_38 = arith.subf %add3A_9, %sub3A_37 : vector<2048x128xf32>
    %add3A_39 = arith.constant 9.99999974E-6 : f32
    %add3A_40 = vector.broadcast %add3A_39 : f32 to vector<2048x1xf32>
    %add3A_41 = arith.addf %select_n3A, %add3A_40 : vector<2048x1xf32>
    %sqrt3A = math.sqrt %add3A_41 : vector<2048x1xf32>
    %div3A_42 = vector.broadcast %sqrt3A : vector<2048x1xf32> to vector<2048x128xf32>
    %div3A_43 = arith.divf %sub3A_38, %div3A_42 : vector<2048x128xf32>
    %mul3A = vector.broadcast %get3A_12 : vector<1x128xf32> to vector<2048x128xf32>
    %mul3A_44 = arith.mulf %div3A_43, %mul3A : vector<2048x128xf32>
    %add3A_45 = vector.broadcast %get3A_15 : vector<1x128xf32> to vector<2048x128xf32>
    %add3A_46 = arith.addf %mul3A_44, %add3A_45 : vector<2048x128xf32>
    %gt3A_47 = arith.constant 0.000000e+00 : f32
    %gt3A_48 = vector.broadcast %gt3A_47 : f32 to vector<2048x128xf32>
    %gt3A_49 = arith.cmpf ogt, %add3A_46, %gt3A_48 : vector<2048x128xf32>
    %exp3A = math.exp %add3A_46 : vector<2048x128xf32>
    %sub3A_50 = arith.constant 1.000000e+00 : f32
    %sub3A_51 = vector.broadcast %sub3A_50 : f32 to vector<2048x128xf32>
    %sub3A_52 = arith.subf %exp3A, %sub3A_51 : vector<2048x128xf32>
    %select_n3A_53 = arith.select %gt3A_49, %add3A_46, %sub3A_52 : vector<2048x128xi1>, vector<2048x128xf32>
    %convert_element_type3A_54 = arith.truncf %select_n3A_53 : vector<2048x128xf32> to vector<2048x128xbf16>
    %get3A_55 = arith.constant 0 : index
    %get3A_56 = arith.constant 0 : index
    %get3A_57 = vector.load %arg6[%get3A_55, %get3A_56] : memref<128x128xbf16, #tpu.memory_space<vmem>>, vector<128x128xbf16>
    %dot_general3A_58 = arith.constant dense<0.000000e+00> : vector<2048x128xf32>
    %dot_general3A_59 = tpu.matmul %convert_element_type3A_54, %get3A_57, %dot_general3A_58 {dimension_numbers = #tpu.dot_dimension_numbers<[1], [0], [0], [1], [0, 0, 1, 1], [], []>, transpose_lhs_hint = false} : vector<2048x128xbf16>, vector<128x128xbf16>, vector<2048x128xf32> -> vector<2048x128xf32>
    %get3A_60 = arith.constant 0 : index
    %get3A_61 = arith.constant 0 : index
    %get3A_62 = vector.load %arg7[%get3A_60, %get3A_61] : memref<1x128xf32, #tpu.memory_space<vmem>>, vector<1x128xf32>
    %add3A_63 = vector.broadcast %get3A_62 : vector<1x128xf32> to vector<2048x128xf32>
    %add3A_64 = arith.addf %dot_general3A_59, %add3A_63 : vector<2048x128xf32>
    %get3A_65 = arith.constant 0 : index
    %get3A_66 = arith.constant 0 : index
    %get3A_67 = vector.load %arg8[%get3A_65, %get3A_66] : memref<1x128xf32, #tpu.memory_space<vmem>>, vector<1x128xf32>
    %get3A_68 = arith.constant 0 : index
    %get3A_69 = arith.constant 0 : index
    %get3A_70 = vector.load %arg9[%get3A_68, %get3A_69] : memref<1x128xf32, #tpu.memory_space<vmem>>, vector<1x128xf32>
    %reduce_sum3A_71 = arith.constant dense<0.000000e+00> : vector<2048xf32>
    %reduce_sum3A_72 = vector.multi_reduction <add>, %add3A_64, %reduce_sum3A_71 [1] : vector<2048x128xf32> to vector<2048xf32>
    %broadcast_in_dim3A_73 = vector.shape_cast %reduce_sum3A_72 : vector<2048xf32> to vector<2048x1xf32>
    %div3A_74 = arith.constant 1.280000e+02 : f32
    %div3A_75 = vector.broadcast %div3A_74 : f32 to vector<2048x1xf32>
    %div3A_76 = arith.divf %broadcast_in_dim3A_73, %div3A_75 : vector<2048x1xf32>
    %jit3A_77 = arith.constant 0 : i32
    %reduce_sum3A_78 = arith.constant dense<0.000000e+00> : vector<2048xf32>
    %reduce_sum3A_79 = vector.multi_reduction <add>, %add3A_64, %reduce_sum3A_78 [1] : vector<2048x128xf32> to vector<2048xf32>
    %broadcast_in_dim3A_80 = vector.shape_cast %reduce_sum3A_79 : vector<2048xf32> to vector<2048x1xf32>
    %div3A_81 = arith.constant 1.280000e+02 : f32
    %div3A_82 = vector.broadcast %div3A_81 : f32 to vector<2048x1xf32>
    %div3A_83 = arith.divf %broadcast_in_dim3A_80, %div3A_82 : vector<2048x1xf32>
    %sub3A_84 = vector.broadcast %div3A_83 : vector<2048x1xf32> to vector<2048x128xf32>
    %sub3A_85 = arith.subf %add3A_64, %sub3A_84 : vector<2048x128xf32>
    %square3A_86 = arith.mulf %sub3A_85, %sub3A_85 : vector<2048x128xf32>
    %convert_element_type3A_87 = arith.sitofp %jit3A_77 : i32 to f32
    %sub3A_88 = arith.constant 1.280000e+02 : f32
    %sub3A_89 = arith.subf %sub3A_88, %convert_element_type3A_87 : f32
    %reduce_sum3A_90 = arith.constant dense<0.000000e+00> : vector<2048xf32>
    %reduce_sum3A_91 = vector.multi_reduction <add>, %square3A_86, %reduce_sum3A_90 [1] : vector<2048x128xf32> to vector<2048xf32>
    %broadcast_in_dim3A_92 = vector.shape_cast %reduce_sum3A_91 : vector<2048xf32> to vector<2048x1xf32>
    %div3A_93 = vector.broadcast %sub3A_89 : f32 to vector<2048x1xf32>
    %div3A_94 = arith.divf %broadcast_in_dim3A_92, %div3A_93 : vector<2048x1xf32>
    %gt3A_95 = arith.constant 0.000000e+00 : f32
    %gt3A_96 = arith.cmpf ogt, %sub3A_89, %gt3A_95 : f32
    %jit3A_97 = arith.constant 0x7FC00000 : f32
    %broadcast_in_dim3A_98 = vector.broadcast %jit3A_97 : f32 to vector<2048x1xf32>
    %select_n3A_99 = arith.select %gt3A_96, %div3A_94, %broadcast_in_dim3A_98 : vector<2048x1xf32>
    %sub3A_100 = vector.broadcast %div3A_76 : vector<2048x1xf32> to vector<2048x128xf32>
    %sub3A_101 = arith.subf %add3A_64, %sub3A_100 : vector<2048x128xf32>
    %add3A_102 = arith.constant 9.99999974E-6 : f32
    %add3A_103 = vector.broadcast %add3A_102 : f32 to vector<2048x1xf32>
    %add3A_104 = arith.addf %select_n3A_99, %add3A_103 : vector<2048x1xf32>
    %sqrt3A_105 = math.sqrt %add3A_104 : vector<2048x1xf32>
    %div3A_106 = vector.broadcast %sqrt3A_105 : vector<2048x1xf32> to vector<2048x128xf32>
    %div3A_107 = arith.divf %sub3A_101, %div3A_106 : vector<2048x128xf32>
    %mul3A_108 = vector.broadcast %get3A_67 : vector<1x128xf32> to vector<2048x128xf32>
    %mul3A_109 = arith.mulf %div3A_107, %mul3A_108 : vector<2048x128xf32>
    %add3A_110 = vector.broadcast %get3A_70 : vector<1x128xf32> to vector<2048x128xf32>
    %add3A_111 = arith.addf %mul3A_109, %add3A_110 : vector<2048x128xf32>
    %gt3A_112 = arith.constant 0.000000e+00 : f32
    %gt3A_113 = vector.broadcast %gt3A_112 : f32 to vector<2048x128xf32>
    %gt3A_114 = arith.cmpf ogt, %add3A_111, %gt3A_113 : vector<2048x128xf32>
    %exp3A_115 = math.exp %add3A_111 : vector<2048x128xf32>
    %sub3A_116 = arith.constant 1.000000e+00 : f32
    %sub3A_117 = vector.broadcast %sub3A_116 : f32 to vector<2048x128xf32>
    %sub3A_118 = arith.subf %exp3A_115, %sub3A_117 : vector<2048x128xf32>
    %select_n3A_119 = arith.select %gt3A_114, %add3A_111, %sub3A_118 : vector<2048x128xi1>, vector<2048x128xf32>
    %swap3A = arith.constant 0 : index
    %swap3A_120 = arith.constant 0 : index
    %swap3A_121 = vector.load %arg10[%swap3A, %swap3A_120] : memref<2048x128xf32, #tpu.memory_space<vmem>>, vector<2048x128xf32>
    tpu.vector_store %arg10[%swap3A, %swap3A_120], %select_n3A_119 {strides = array<i32>} : memref<2048x128xf32, #tpu.memory_space<vmem>>, vector<2048x128xf32>,
    return
  }
  func.func @transform_0(%arg0: i32) -> (i32, i32) {
    %c0_i32 = arith.constant 0 : i32
    %c0_i32_0 = arith.constant 0 : i32
    return %arg0, %c0_i32 : i32, i32
  }
  func.func @transform_1(%arg0: i32) -> (i32, i32) {
    %c0_i32 = arith.constant 0 : i32
    %c0_i32_0 = arith.constant 0 : i32
    %c0_i32_1 = arith.constant 0 : i32
    return %c0_i32, %c0_i32_0 : i32, i32
  }
  func.func @transform_2(%arg0: i32) -> (i32, i32) {
    %c0_i32 = arith.constant 0 : i32
    %c0_i32_0 = arith.constant 0 : i32
    %c0_i32_1 = arith.constant 0 : i32
    return %c0_i32, %c0_i32_0 : i32, i32
  }
  func.func @transform_3(%arg0: i32) -> (i32, i32) {
    %c0_i32 = arith.constant 0 : i32
    %c0_i32_0 = arith.constant 0 : i32
    %c0_i32_1 = arith.constant 0 : i32
    return %c0_i32, %c0_i32_0 : i32, i32
  }
  func.func @transform_4(%arg0: i32) -> (i32, i32) {
    %c0_i32 = arith.constant 0 : i32
    %c0_i32_0 = arith.constant 0 : i32
    %c0_i32_1 = arith.constant 0 : i32
    return %c0_i32, %c0_i32_0 : i32, i32
  }
  func.func @transform_5(%arg0: i32) -> (i32, i32) {
    %c0_i32 = arith.constant 0 : i32
    %c0_i32_0 = arith.constant 0 : i32
    %c0_i32_1 = arith.constant 0 : i32
    return %c0_i32, %c0_i32_0 : i32, i32
  }
  func.func @transform_6(%arg0: i32) -> (i32, i32) {
    %c0_i32 = arith.constant 0 : i32
    %c0_i32_0 = arith.constant 0 : i32
    %c0_i32_1 = arith.constant 0 : i32
    return %c0_i32, %c0_i32_0 : i32, i32
  }
  func.func @transform_7(%arg0: i32) -> (i32, i32) {
    %c0_i32 = arith.constant 0 : i32
    %c0_i32_0 = arith.constant 0 : i32
    %c0_i32_1 = arith.constant 0 : i32
    return %c0_i32, %c0_i32_0 : i32, i32
  }
  func.func @transform_8(%arg0: i32) -> (i32, i32) {
    %c0_i32 = arith.constant 0 : i32
    %c0_i32_0 = arith.constant 0 : i32
    %c0_i32_1 = arith.constant 0 : i32
    return %c0_i32, %c0_i32_0 : i32, i32
  }
  func.func @transform_9(%arg0: i32) -> (i32, i32) {
    %c0_i32 = arith.constant 0 : i32
    %c0_i32_0 = arith.constant 0 : i32
    return %arg0, %c0_i32 : i32, i32
  }
}

module attributes {stable_mosaic.version = 14 : i64} {
  func.func @_readout_body(%arg0: i32, %arg1: memref<2048x128xf32, #tpu.memory_space<vmem>>, %arg2: memref<2048x128xf32, #tpu.memory_space<vmem>>, %arg3: memref<128x128xbf16, #tpu.memory_space<vmem>>, %arg4: memref<1x128xf32, #tpu.memory_space<vmem>>, %arg5: memref<1x128xf32, #tpu.memory_space<vmem>>, %arg6: memref<1x128xf32, #tpu.memory_space<vmem>>, %arg7: memref<128x1xbf16, #tpu.memory_space<vmem>>, %arg8: memref<1x1xf32, #tpu.memory_space<vmem>>, %arg9: memref<16x128xf32, #tpu.memory_space<vmem>>) attributes {dimension_semantics = [#tpu.dimension_semantics<arbitrary>], iteration_bounds = array<i64: 49>, scalar_prefetch = 0 : i64, scratch_operands = 0 : i64, tpu.core_type = #tpu.core_type<tc>, window_params = [{transform_indices = @transform_0, window_bounds = array<i64: 2048, 128>}, {transform_indices = @transform_1, window_bounds = array<i64: 2048, 128>}, {pipeline_mode = #tpu.pipeline_mode<synchronous>, transform_indices = @transform_2, window_bounds = array<i64: 128, 128>}, {pipeline_mode = #tpu.pipeline_mode<synchronous>, transform_indices = @transform_3, window_bounds = array<i64: 1, 128>}, {pipeline_mode = #tpu.pipeline_mode<synchronous>, transform_indices = @transform_4, window_bounds = array<i64: 1, 128>}, {pipeline_mode = #tpu.pipeline_mode<synchronous>, transform_indices = @transform_5, window_bounds = array<i64: 1, 128>}, {pipeline_mode = #tpu.pipeline_mode<synchronous>, transform_indices = @transform_6, window_bounds = array<i64: 128, 1>}, {pipeline_mode = #tpu.pipeline_mode<synchronous>, transform_indices = @transform_7, window_bounds = array<i64: 1, 1>}, {transform_indices = @transform_8, window_bounds = array<i64: 16, 128>}]} {
    %get3A = arith.constant 0 : index
    %get3A_0 = arith.constant 0 : index
    %get3A_1 = vector.load %arg1[%get3A, %get3A_0] : memref<2048x128xf32, #tpu.memory_space<vmem>>, vector<2048x128xf32>
    %get3A_2 = arith.constant 0 : index
    %get3A_3 = arith.constant 0 : index
    %get3A_4 = vector.load %arg2[%get3A_2, %get3A_3] : memref<2048x128xf32, #tpu.memory_space<vmem>>, vector<2048x128xf32>
    %max3A = arith.maximumf %get3A_1, %get3A_4 : vector<2048x128xf32>
    %convert_element_type3A = arith.truncf %max3A : vector<2048x128xf32> to vector<2048x128xbf16>
    %get3A_5 = arith.constant 0 : index
    %get3A_6 = arith.constant 0 : index
    %get3A_7 = vector.load %arg3[%get3A_5, %get3A_6] : memref<128x128xbf16, #tpu.memory_space<vmem>>, vector<128x128xbf16>
    %dot_general3A = arith.constant dense<0.000000e+00> : vector<2048x128xf32>
    %dot_general3A_8 = tpu.matmul %convert_element_type3A, %get3A_7, %dot_general3A {dimension_numbers = #tpu.dot_dimension_numbers<[1], [0], [0], [1], [0, 0, 1, 1], [], []>, transpose_lhs_hint = false} : vector<2048x128xbf16>, vector<128x128xbf16>, vector<2048x128xf32> -> vector<2048x128xf32>
    %get3A_9 = arith.constant 0 : index
    %get3A_10 = arith.constant 0 : index
    %get3A_11 = vector.load %arg4[%get3A_9, %get3A_10] : memref<1x128xf32, #tpu.memory_space<vmem>>, vector<1x128xf32>
    %add3A = vector.broadcast %get3A_11 : vector<1x128xf32> to vector<2048x128xf32>
    %add3A_12 = arith.addf %dot_general3A_8, %add3A : vector<2048x128xf32>
    %get3A_13 = arith.constant 0 : index
    %get3A_14 = arith.constant 0 : index
    %get3A_15 = vector.load %arg5[%get3A_13, %get3A_14] : memref<1x128xf32, #tpu.memory_space<vmem>>, vector<1x128xf32>
    %get3A_16 = arith.constant 0 : index
    %get3A_17 = arith.constant 0 : index
    %get3A_18 = vector.load %arg6[%get3A_16, %get3A_17] : memref<1x128xf32, #tpu.memory_space<vmem>>, vector<1x128xf32>
    %reduce_sum3A = arith.constant dense<0.000000e+00> : vector<2048xf32>
    %reduce_sum3A_19 = vector.multi_reduction <add>, %add3A_12, %reduce_sum3A [1] : vector<2048x128xf32> to vector<2048xf32>
    %broadcast_in_dim3A = vector.shape_cast %reduce_sum3A_19 : vector<2048xf32> to vector<2048x1xf32>
    %div3A = arith.constant 1.280000e+02 : f32
    %div3A_20 = vector.broadcast %div3A : f32 to vector<2048x1xf32>
    %div3A_21 = arith.divf %broadcast_in_dim3A, %div3A_20 : vector<2048x1xf32>
    %jit3A = arith.constant 0 : i32
    %reduce_sum3A_22 = arith.constant dense<0.000000e+00> : vector<2048xf32>
    %reduce_sum3A_23 = vector.multi_reduction <add>, %add3A_12, %reduce_sum3A_22 [1] : vector<2048x128xf32> to vector<2048xf32>
    %broadcast_in_dim3A_24 = vector.shape_cast %reduce_sum3A_23 : vector<2048xf32> to vector<2048x1xf32>
    %div3A_25 = arith.constant 1.280000e+02 : f32
    %div3A_26 = vector.broadcast %div3A_25 : f32 to vector<2048x1xf32>
    %div3A_27 = arith.divf %broadcast_in_dim3A_24, %div3A_26 : vector<2048x1xf32>
    %sub3A = vector.broadcast %div3A_27 : vector<2048x1xf32> to vector<2048x128xf32>
    %sub3A_28 = arith.subf %add3A_12, %sub3A : vector<2048x128xf32>
    %square3A = arith.mulf %sub3A_28, %sub3A_28 : vector<2048x128xf32>
    %convert_element_type3A_29 = arith.sitofp %jit3A : i32 to f32
    %sub3A_30 = arith.constant 1.280000e+02 : f32
    %sub3A_31 = arith.subf %sub3A_30, %convert_element_type3A_29 : f32
    %reduce_sum3A_32 = arith.constant dense<0.000000e+00> : vector<2048xf32>
    %reduce_sum3A_33 = vector.multi_reduction <add>, %square3A, %reduce_sum3A_32 [1] : vector<2048x128xf32> to vector<2048xf32>
    %broadcast_in_dim3A_34 = vector.shape_cast %reduce_sum3A_33 : vector<2048xf32> to vector<2048x1xf32>
    %div3A_35 = vector.broadcast %sub3A_31 : f32 to vector<2048x1xf32>
    %div3A_36 = arith.divf %broadcast_in_dim3A_34, %div3A_35 : vector<2048x1xf32>
    %gt3A = arith.constant 0.000000e+00 : f32
    %gt3A_37 = arith.cmpf ogt, %sub3A_31, %gt3A : f32
    %jit3A_38 = arith.constant 0x7FC00000 : f32
    %broadcast_in_dim3A_39 = vector.broadcast %jit3A_38 : f32 to vector<2048x1xf32>
    %select_n3A = arith.select %gt3A_37, %div3A_36, %broadcast_in_dim3A_39 : vector<2048x1xf32>
    %sub3A_40 = vector.broadcast %div3A_21 : vector<2048x1xf32> to vector<2048x128xf32>
    %sub3A_41 = arith.subf %add3A_12, %sub3A_40 : vector<2048x128xf32>
    %add3A_42 = arith.constant 9.99999974E-6 : f32
    %add3A_43 = vector.broadcast %add3A_42 : f32 to vector<2048x1xf32>
    %add3A_44 = arith.addf %select_n3A, %add3A_43 : vector<2048x1xf32>
    %sqrt3A = math.sqrt %add3A_44 : vector<2048x1xf32>
    %div3A_45 = vector.broadcast %sqrt3A : vector<2048x1xf32> to vector<2048x128xf32>
    %div3A_46 = arith.divf %sub3A_41, %div3A_45 : vector<2048x128xf32>
    %mul3A = vector.broadcast %get3A_15 : vector<1x128xf32> to vector<2048x128xf32>
    %mul3A_47 = arith.mulf %div3A_46, %mul3A : vector<2048x128xf32>
    %add3A_48 = vector.broadcast %get3A_18 : vector<1x128xf32> to vector<2048x128xf32>
    %add3A_49 = arith.addf %mul3A_47, %add3A_48 : vector<2048x128xf32>
    %gt3A_50 = arith.constant 0.000000e+00 : f32
    %gt3A_51 = vector.broadcast %gt3A_50 : f32 to vector<2048x128xf32>
    %gt3A_52 = arith.cmpf ogt, %add3A_49, %gt3A_51 : vector<2048x128xf32>
    %exp3A = math.exp %add3A_49 : vector<2048x128xf32>
    %sub3A_53 = arith.constant 1.000000e+00 : f32
    %sub3A_54 = vector.broadcast %sub3A_53 : f32 to vector<2048x128xf32>
    %sub3A_55 = arith.subf %exp3A, %sub3A_54 : vector<2048x128xf32>
    %select_n3A_56 = arith.select %gt3A_52, %add3A_49, %sub3A_55 : vector<2048x128xi1>, vector<2048x128xf32>
    %convert_element_type3A_57 = arith.truncf %select_n3A_56 : vector<2048x128xf32> to vector<2048x128xbf16>
    %reshape3A = vector.shape_cast %convert_element_type3A_57 : vector<2048x128xbf16> to vector<16x128x128xbf16>
    %get3A_58 = arith.constant 0 : index
    %get3A_59 = arith.constant 0 : index
    %get3A_60 = vector.load %arg7[%get3A_58, %get3A_59] : memref<128x1xbf16, #tpu.memory_space<vmem>>, vector<128x1xbf16>
    %dot_general3A_61 = arith.constant dense<0.000000e+00> : vector<16x128x1xf32>
    %dot_general3A_62 = tpu.matmul %reshape3A, %get3A_60, %dot_general3A_61 {dimension_numbers = #tpu.dot_dimension_numbers<[2], [0], [0, 1], [1], [0, 0, 0, 1, 1, 1], [], []>, transpose_lhs_hint = false} : vector<16x128x128xbf16>, vector<128x1xbf16>, vector<16x128x1xf32> -> vector<16x128x1xf32>
    %reshape3A_63 = vector.shape_cast %dot_general3A_62 : vector<16x128x1xf32> to vector<16x128xf32>
    %get3A_64 = arith.constant 0 : index
    %get3A_65 = arith.constant 0 : index
    %get3A_66 = vector.load %arg8[%get3A_64, %get3A_65] : memref<1x1xf32, #tpu.memory_space<vmem>>, vector<1x1xf32>
    %add3A_67 = vector.broadcast %get3A_66 : vector<1x1xf32> to vector<16x128xf32>
    %add3A_68 = arith.addf %reshape3A_63, %add3A_67 : vector<16x128xf32>
    %swap3A = arith.constant 0 : index
    %swap3A_69 = arith.constant 0 : index
    %swap3A_70 = vector.load %arg9[%swap3A, %swap3A_69] : memref<16x128xf32, #tpu.memory_space<vmem>>, vector<16x128xf32>
    tpu.vector_store %arg9[%swap3A, %swap3A_69], %add3A_68 {strides = array<i32>} : memref<16x128xf32, #tpu.memory_space<vmem>>, vector<16x128xf32>,
    return
  }
  func.func @transform_0(%arg0: i32) -> (i32, i32) {
    %c0_i32 = arith.constant 0 : i32
    %c0_i32_0 = arith.constant 0 : i32
    return %arg0, %c0_i32 : i32, i32
  }
  func.func @transform_1(%arg0: i32) -> (i32, i32) {
    %c0_i32 = arith.constant 0 : i32
    %c0_i32_0 = arith.constant 0 : i32
    return %arg0, %c0_i32 : i32, i32
  }
  func.func @transform_2(%arg0: i32) -> (i32, i32) {
    %c0_i32 = arith.constant 0 : i32
    %c0_i32_0 = arith.constant 0 : i32
    %c0_i32_1 = arith.constant 0 : i32
    return %c0_i32, %c0_i32_0 : i32, i32
  }
  func.func @transform_3(%arg0: i32) -> (i32, i32) {
    %c0_i32 = arith.constant 0 : i32
    %c0_i32_0 = arith.constant 0 : i32
    %c0_i32_1 = arith.constant 0 : i32
    return %c0_i32, %c0_i32_0 : i32, i32
  }
  func.func @transform_4(%arg0: i32) -> (i32, i32) {
    %c0_i32 = arith.constant 0 : i32
    %c0_i32_0 = arith.constant 0 : i32
    %c0_i32_1 = arith.constant 0 : i32
    return %c0_i32, %c0_i32_0 : i32, i32
  }
  func.func @transform_5(%arg0: i32) -> (i32, i32) {
    %c0_i32 = arith.constant 0 : i32
    %c0_i32_0 = arith.constant 0 : i32
    %c0_i32_1 = arith.constant 0 : i32
    return %c0_i32, %c0_i32_0 : i32, i32
  }
  func.func @transform_6(%arg0: i32) -> (i32, i32) {
    %c0_i32 = arith.constant 0 : i32
    %c0_i32_0 = arith.constant 0 : i32
    %c0_i32_1 = arith.constant 0 : i32
    return %c0_i32, %c0_i32_0 : i32, i32
  }
  func.func @transform_7(%arg0: i32) -> (i32, i32) {
    %c0_i32 = arith.constant 0 : i32
    %c0_i32_0 = arith.constant 0 : i32
    %c0_i32_1 = arith.constant 0 : i32
    return %c0_i32, %c0_i32_0 : i32, i32
  }
  func.func @transform_8(%arg0: i32) -> (i32, i32) {
    %c0_i32 = arith.constant 0 : i32
    %c0_i32_0 = arith.constant 0 : i32
    return %arg0, %c0_i32 : i32, i32
  }
}

module attributes {stable_mosaic.version = 14 : i64} {
  func.func @_lse_body(%arg0: memref<784x128xf32, #tpu.memory_space<vmem>>, %arg1: memref<784x128xf32, #tpu.memory_space<vmem>>) attributes {dimension_semantics = [], scalar_prefetch = 0 : i64, scratch_operands = 0 : i64, tpu.core_type = #tpu.core_type<tc>} {
    %get3A = arith.constant 0 : index
    %get3A_0 = arith.constant 0 : index
    %get3A_1 = vector.load %arg0[%get3A, %get3A_0] : memref<784x128xf32, #tpu.memory_space<vmem>>, vector<784x128xf32>
    %iota3A = tpu.iota {dimensions = array<i32: 0>} : vector<784x128xi32>
    %mul3A = arith.constant 128 : i32
    %mul3A_2 = vector.broadcast %mul3A : i32 to vector<784x128xi32>
    %mul3A_3 = arith.muli %iota3A, %mul3A_2 : vector<784x128xi32>
    %iota3A_4 = tpu.iota {dimensions = array<i32: 1>} : vector<784x128xi32>
    %add3A = arith.addi %mul3A_3, %iota3A_4 : vector<784x128xi32>
    %lt3A = arith.constant 99999 : i32
    %lt3A_5 = vector.broadcast %lt3A : i32 to vector<784x128xi32>
    %lt3A_6 = arith.cmpi slt, %add3A, %lt3A_5 : vector<784x128xi32>
    %jit3A = arith.constant -1.000000e+30 : f32
    %broadcast_in_dim3A = vector.broadcast %jit3A : f32 to vector<784x128xf32>
    %select_n3A = arith.select %lt3A_6, %get3A_1, %broadcast_in_dim3A : vector<784x128xi1>, vector<784x128xf32>
    %reduce_max3A = vector.shape_cast %select_n3A : vector<784x128xf32> to vector<1x784x128xf32>
    %reduce_max3A_7 = arith.constant dense<0xFF800000> : vector<1xf32>
    %reduce_max3A_8 = vector.multi_reduction <maximumf>, %reduce_max3A, %reduce_max3A_7 [1, 2] : vector<1x784x128xf32> to vector<1xf32>
    %reduce_max3A_9 = vector.shape_cast %reduce_max3A_8 : vector<1xf32> to vector<1x1x1xf32>
    %reduce_max3A_10 = vector.extract %reduce_max3A_9[0, 0, 0] : f32 from vector<1x1x1xf32>
    %sub3A = vector.broadcast %reduce_max3A_10 : f32 to vector<784x128xf32>
    %sub3A_11 = arith.subf %select_n3A, %sub3A : vector<784x128xf32>
    %exp3A = math.exp %sub3A_11 : vector<784x128xf32>
    %jit3A_12 = arith.constant 0.000000e+00 : f32
    %broadcast_in_dim3A_13 = vector.broadcast %jit3A_12 : f32 to vector<784x128xf32>
    %select_n3A_14 = arith.select %lt3A_6, %exp3A, %broadcast_in_dim3A_13 : vector<784x128xi1>, vector<784x128xf32>
    %reduce_sum3A = vector.shape_cast %select_n3A_14 : vector<784x128xf32> to vector<1x784x128xf32>
    %reduce_sum3A_15 = arith.constant dense<0.000000e+00> : vector<1xf32>
    %reduce_sum3A_16 = vector.multi_reduction <add>, %reduce_sum3A, %reduce_sum3A_15 [1, 2] : vector<1x784x128xf32> to vector<1xf32>
    %reduce_sum3A_17 = vector.shape_cast %reduce_sum3A_16 : vector<1xf32> to vector<1x1x1xf32>
    %reduce_sum3A_18 = vector.extract %reduce_sum3A_17[0, 0, 0] : f32 from vector<1x1x1xf32>
    %log3A = math.log %reduce_sum3A_18 : f32
    %add3A_19 = arith.addf %reduce_max3A_10, %log3A : f32
    %sub3A_20 = vector.broadcast %add3A_19 : f32 to vector<784x128xf32>
    %sub3A_21 = arith.subf %get3A_1, %sub3A_20 : vector<784x128xf32>
    %swap3A = arith.constant 0 : index
    %swap3A_22 = arith.constant 0 : index
    %swap3A_23 = vector.load %arg1[%swap3A, %swap3A_22] : memref<784x128xf32, #tpu.memory_space<vmem>>, vector<784x128xf32>
    tpu.vector_store %arg1[%swap3A, %swap3A_22], %sub3A_21 {strides = array<i32>} : memref<784x128xf32, #tpu.memory_space<vmem>>, vector<784x128xf32>,
    return
  }
}

</mosaic_0001>

<sc_bundles>
// kernel: kernel.6.cloned.1.call-start
scs
__scs_entry_jumppad:
0x0: {  	(pc) =	sbr.rel $0x88, $3  }
0x1: {  	(tag) =	ssettag $0x0;
	lr =	simm.s32 $0x1  }
0x2: {  	[smem:$0x3F91] =	sst lr;
	_ =	strace $0xD0000000  }
0x3: {  	_ = 	snop  }
0x4: {  	_ = 	snop  }
0x5: {  	_ = 	snop  }
0x6: {  	_ = 	snop  }
0x7: {  	_ = 	snop  }
__scs_overlays_trampoline_lowered:
0x8: {  	[smem:$0x3FA0] =	sst s0  }
0x9: {  	[smem:$0x3FA1] =	sst s1  }
0xa: {  	[smem:$0x3FA2] =	sst s2  }
0xb: {  	[smem:$0x3FA3] =	sst s3  }
0xc: {  	[smem:$0x3FA4] =	sst s4  }
0xd: {  	[smem:$0x3FA5] =	sst s5  }
0xe: {  	[smem:$0x3FA6] =	sst s6  }
0xf: {  	[smem:$0x3FA7] =	sst s7  }
0x10: {  	[smem:$0x3FA8] =	sst s8  }
0x11: {  	[smem:$0x3FA9] =	sst s9;
	s0 =	simm.s32 @!p0 $0x0  }
0x12: {  	s1 =	sld [smem:$0x3F8F];
	s0 =	simm.s32 @p0 $0x1  }
0x13: {  	[smem:$0x3FAA] =	sst s0;
	s0 =	simm.s32 @!p1 $0x0  }
0x14: {  	s2 =	sld [smem:$0x3F8E];
	s0 =	simm.s32 @p1 $0x1  }
0x15: {  	[smem:$0x3FAB] =	sst s0;
	s0 =	simm.s32 @!p2 $0x0  }
0x16: {  	s3 =	sld [smem:$0x3FDB];
	s0 =	simm.s32 @p2 $0x1  }
0x17: {  	s4 =	simm.s32 $0x1BF5;
	[smem:$0x3FAD] =	sst s0  }
0x18: {  	s0 =	sld [smem:$0x3F90];
	_ =	swait.ge [sflag:s4], $0x0  }
0x19: {  	s7 =	sld [smem:$0x3F91]  }
0x1a: {  	s8 =	sadd.s32 $0xFFFFE003, lr  }
0x1b: {  	s9 =	sadd.s32 $0xFFFFFEF7, lr;
	s5 =	simm.s32 $0xFFFFFFFF;
	p2 =	slt.u32 s8, $0xFFFFF086  }
0x1c: {  	p1 =	slt.u32 s9, $0xF7A;
	s5 =	simm.s32 @!p2 $0x0  }
0x1d: {  	s5 =	simm.s32 @p1 $0x1;
	p0 =	seq.s32 s7, s2  }
0x1e: {  	s7 =	smul.u32 @!p0 $0xF7A, s2;
	p2 =	seq.s32 @!p0 s5, $0x0  }
0x1f: {  	s9 =	smul.u32 $0xF7A, s1;
	s8 =	simm.s32 @!p0 $0x1BF5;
	p2 =	por !p2, p0  }
0x20: {  	[sflag:s8] =	ssyncset.s32 @!p0 $0xFFFFF086;
	s6 =	sadd.s32 @!p0 s3, s7;
	s7 =	simm.s32 @!p0 $0x108  }
0x21: {  	s3 =	sadd.s32 s3, s9;
	s6 =	sadd.s32 @!p0 $0x88, s6;
	s7 =	simm.s32 @p2 $0x1082  }
0x22: {  	[simem:s7], [sflag:s8] =	dma.local @!p0 [hbm:s6], $0xF7A  }
0x23: {  	s9 =	sor.u32 $0xD0000000, s2;
	s6 =	simm.s32 $0x108;
	_ =	swait.ge @!p0 [sflag:s8], $0x0  }
0x24: {  	s3 =	sadd.s32 $0x88, s3;
	s6 =	simm.s32 @!p1 $0x1082;
	[sflag:s4] =	ssyncset.s32 $0xFFFFF086  }
0x25: {  	[simem:s6], [sflag:s4] =	dma.local [hbm:s3], $0xF7A  }
0x26: {  	[smem:$0x3F91] =	sst s1;
	(tag) =	ssettag s2;
	_ =	strace s9  }
0x27: {  	s1 =	sld [smem:$0x3FA1]  }
0x28: {  	s2 =	sld [smem:$0x3FA2]  }
0x29: {  	s4 =	sld [smem:$0x3FA4]  }
0x2a: {  	p0 =	seq.s32 s5, $0x0;
	s5 =	sld [smem:$0x3FA5]  }
0x2b: {  	s6 =	sld [smem:$0x3FA6]  }
0x2c: {  	s7 =	sld [smem:$0x3FA7]  }
0x2d: {  	s3 =	simm.s32 $0x108;
	s8 =	sld [smem:$0x3FA8]  }
0x2e: {  	s3 =	simm.s32 @!p0 $0x1082;
	s9 =	sld [smem:$0x3FA9]  }
0x2f: {  	lr =	sadd.s32 s0, s3;
	s0 =	sld [smem:$0x3FA0]  }
0x30: {  	s3 =	sld [smem:$0x3FA3]  }
0x31: {  	[smem:$0x3FAC] =	sst s10  }
0x32: {  	s10 =	sld [smem:$0x3FAA];
	_ =	sdelay $0x3  }
0x33: {  	p0 =	seq.s32 s10, $0x1;
	s10 =	sld [smem:$0x3FAC];
	_ =	sdelay $0x3  }
0x34: {  	[smem:$0x3FAC] =	sst s10  }
0x35: {  	s10 =	sld [smem:$0x3FAB];
	_ =	sdelay $0x3  }
0x36: {  	p1 =	seq.s32 s10, $0x1;
	s10 =	sld [smem:$0x3FAC];
	_ =	sdelay $0x3  }
0x37: {  	[smem:$0x3FAC] =	sst s10  }
0x38: {  	s10 =	sld [smem:$0x3FAD]  }
0x39: {  	_ = 	snop;
	(pc) =	sbr.ind lr, $3  }
0x3a: {  	_ = 	snop  }
0x3b: {  	_ = 	snop  }
0x3c: {  	p2 =	seq.s32 s10, $0x1;
	s10 =	sld [smem:$0x3FAC]  }
0x3d: {  	_ =	shalt  }
0x3e: {  	_ =	shalt  }
0x3f: {  	_ =	shalt  }
0x40: {  	_ =	shalt  }
0x41: {  	_ =	shalt  }
0x42: {  	_ =	shalt  }
0x43: {  	_ =	shalt  }
0x44: {  	_ =	shalt  }
0x45: {  	_ =	shalt  }
0x46: {  	_ =	shalt  }
0x47: {  	_ =	shalt  }
0x48: {  	_ =	shalt  }
0x49: {  	_ =	shalt  }
0x4a: {  	_ =	shalt  }
0x4b: {  	_ =	shalt  }
0x4c: {  	_ =	shalt  }
0x4d: {  	_ =	shalt  }
0x4e: {  	_ =	shalt  }
0x4f: {  	_ =	shalt  }
0x50: {  	_ =	shalt  }
0x51: {  	_ =	shalt  }
0x52: {  	_ =	shalt  }
0x53: {  	_ =	shalt  }
0x54: {  	_ =	shalt  }
0x55: {  	_ =	shalt  }
0x56: {  	_ =	shalt  }
0x57: {  	_ =	shalt  }
0x58: {  	_ =	shalt  }
0x59: {  	_ =	shalt  }
0x5a: {  	_ =	shalt  }
0x5b: {  	_ =	shalt  }
0x5c: {  	_ =	shalt  }
0x5d: {  	_ =	shalt  }
0x5e: {  	_ =	shalt  }
0x5f: {  	_ =	shalt  }
0x60: {  	_ =	shalt  }
0x61: {  	_ =	shalt  }
0x62: {  	_ =	shalt  }
0x63: {  	_ =	shalt  }
0x64: {  	_ =	shalt  }
0x65: {  	_ =	shalt  }
0x66: {  	_ =	shalt  }
0x67: {  	_ =	shalt  }
0x68: {  	_ =	shalt  }
0x69: {  	_ =	shalt  }
0x6a: {  	_ =	shalt  }
0x6b: {  	_ =	shalt  }
0x6c: {  	_ =	shalt  }
0x6d: {  	_ =	shalt  }
0x6e: {  	_ =	shalt  }
0x6f: {  	_ =	shalt  }
0x70: {  	_ =	shalt  }
0x71: {  	_ =	shalt  }
0x72: {  	_ =	shalt  }
0x73: {  	_ =	shalt  }
0x74: {  	_ =	shalt  }
0x75: {  	_ =	shalt  }
0x76: {  	_ =	shalt  }
0x77: {  	_ =	shalt  }
0x78: {  	_ =	shalt  }
0x79: {  	_ =	shalt  }
0x7a: {  	_ =	shalt  }
0x7b: {  	_ =	shalt  }
0x7c: {  	_ =	shalt  }
0x7d: {  	_ =	shalt  }
0x7e: {  	_ =	shalt  }
0x7f: {  	_ =	shalt  }
0x80: {  	_ =	shalt  }
0x81: {  	_ =	shalt  }
0x82: {  	_ =	shalt  }
0x83: {  	_ =	shalt  }
0x84: {  	_ =	shalt  }
0x85: {  	_ =	shalt  }
0x86: {  	_ =	shalt  }
0x87: {  	_ =	shalt  }
.Lfunc_end0:
.L_simem_size_0:
called_computation_lowered:
.L_overlay_start_0:
0x88: {  	s2 =	sld [smem:$0x3FD9]  }
0x89: {  	s3 =	sld [smem:$0x3FFE];
	_ =	sdelay $0x1  }
0x8a: {  	s1 =	srdreg.scid  }
0x8b: {  	s0 =	sand.u32 $0x1, s1  }
0x8c: {  	s16 =	sshll.u32 s0, $0xA;
	s2 =	sadd.s32 s3, s2  }
0x8d: {  	s2 =	sadd.s32 s2, s16  }
0x8e: {  	[smem:$0x3FB8] =	sst s2  }
0x8f: {  	_ = 	snop  }
0x90: {  	(tm) =	ssettm $0x1  }
0x91: {  	s17 =	sld [smem:$0x3FFB];
	_ =	sdelay $0x3  }
0x92: {  	_ =	strace s17  }
0x93: {  	s2 =	sld [smem:$0x3FFC];
	_ =	sdelay $0x3  }
0x94: {  	_ =	strace s2  }
0x95: {  	s2 =	sld [smem:$0x3FFD];
	_ =	sdelay $0x3  }
0x96: {  	_ =	strace s2  }
0x97: {  	_ =	strace $0x8FFFFFFF  }
0x98: {  	s18 =	sld [smem:$0x3FDB];
	_ =	sdelay $0x1  }
0x99: {  	s19 =	simm.s32 $_scs_section_size  }
0x9a: {  	s4 =	simm.s32 $_size__tile_overlayer_lowered;
	s5 =	simm.s32 $_tile_overlayer_lowered  }
0x9b: {  	s22 =	simm.s32 $0x1BFF;
	s21 =	sshll.u32 s5, $0x1;
	s2 =	sadd.s32 s19, s18  }
0x9c: {  	s6 =	simm.s32 $0x0;
	s20 =	sshll.u32 s4, $0x1;
	s4 =	sadd.s32 s21, s2  }
0x9d: {  	[timem:s6], [sflag:s22] =	dma.local [hbm:s4], s20  }
0x9e: {  	_ =	swait.ge [sflag:s22], s20  }
0x9f: {  	s3 =	ssub.s32 $0x0, s20;
	[sflag:s22] =	ssyncset.done $0x0  }
0xa0: {  	[sflag:s22] =	ssyncadd.s32 s3;
	_ =	sdelay $0x1  }
0xa1: {  	s23 =	simm.s32 $0x1B8B  }
0xa2: {  	_ =	swait.ge [sflag:s23], $0x1  }
0xa3: {  	[sflag:s23] =	ssyncset.done $0x0  }
0xa4: {  	s25 =	simm.s32 $0x1B8E;
	s24 =	sld [smem:$0x3FFE];
	[sflag:s23] =	ssyncadd.s32 $0xFFFFFFFF  }
0xa5: {  	s26 =	simm.s32 $execute0_lowered;
	[smem:$0x3FD2] =	sst s25  }
0xa6: {  	s4 =	sshll.u32 s26, $0x1;
	_ =	strace $0x80000046;
	[dreg:$0x1] =	wrdreg $0xFFFFFFFF  }
0xa7: {  	s28 =	simm.s32 $_size_execute0_lowered;
	s2 =	sadd.s32 s2, s4;
	[dreg:$0x0] =	wrdreg $0x0  }
0xa8: {  	s4 =	sshll.u32 s28, $0x1;
	[dreg:$0x2] =	wrdreg s2  }
0xa9: {  	[dreg:$0x3] =	wrdreg s4  }
0xaa: {  	[dreg:$0x4] =	wrdreg $0xC0  }
0xab: {  	_ =	task [dreg:s6], $0x5FFFF  }
0xac: {  	[dreg:$0x1] =	wrdreg $0xFFFFFFFF  }
0xad: {  	[dreg:$0x0] =	wrdreg $0x60  }
0xae: {  	[dreg:$0x2] =	wrdreg s24  }
0xaf: {  	[dreg:$0x3] =	wrdreg $0x9  }
0xb0: {  	_ =	task.clear_ibuf [dreg:s6], $0x4FFFF;
	_ =	strace $0x90000046  }
0xb1: {  	s29 =	simm.s32 $0x9;
	_ =	strace $0x80000048  }
0xb2: {  	_ =	swait.ge [sflag:s29], $0x1  }
0xb3: {  	[sflag:s29] =	ssyncadd.s32 $0xFFFFFFFF  }
0xb4: {  	_ =	strace $0x90000048  }
0xb5: {  	_ =	sfence  }
0xb6: {  	s30 =	sld [smem:$0x0];
	_ =	sdelay $0x2  }
0xb7: {  	s31 =	sshll.u32 s1, $0xD;
	s1 =	sshrl.u32 s1, $0x2  }
0xb8: {  	s3 =	sand.u32 $0x4000, s31;
	s1 =	sadd.s32 s1, s30  }
0xb9: {  	s0 =	sor.u32 s3, s0;
	s1 =	sshll.u32 s1, $0x11  }
0xba: {  	s0 =	sor.u32 s1, s0  }
0xbb: {  	s0 =	sadd.s32 $0x8F2B, s0  }
0xbc: {  	[sflag:s0] =	ssyncadd.remote.s32 $0x1  }
0xbd: {  	_ =	sfence.sel $0xFFFF  }
0xbe: {  	[dreg:$0x0] =	wrdreg $0xFFFFFFFF;
	(pc) =	sbr.abs _section_cstart, $3  }
0xbf: {  	[dreg:$0x1] =	wrdreg $0xFFFFFFFF  }
0xc0: {  	_ =	task.clear_ibuf [dreg:s6], $0x2FFFF;
	_ =	strace $0x9FFFFFFF  }
0xc1: {  	(tm) =	ssettm $0x7FFFFFFF  }
tec
execute0_lowered:
.L_overlay_start_1:
0x0: {  	(tag) =	ssettag $0x1  }
0x1: {  	s0 =	rddreg [dreg:$0x0];
	s8 =	stileid.u32  }
0x2: {  	s4 =	srdreg.scid;
	s1 =	smul.u32 $0x380, s8  }
0x3: {  	s2 =	simm.s32 $0x0;
	s6 =	sand.u32 $0x1, s4;
	s7 =	smul.u32 $0xC8000, s8  }
0x4: {  	s3 =	sadd.s32 $0x5200, s0;
	s4 =	sadd.s32 $0x195200, s0;
	s26 =	ssub.s32 $0x2, s6  }
0x5: {  	s1 =	sadd.s32 s1, s0;
	s5 =	sshrl.u32 s26, $0x1;
	s9 =	sshrl.u32 s7, $0x3  }
0x6: {  	s0 =	ssub.s32 s26, s5;
	s5 =	sadd.s32 $0x1A00, s1;
	s1 =	sadd.s32 s4, s9  }
0x7: {  	[smem:$0x7FF] =	sst s2;
	s10 =	sadd.s32 $0x1000, s1  }
0x8: {  	_ =	strace $0x80000047;
	s11 =	sadd.s32 $0x1800, s1;
	[dreg:$0x2] =	wrdreg s10  }
0x9: {  	s12 =	sadd.s32 $0x2000, s1;
	[dreg:$0x3] =	wrdreg s11  }
0xa: {  	s13 =	sadd.s32 $0x2800, s1;
	[dreg:$0x4] =	wrdreg s12  }
0xb: {  	s14 =	sadd.s32 $0x3000, s1;
	[dreg:$0x5] =	wrdreg s13  }
0xc: {  	s15 =	sadd.s32 $0x3800, s1;
	[dreg:$0x6] =	wrdreg s14  }
0xd: {  	s16 =	sadd.s32 $0x4000, s1;
	[dreg:$0x7] =	wrdreg s15  }
0xe: {  	s17 =	sadd.s32 $0x4800, s1;
	[dreg:$0x8] =	wrdreg s16  }
0xf: {  	s18 =	sadd.s32 $0x5000, s1;
	[dreg:$0x9] =	wrdreg s17  }
0x10: {  	s19 =	sadd.s32 $0x5800, s1;
	[dreg:$0xa] =	wrdreg s18  }
0x11: {  	s20 =	sadd.s32 $0x6000, s1;
	[dreg:$0xb] =	wrdreg s19  }
0x12: {  	s21 =	sadd.s32 $0x6800, s1;
	[dreg:$0xc] =	wrdreg s20  }
0x13: {  	s22 =	sadd.s32 $0x7000, s1;
	[dreg:$0xd] =	wrdreg s21  }
0x14: {  	s23 =	sadd.s32 $0x7800, s1;
	[dreg:$0xe] =	wrdreg s22  }
0x15: {  	s24 =	sadd.s32 $0x8000, s1;
	[dreg:$0xf] =	wrdreg s23  }
0x16: {  	s25 =	sadd.s32 $0x8800, s1;
	[dreg:$0x10] =	wrdreg s24  }
0x17: {  	s26 =	sadd.s32 $0x9000, s1;
	[dreg:$0x11] =	wrdreg s25  }
0x18: {  	s9 =	sadd.s32 $0x9800, s1;
	[dreg:$0x12] =	wrdreg s26  }
0x19: {  	[dreg:$0x13] =	wrdreg s9;
	s10 =	sadd.s32 $0xA000, s1  }
0x1a: {  	s11 =	sadd.s32 $0xA800, s1;
	[dreg:$0x14] =	wrdreg s10  }
0x1b: {  	s12 =	sadd.s32 $0xB000, s1;
	[dreg:$0x15] =	wrdreg s11  }
0x1c: {  	s13 =	sadd.s32 $0xB800, s1;
	[dreg:$0x16] =	wrdreg s12  }
0x1d: {  	s14 =	sadd.s32 $0xC000, s1;
	[dreg:$0x17] =	wrdreg s13  }
0x1e: {  	s15 =	sadd.s32 $0xC800, s1;
	[dreg:$0x18] =	wrdreg s14  }
0x1f: {  	s16 =	sadd.s32 $0xD000, s1;
	[dreg:$0x19] =	wrdreg s15  }
0x20: {  	s17 =	sadd.s32 $0xD800, s1;
	[dreg:$0x1a] =	wrdreg s16  }
0x21: {  	s18 =	sadd.s32 $0xE000, s1;
	[dreg:$0x1b] =	wrdreg s17  }
0x22: {  	s8 =	smul.u32 $0x19000, s8;
	s19 =	sadd.s32 $0xE800, s1;
	[dreg:$0x1c] =	wrdreg s18  }
0x23: {  	p0 =	seq.s32 s6, $0x1;
	s20 =	sadd.s32 $0xF000, s1;
	[dreg:$0x1d] =	wrdreg s19  }
0x24: {  	s6 =	sadd.s32 s4, s8;
	s21 =	sadd.s32 $0xF800, s1;
	[dreg:$0x1e] =	wrdreg s20  }
0x25: {  	s28 =	sadd.s32 $0xC0000, s7;
	s22 =	sadd.s32 $0x10000, s1;
	[dreg:$0x1f] =	wrdreg s21  }
0x26: {  	s29 =	sadd.s32 $0xC4000, s7;
	s23 =	sadd.s32 $0x10800, s1;
	[smem:$0x7F9] =	sst s22  }
0x27: {  	s31 =	sadd.s32 $0x800, s6;
	s24 =	sadd.s32 $0x11000, s1;
	[smem:$0x7FA] =	sst s23  }
0x28: {  	s30 =	smax.u32 s0, $0x1;
	s25 =	sadd.s32 $0x11800, s1;
	[smem:$0x7FB] =	sst s24  }
0x29: {  	s0 =	simm.s32 $0x4;
	s26 =	sadd.s32 $0x12000, s1;
	[smem:$0x7FC] =	sst s25  }
.Ltmp0:
0x2a: {  	[smem:$0x7FD] =	sst s26;
	s16 =	sadd.s32 $0x12800, s1;
	(pc) =	sbr.rel .LBB2_1-.Ltmp0, $4  }
0x2b: {  	s17 =	sadd.s32 $0x13000, s1;
	s18 =	sadd.s32 $0x15000, s1;
	s19 =	sadd.s32 $0x15800, s1  }
0x2c: {  	s20 =	sadd.s32 $0x16000, s1;
	s21 =	sadd.s32 $0x16800, s1;
	s22 =	sadd.s32 $0x17000, s1  }
0x2d: {  	s14 =	sadd.s32 $0x9C000, s7;
	s13 =	sadd.s32 $0xA0000, s7;
	s12 =	sadd.s32 $0xA4000, s7  }
0x2e: {  	s26 =	sadd.s32 $0xBC000, s7;
	s15 =	smov.u32 s6;
	s1 =	simm.s32 $0x80  }
.LBB2_3:
0x2f: {  	s8 =	simm.s32 $0x1C00;
	s6 =	simm.s32 $0x1500  }
0x30: {  	[tilespmem:s8], [sflag:$0x1] =	stream.indirect.gather [hbm4b:s3+s1], $0x80, s6, s1, $0xb8;
	[tilespmem:$0xDC00] =	vst v63  }
0x31: {  	s7 =	simm.s32 $0x5C00;
	s10 =	simm.s32 $0x1580  }
0x32: {  	[tilespmem:s7], [sflag:$0x2] =	stream.indirect.gather [hbm4b:s3+s1], $0x80, s10, s1, $0xb8;
	[tilespmem:$0xDC00] =	vst v63  }
0x33: {  	s9 =	simm.s32 $0x9C00;
	s11 =	simm.s32 $0x1600;
	s10 =	simm.s32 $0x1  }
0x34: {  	[tilespmem:s9], [sflag:$0x3] =	stream.indirect.gather [hbm4b:s3+s1], $0x80, s11, s1, $0xb8;
	[tilespmem:$0xDC00] =	vst v63  }
0x35: {  	_ =	swait.ge [sflag:s10], $0x4000  }
0x36: {  	[sflag:s10] =	ssyncset.done $0x0  }
0x37: {  	[sflag:s10] =	ssyncadd.s32 $0xFFFFC000  }
0x38: {  	[hbm4b:s18+s2] =	stream.linear.scatter [tilespmem:s8], [sflag:$0x4], $0x4000, $0x38;
	[tilespmem:$0xDC00] =	vst v63  }
0x39: {  	_ =	swait.ge [sflag:s0], $0x4000  }
0x3a: {  	[sflag:s0] =	ssyncset.done $0x0  }
0x3b: {  	s23 =	simm.s32 $0x1680;
	s6 =	simm.s32 $0x2;
	[sflag:s0] =	ssyncadd.s32 $0xFFFFC000  }
0x3c: {  	[tilespmem:s8], [sflag:$0x1] =	stream.indirect.gather [hbm4b:s3+s1], $0x80, s23, s1, $0xb8;
	[tilespmem:$0xDC00] =	vst v63  }
0x3d: {  	_ =	swait.ge [sflag:s6], $0x4000  }
0x3e: {  	[sflag:s6] =	ssyncset.done $0x0  }
0x3f: {  	[sflag:s6] =	ssyncadd.s32 $0xFFFFC000  }
0x40: {  	[hbm4b:s19+s2] =	stream.linear.scatter [tilespmem:s7], [sflag:$0x4], $0x4000, $0x38;
	[tilespmem:$0xDC00] =	vst v63  }
0x41: {  	_ =	swait.ge [sflag:s0], $0x4000  }
0x42: {  	[sflag:s0] =	ssyncset.done $0x0  }
0x43: {  	s11 =	simm.s32 $0x1700;
	[sflag:s0] =	ssyncadd.s32 $0xFFFFC000  }
0x44: {  	[tilespmem:s7], [sflag:$0x2] =	stream.indirect.gather [hbm4b:s3+s1], $0x80, s11, s1, $0xb8;
	[tilespmem:$0xDC00] =	vst v63  }
0x45: {  	s11 =	simm.s32 $0x3  }
0x46: {  	_ =	swait.ge [sflag:s11], $0x4000  }
0x47: {  	[sflag:s11] =	ssyncset.done $0x0  }
0x48: {  	[sflag:s11] =	ssyncadd.s32 $0xFFFFC000  }
0x49: {  	[hbm4b:s20+s2] =	stream.linear.scatter [tilespmem:s9], [sflag:$0x4], $0x4000, $0x38;
	[tilespmem:$0xDC00] =	vst v63  }
0x4a: {  	_ =	swait.ge [sflag:s0], $0x4000  }
0x4b: {  	[sflag:s0] =	ssyncset.done $0x0  }
0x4c: {  	s23 =	simm.s32 $0x1780;
	[sflag:s0] =	ssyncadd.s32 $0xFFFFC000  }
0x4d: {  	[tilespmem:s9], [sflag:$0x3] =	stream.indirect.gather [hbm4b:s3+s1], $0x80, s23, s1, $0xb8;
	[tilespmem:$0xDC00] =	vst v63  }
0x4e: {  	_ =	swait.ge [sflag:s10], $0x4000  }
0x4f: {  	[sflag:s10] =	ssyncset.done $0x0  }
0x50: {  	[sflag:s10] =	ssyncadd.s32 $0xFFFFC000  }
0x51: {  	[hbm4b:s21+s2] =	stream.linear.scatter [tilespmem:s8], [sflag:$0x4], $0x4000, $0x38;
	[tilespmem:$0xDC00] =	vst v63  }
0x52: {  	_ =	swait.ge [sflag:s0], $0x4000  }
0x53: {  	[sflag:s0] =	ssyncset.done $0x0  }
0x54: {  	s24 =	simm.s32 $0x1800;
	[sflag:s0] =	ssyncadd.s32 $0xFFFFC000  }
0x55: {  	[tilespmem:s8], [sflag:$0x1] =	stream.indirect.gather [hbm4b:s3+s1], $0x80, s24, s1, $0xb8;
	[tilespmem:$0xDC00] =	vst v63  }
0x56: {  	_ =	swait.ge [sflag:s6], $0x4000  }
0x57: {  	[sflag:s6] =	ssyncset.done $0x0  }
0x58: {  	[sflag:s6] =	ssyncadd.s32 $0xFFFFC000  }
0x59: {  	[hbm4b:s22+s2] =	stream.linear.scatter [tilespmem:s7], [sflag:$0x4], $0x4000, $0x38;
	[tilespmem:$0xDC00] =	vst v63  }
0x5a: {  	_ =	swait.ge [sflag:s0], $0x4000  }
0x5b: {  	[sflag:s0] =	ssyncset.done $0x0  }
0x5c: {  	s25 =	simm.s32 $0x1880;
	[sflag:s0] =	ssyncadd.s32 $0xFFFFC000  }
0x5d: {  	[tilespmem:s7], [sflag:$0x2] =	stream.indirect.gather [hbm4b:s3+s1], $0x80, s25, s1, $0xb8;
	[tilespmem:$0xDC00] =	vst v63  }
0x5e: {  	s23 =	smov.u32 s26;
	s24 =	smov.u32 s28;
	s25 =	smov.u32 s29  }
.LBB2_4:
0x5f: {  	_ =	swait.ge [sflag:s11], $0x4000  }
0x60: {  	s23 =	sshrl.u32 s23, $0x3;
	[sflag:s11] =	ssyncset.done $0x0  }
0x61: {  	s23 =	sadd.s32 s4, s23;
	[sflag:s11] =	ssyncadd.s32 $0xFFFFC000  }
0x62: {  	[hbm4b:s23+s2] =	stream.linear.scatter [tilespmem:s9], [sflag:$0x4], $0x4000, $0x38;
	[tilespmem:$0xDC00] =	vst v63  }
0x63: {  	_ =	swait.ge [sflag:s0], $0x4000  }
0x64: {  	[sflag:s0] =	ssyncset.done $0x0  }
0x65: {  	[sflag:s0] =	ssyncadd.s32 $0xFFFFC000  }
0x66: {  	_ =	swait.ge [sflag:s10], $0x4000  }
0x67: {  	s24 =	sshrl.u32 s24, $0x3;
	[sflag:s10] =	ssyncset.done $0x0  }
0x68: {  	s9 =	sadd.s32 s4, s24;
	[sflag:s10] =	ssyncadd.s32 $0xFFFFC000  }
0x69: {  	[hbm4b:s9+s2] =	stream.linear.scatter [tilespmem:s8], [sflag:$0x4], $0x4000, $0x38;
	[tilespmem:$0xDC00] =	vst v63  }
0x6a: {  	_ =	swait.ge [sflag:s0], $0x4000  }
0x6b: {  	[sflag:s0] =	ssyncset.done $0x0  }
0x6c: {  	[sflag:s0] =	ssyncadd.s32 $0xFFFFC000  }
0x6d: {  	s30 =	sadd.s32 $0xFFFFFFFF, s30;
	_ =	swait.ge [sflag:s6], $0x4000  }
0x6e: {  	s25 =	sshrl.u32 s25, $0x3;
	p1 =	sne.s32 s30, $0x0;
	[sflag:s6] =	ssyncset.done $0x0  }
.Ltmp1:
0x6f: {  	s8 =	sadd.s32 s4, s25;
	[sflag:s6] =	ssyncadd.s32 $0xFFFFC000;
	(pc) =	sbr.rel @!p1 .LBB2_5-.Ltmp1, $4  }
0x70: {  	[hbm4b:s8+s2] =	stream.linear.scatter [tilespmem:s7], [sflag:$0x4], $0x4000, $0x38;
	[tilespmem:$0xDC00] =	vst v63  }
0x71: {  	_ =	swait.ge [sflag:s0], $0x4000  }
0x72: {  	[sflag:s0] =	ssyncset.done $0x0  }
0x73: {  	[sflag:s0] =	ssyncadd.s32 $0xFFFFC000  }
.LBB2_1:
.Ltmp2:
0x74: {  	(pc) =	sbr.rel @p0 .LBB2_3-.Ltmp2, $4  }
0x75: {  	[tilespmem:s2], [sflag:$0x4] =	stream.linear.gather [hbm4b:s5+s2], $0x1900, $0x38;
	[tilespmem:$0xDC00] =	vst v63  }
0x76: {  	_ =	swait.ge [sflag:s0], $0x1900  }
0x77: {  	[sflag:s0] =	ssyncset.done $0x0  }
0x78: {  	[sflag:s0] =	ssyncadd.s32 $0xFFFFE700  }
0x79: {  	s9 =	simm.s32 $0x1C00  }
0x7a: {  	[tilespmem:s9], [sflag:$0x1] =	stream.indirect.gather [hbm4b:s3+s1], $0x80, s2, s1, $0xb8;
	[tilespmem:$0xDC00] =	vst v63  }
0x7b: {  	s8 =	simm.s32 $0x5C00  }
0x7c: {  	[tilespmem:s8], [sflag:$0x2] =	stream.indirect.gather [hbm4b:s3+s1], $0x80, s1, s1, $0xb8;
	[tilespmem:$0xDC00] =	vst v63  }
0x7d: {  	s7 =	simm.s32 $0x9C00;
	s6 =	simm.s32 $0x100;
	s11 =	simm.s32 $0x1  }
0x7e: {  	[tilespmem:s7], [sflag:$0x3] =	stream.indirect.gather [hbm4b:s3+s1], $0x80, s6, s1, $0xb8;
	[tilespmem:$0xDC00] =	vst v63  }
0x7f: {  	_ =	swait.ge [sflag:s11], $0x4000  }
0x80: {  	[sflag:s11] =	ssyncset.done $0x0  }
0x81: {  	[sflag:s11] =	ssyncadd.s32 $0xFFFFC000  }
0x82: {  	[hbm4b:s15+s2] =	stream.linear.scatter [tilespmem:s9], [sflag:$0x4], $0x4000, $0x38;
	[tilespmem:$0xDC00] =	vst v63  }
0x83: {  	_ =	swait.ge [sflag:s0], $0x4000  }
0x84: {  	[sflag:s0] =	ssyncset.done $0x0  }
0x85: {  	s23 =	simm.s32 $0x180;
	s10 =	simm.s32 $0x2;
	[sflag:s0] =	ssyncadd.s32 $0xFFFFC000  }
0x86: {  	[tilespmem:s9], [sflag:$0x1] =	stream.indirect.gather [hbm4b:s3+s1], $0x80, s23, s1, $0xb8;
	[tilespmem:$0xDC00] =	vst v63  }
0x87: {  	_ =	swait.ge [sflag:s10], $0x4000  }
0x88: {  	[sflag:s10] =	ssyncset.done $0x0  }
0x89: {  	[sflag:s10] =	ssyncadd.s32 $0xFFFFC000  }
0x8a: {  	[hbm4b:s31+s2] =	stream.linear.scatter [tilespmem:s8], [sflag:$0x4], $0x4000, $0x38;
	[tilespmem:$0xDC00] =	vst v63  }
0x8b: {  	_ =	swait.ge [sflag:s0], $0x4000  }
0x8c: {  	[sflag:s0] =	ssyncset.done $0x0  }
0x8d: {  	s24 =	simm.s32 $0x200;
	s6 =	simm.s32 $0x3;
	[sflag:s0] =	ssyncadd.s32 $0xFFFFC000  }
0x8e: {  	[tilespmem:s8], [sflag:$0x2] =	stream.indirect.gather [hbm4b:s3+s1], $0x80, s24, s1, $0xb8;
	[tilespmem:$0xDC00] =	vst v63  }
0x8f: {  	_ =	swait.ge [sflag:s6], $0x4000  }
0x90: {  	[sflag:s6] =	ssyncset.done $0x0  }
0x91: {  	s23 =	rddreg [dreg:$0x2];
	[sflag:s6] =	ssyncadd.s32 $0xFFFFC000  }
0x92: {  	[hbm4b:s23+s2] =	stream.linear.scatter [tilespmem:s7], [sflag:$0x4], $0x4000, $0x38;
	[tilespmem:$0xDC00] =	vst v63  }
0x93: {  	_ =	swait.ge [sflag:s0], $0x4000  }
0x94: {  	[sflag:s0] =	ssyncset.done $0x0  }
0x95: {  	s25 =	simm.s32 $0x280;
	[sflag:s0] =	ssyncadd.s32 $0xFFFFC000  }
0x96: {  	[tilespmem:s7], [sflag:$0x3] =	stream.indirect.gather [hbm4b:s3+s1], $0x80, s25, s1, $0xb8;
	[tilespmem:$0xDC00] =	vst v63  }
0x97: {  	_ =	swait.ge [sflag:s11], $0x4000  }
0x98: {  	[sflag:s11] =	ssyncset.done $0x0  }
0x99: {  	s24 =	rddreg [dreg:$0x3];
	[sflag:s11] =	ssyncadd.s32 $0xFFFFC000  }
0x9a: {  	[hbm4b:s24+s2] =	stream.linear.scatter [tilespmem:s9], [sflag:$0x4], $0x4000, $0x38;
	[tilespmem:$0xDC00] =	vst v63  }
0x9b: {  	_ =	swait.ge [sflag:s0], $0x4000  }
0x9c: {  	[sflag:s0] =	ssyncset.done $0x0  }
0x9d: {  	s25 =	simm.s32 $0x300;
	[sflag:s0] =	ssyncadd.s32 $0xFFFFC000  }
0x9e: {  	[tilespmem:s9], [sflag:$0x1] =	stream.indirect.gather [hbm4b:s3+s1], $0x80, s25, s1, $0xb8;
	[tilespmem:$0xDC00] =	vst v63  }
0x9f: {  	_ =	swait.ge [sflag:s10], $0x4000  }
0xa0: {  	[sflag:s10] =	ssyncset.done $0x0  }
0xa1: {  	s24 =	rddreg [dreg:$0x4];
	[sflag:s10] =	ssyncadd.s32 $0xFFFFC000  }
0xa2: {  	[hbm4b:s24+s2] =	stream.linear.scatter [tilespmem:s8], [sflag:$0x4], $0x4000, $0x38;
	[tilespmem:$0xDC00] =	vst v63  }
0xa3: {  	_ =	swait.ge [sflag:s0], $0x4000  }
0xa4: {  	[sflag:s0] =	ssyncset.done $0x0  }
0xa5: {  	s25 =	simm.s32 $0x380;
	[sflag:s0] =	ssyncadd.s32 $0xFFFFC000  }
0xa6: {  	[tilespmem:s8], [sflag:$0x2] =	stream.indirect.gather [hbm4b:s3+s1], $0x80, s25, s1, $0xb8;
	[tilespmem:$0xDC00] =	vst v63  }
0xa7: {  	_ =	swait.ge [sflag:s6], $0x4000  }
0xa8: {  	[sflag:s6] =	ssyncset.done $0x0  }
0xa9: {  	s24 =	rddreg [dreg:$0x5];
	[sflag:s6] =	ssyncadd.s32 $0xFFFFC000  }
0xaa: {  	[hbm4b:s24+s2] =	stream.linear.scatter [tilespmem:s7], [sflag:$0x4], $0x4000, $0x38;
	[tilespmem:$0xDC00] =	vst v63  }
0xab: {  	_ =	swait.ge [sflag:s0], $0x4000  }
0xac: {  	[sflag:s0] =	ssyncset.done $0x0  }
0xad: {  	s25 =	simm.s32 $0x400;
	[sflag:s0] =	ssyncadd.s32 $0xFFFFC000  }
0xae: {  	[tilespmem:s7], [sflag:$0x3] =	stream.indirect.gather [hbm4b:s3+s1], $0x80, s25, s1, $0xb8;
	[tilespmem:$0xDC00] =	vst v63  }
0xaf: {  	_ =	swait.ge [sflag:s11], $0x4000  }
0xb0: {  	[sflag:s11] =	ssyncset.done $0x0  }
0xb1: {  	s24 =	rddreg [dreg:$0x6];
	[sflag:s11] =	ssyncadd.s32 $0xFFFFC000  }
0xb2: {  	[hbm4b:s24+s2] =	stream.linear.scatter [tilespmem:s9], [sflag:$0x4], $0x4000, $0x38;
	[tilespmem:$0xDC00] =	vst v63  }
0xb3: {  	_ =	swait.ge [sflag:s0], $0x4000  }
0xb4: {  	[sflag:s0] =	ssyncset.done $0x0  }
0xb5: {  	s25 =	simm.s32 $0x480;
	[sflag:s0] =	ssyncadd.s32 $0xFFFFC000  }
0xb6: {  	[tilespmem:s9], [sflag:$0x1] =	stream.indirect.gather [hbm4b:s3+s1], $0x80, s25, s1, $0xb8;
	[tilespmem:$0xDC00] =	vst v63  }
0xb7: {  	_ =	swait.ge [sflag:s10], $0x4000  }
0xb8: {  	[sflag:s10] =	ssyncset.done $0x0  }
0xb9: {  	s24 =	rddreg [dreg:$0x7];
	[sflag:s10] =	ssyncadd.s32 $0xFFFFC000  }
0xba: {  	[hbm4b:s24+s2] =	stream.linear.scatter [tilespmem:s8], [sflag:$0x4], $0x4000, $0x38;
	[tilespmem:$0xDC00] =	vst v63  }
0xbb: {  	_ =	swait.ge [sflag:s0], $0x4000  }
0xbc: {  	[sflag:s0] =	ssyncset.done $0x0  }
0xbd: {  	s25 =	simm.s32 $0x500;
	[sflag:s0] =	ssyncadd.s32 $0xFFFFC000  }
0xbe: {  	[tilespmem:s8], [sflag:$0x2] =	stream.indirect.gather [hbm4b:s3+s1], $0x80, s25, s1, $0xb8;
	[tilespmem:$0xDC00] =	vst v63  }
0xbf: {  	_ =	swait.ge [sflag:s6], $0x4000  }
0xc0: {  	[sflag:s6] =	ssyncset.done $0x0  }
0xc1: {  	s24 =	rddreg [dreg:$0x8];
	[sflag:s6] =	ssyncadd.s32 $0xFFFFC000  }
0xc2: {  	[hbm4b:s24+s2] =	stream.linear.scatter [tilespmem:s7], [sflag:$0x4], $0x4000, $0x38;
	[tilespmem:$0xDC00] =	vst v63  }
0xc3: {  	_ =	swait.ge [sflag:s0], $0x4000  }
0xc4: {  	[sflag:s0] =	ssyncset.done $0x0  }
0xc5: {  	s25 =	simm.s32 $0x580;
	[sflag:s0] =	ssyncadd.s32 $0xFFFFC000  }
0xc6: {  	[tilespmem:s7], [sflag:$0x3] =	stream.indirect.gather [hbm4b:s3+s1], $0x80, s25, s1, $0xb8;
	[tilespmem:$0xDC00] =	vst v63  }
0xc7: {  	_ =	swait.ge [sflag:s11], $0x4000  }
0xc8: {  	[sflag:s11] =	ssyncset.done $0x0  }
0xc9: {  	s24 =	rddreg [dreg:$0x9];
	[sflag:s11] =	ssyncadd.s32 $0xFFFFC000  }
0xca: {  	[hbm4b:s24+s2] =	stream.linear.scatter [tilespmem:s9], [sflag:$0x4], $0x4000, $0x38;
	[tilespmem:$0xDC00] =	vst v63  }
0xcb: {  	_ =	swait.ge [sflag:s0], $0x4000  }
0xcc: {  	[sflag:s0] =	ssyncset.done $0x0  }
0xcd: {  	s25 =	simm.s32 $0x600;
	[sflag:s0] =	ssyncadd.s32 $0xFFFFC000  }
0xce: {  	[tilespmem:s9], [sflag:$0x1] =	stream.indirect.gather [hbm4b:s3+s1], $0x80, s25, s1, $0xb8;
	[tilespmem:$0xDC00] =	vst v63  }
0xcf: {  	_ =	swait.ge [sflag:s10], $0x4000  }
0xd0: {  	[sflag:s10] =	ssyncset.done $0x0  }
0xd1: {  	s24 =	rddreg [dreg:$0xa];
	[sflag:s10] =	ssyncadd.s32 $0xFFFFC000  }
0xd2: {  	[hbm4b:s24+s2] =	stream.linear.scatter [tilespmem:s8], [sflag:$0x4], $0x4000, $0x38;
	[tilespmem:$0xDC00] =	vst v63  }
0xd3: {  	_ =	swait.ge [sflag:s0], $0x4000  }
0xd4: {  	[sflag:s0] =	ssyncset.done $0x0  }
0xd5: {  	s25 =	simm.s32 $0x680;
	[sflag:s0] =	ssyncadd.s32 $0xFFFFC000  }
0xd6: {  	[tilespmem:s8], [sflag:$0x2] =	stream.indirect.gather [hbm4b:s3+s1], $0x80, s25, s1, $0xb8;
	[tilespmem:$0xDC00] =	vst v63  }
0xd7: {  	_ =	swait.ge [sflag:s6], $0x4000  }
0xd8: {  	[sflag:s6] =	ssyncset.done $0x0  }
0xd9: {  	s24 =	rddreg [dreg:$0xb];
	[sflag:s6] =	ssyncadd.s32 $0xFFFFC000  }
0xda: {  	[hbm4b:s24+s2] =	stream.linear.scatter [tilespmem:s7], [sflag:$0x4], $0x4000, $0x38;
	[tilespmem:$0xDC00] =	vst v63  }
0xdb: {  	_ =	swait.ge [sflag:s0], $0x4000  }
0xdc: {  	[sflag:s0] =	ssyncset.done $0x0  }
0xdd: {  	s25 =	simm.s32 $0x700;
	[sflag:s0] =	ssyncadd.s32 $0xFFFFC000  }
0xde: {  	[tilespmem:s7], [sflag:$0x3] =	stream.indirect.gather [hbm4b:s3+s1], $0x80, s25, s1, $0xb8;
	[tilespmem:$0xDC00] =	vst v63  }
0xdf: {  	_ =	swait.ge [sflag:s11], $0x4000  }
0xe0: {  	[sflag:s11] =	ssyncset.done $0x0  }
0xe1: {  	s24 =	rddreg [dreg:$0xc];
	[sflag:s11] =	ssyncadd.s32 $0xFFFFC000  }
0xe2: {  	[hbm4b:s24+s2] =	stream.linear.scatter [tilespmem:s9], [sflag:$0x4], $0x4000, $0x38;
	[tilespmem:$0xDC00] =	vst v63  }
0xe3: {  	_ =	swait.ge [sflag:s0], $0x4000  }
0xe4: {  	[sflag:s0] =	ssyncset.done $0x0  }
0xe5: {  	s25 =	simm.s32 $0x780;
	[sflag:s0] =	ssyncadd.s32 $0xFFFFC000  }
0xe6: {  	[tilespmem:s9], [sflag:$0x1] =	stream.indirect.gather [hbm4b:s3+s1], $0x80, s25, s1, $0xb8;
	[tilespmem:$0xDC00] =	vst v63  }
0xe7: {  	_ =	swait.ge [sflag:s10], $0x4000  }
0xe8: {  	[sflag:s10] =	ssyncset.done $0x0  }
0xe9: {  	s24 =	rddreg [dreg:$0xd];
	[sflag:s10] =	ssyncadd.s32 $0xFFFFC000  }
0xea: {  	[hbm4b:s24+s2] =	stream.linear.scatter [tilespmem:s8], [sflag:$0x4], $0x4000, $0x38;
	[tilespmem:$0xDC00] =	vst v63  }
0xeb: {  	_ =	swait.ge [sflag:s0], $0x4000  }
0xec: {  	[sflag:s0] =	ssyncset.done $0x0  }
0xed: {  	s25 =	simm.s32 $0x800;
	[sflag:s0] =	ssyncadd.s32 $0xFFFFC000  }
0xee: {  	[tilespmem:s8], [sflag:$0x2] =	stream.indirect.gather [hbm4b:s3+s1], $0x80, s25, s1, $0xb8;
	[tilespmem:$0xDC00] =	vst v63  }
0xef: {  	_ =	swait.ge [sflag:s6], $0x4000  }
0xf0: {  	[sflag:s6] =	ssyncset.done $0x0  }
0xf1: {  	s24 =	rddreg [dreg:$0xe];
	[sflag:s6] =	ssyncadd.s32 $0xFFFFC000  }
0xf2: {  	[hbm4b:s24+s2] =	stream.linear.scatter [tilespmem:s7], [sflag:$0x4], $0x4000, $0x38;
	[tilespmem:$0xDC00] =	vst v63  }
0xf3: {  	_ =	swait.ge [sflag:s0], $0x4000  }
0xf4: {  	[sflag:s0] =	ssyncset.done $0x0  }
0xf5: {  	s25 =	simm.s32 $0x880;
	[sflag:s0] =	ssyncadd.s32 $0xFFFFC000  }
0xf6: {  	[tilespmem:s7], [sflag:$0x3] =	stream.indirect.gather [hbm4b:s3+s1], $0x80, s25, s1, $0xb8;
	[tilespmem:$0xDC00] =	vst v63  }
0xf7: {  	_ =	swait.ge [sflag:s11], $0x4000  }
0xf8: {  	[sflag:s11] =	ssyncset.done $0x0  }
0xf9: {  	s24 =	rddreg [dreg:$0xf];
	[sflag:s11] =	ssyncadd.s32 $0xFFFFC000  }
0xfa: {  	[hbm4b:s24+s2] =	stream.linear.scatter [tilespmem:s9], [sflag:$0x4], $0x4000, $0x38;
	[tilespmem:$0xDC00] =	vst v63  }
0xfb: {  	_ =	swait.ge [sflag:s0], $0x4000  }
0xfc: {  	[sflag:s0] =	ssyncset.done $0x0  }
0xfd: {  	s25 =	simm.s32 $0x900;
	[sflag:s0] =	ssyncadd.s32 $0xFFFFC000  }
0xfe: {  	[tilespmem:s9], [sflag:$0x1] =	stream.indirect.gather [hbm4b:s3+s1], $0x80, s25, s1, $0xb8;
	[tilespmem:$0xDC00] =	vst v63  }
0xff: {  	_ =	swait.ge [sflag:s10], $0x4000  }
0x100: {  	[sflag:s10] =	ssyncset.done $0x0  }
0x101: {  	s24 =	rddreg [dreg:$0x10];
	[sflag:s10] =	ssyncadd.s32 $0xFFFFC000  }
0x102: {  	[hbm4b:s24+s2] =	stream.linear.scatter [tilespmem:s8], [sflag:$0x4], $0x4000, $0x38;
	[tilespmem:$0xDC00] =	vst v63  }
0x103: {  	_ =	swait.ge [sflag:s0], $0x4000  }
0x104: {  	[sflag:s0] =	ssyncset.done $0x0  }
0x105: {  	s25 =	simm.s32 $0x980;
	[sflag:s0] =	ssyncadd.s32 $0xFFFFC000  }
0x106: {  	[tilespmem:s8], [sflag:$0x2] =	stream.indirect.gather [hbm4b:s3+s1], $0x80, s25, s1, $0xb8;
	[tilespmem:$0xDC00] =	vst v63  }
0x107: {  	_ =	swait.ge [sflag:s6], $0x4000  }
0x108: {  	[sflag:s6] =	ssyncset.done $0x0  }
0x109: {  	s24 =	rddreg [dreg:$0x11];
	[sflag:s6] =	ssyncadd.s32 $0xFFFFC000  }
0x10a: {  	[hbm4b:s24+s2] =	stream.linear.scatter [tilespmem:s7], [sflag:$0x4], $0x4000, $0x38;
	[tilespmem:$0xDC00] =	vst v63  }
0x10b: {  	_ =	swait.ge [sflag:s0], $0x4000  }
0x10c: {  	[sflag:s0] =	ssyncset.done $0x0  }
0x10d: {  	s25 =	simm.s32 $0xA00;
	[sflag:s0] =	ssyncadd.s32 $0xFFFFC000  }
0x10e: {  	[tilespmem:s7], [sflag:$0x3] =	stream.indirect.gather [hbm4b:s3+s1], $0x80, s25, s1, $0xb8;
	[tilespmem:$0xDC00] =	vst v63  }
0x10f: {  	_ =	swait.ge [sflag:s11], $0x4000  }
0x110: {  	[sflag:s11] =	ssyncset.done $0x0  }
0x111: {  	s24 =	rddreg [dreg:$0x12];
	[sflag:s11] =	ssyncadd.s32 $0xFFFFC000  }
0x112: {  	[hbm4b:s24+s2] =	stream.linear.scatter [tilespmem:s9], [sflag:$0x4], $0x4000, $0x38;
	[tilespmem:$0xDC00] =	vst v63  }
0x113: {  	_ =	swait.ge [sflag:s0], $0x4000  }
0x114: {  	[sflag:s0] =	ssyncset.done $0x0  }
0x115: {  	s25 =	simm.s32 $0xA80;
	[sflag:s0] =	ssyncadd.s32 $0xFFFFC000  }
0x116: {  	[tilespmem:s9], [sflag:$0x1] =	stream.indirect.gather [hbm4b:s3+s1], $0x80, s25, s1, $0xb8;
	[tilespmem:$0xDC00] =	vst v63  }
0x117: {  	_ =	swait.ge [sflag:s10], $0x4000  }
0x118: {  	[sflag:s10] =	ssyncset.done $0x0  }
0x119: {  	s24 =	rddreg [dreg:$0x13];
	[sflag:s10] =	ssyncadd.s32 $0xFFFFC000  }
0x11a: {  	[hbm4b:s24+s2] =	stream.linear.scatter [tilespmem:s8], [sflag:$0x4], $0x4000, $0x38;
	[tilespmem:$0xDC00] =	vst v63  }
0x11b: {  	_ =	swait.ge [sflag:s0], $0x4000  }
0x11c: {  	[sflag:s0] =	ssyncset.done $0x0  }
0x11d: {  	s25 =	simm.s32 $0xB00;
	[sflag:s0] =	ssyncadd.s32 $0xFFFFC000  }
0x11e: {  	[tilespmem:s8], [sflag:$0x2] =	stream.indirect.gather [hbm4b:s3+s1], $0x80, s25, s1, $0xb8;
	[tilespmem:$0xDC00] =	vst v63  }
0x11f: {  	_ =	swait.ge [sflag:s6], $0x4000  }
0x120: {  	[sflag:s6] =	ssyncset.done $0x0  }
0x121: {  	s24 =	rddreg [dreg:$0x14];
	[sflag:s6] =	ssyncadd.s32 $0xFFFFC000  }
0x122: {  	[hbm4b:s24+s2] =	stream.linear.scatter [tilespmem:s7], [sflag:$0x4], $0x4000, $0x38;
	[tilespmem:$0xDC00] =	vst v63  }
0x123: {  	_ =	swait.ge [sflag:s0], $0x4000  }
0x124: {  	[sflag:s0] =	ssyncset.done $0x0  }
0x125: {  	s25 =	simm.s32 $0xB80;
	[sflag:s0] =	ssyncadd.s32 $0xFFFFC000  }
0x126: {  	[tilespmem:s7], [sflag:$0x3] =	stream.indirect.gather [hbm4b:s3+s1], $0x80, s25, s1, $0xb8;
	[tilespmem:$0xDC00] =	vst v63  }
0x127: {  	_ =	swait.ge [sflag:s11], $0x4000  }
0x128: {  	[sflag:s11] =	ssyncset.done $0x0  }
0x129: {  	s24 =	rddreg [dreg:$0x15];
	[sflag:s11] =	ssyncadd.s32 $0xFFFFC000  }
0x12a: {  	[hbm4b:s24+s2] =	stream.linear.scatter [tilespmem:s9], [sflag:$0x4], $0x4000, $0x38;
	[tilespmem:$0xDC00] =	vst v63  }
0x12b: {  	_ =	swait.ge [sflag:s0], $0x4000  }
0x12c: {  	[sflag:s0] =	ssyncset.done $0x0  }
0x12d: {  	s25 =	simm.s32 $0xC00;
	[sflag:s0] =	ssyncadd.s32 $0xFFFFC000  }
0x12e: {  	[tilespmem:s9], [sflag:$0x1] =	stream.indirect.gather [hbm4b:s3+s1], $0x80, s25, s1, $0xb8;
	[tilespmem:$0xDC00] =	vst v63  }
0x12f: {  	_ =	swait.ge [sflag:s10], $0x4000  }
0x130: {  	[sflag:s10] =	ssyncset.done $0x0  }
0x131: {  	s24 =	rddreg [dreg:$0x16];
	[sflag:s10] =	ssyncadd.s32 $0xFFFFC000  }
0x132: {  	[hbm4b:s24+s2] =	stream.linear.scatter [tilespmem:s8], [sflag:$0x4], $0x4000, $0x38;
	[tilespmem:$0xDC00] =	vst v63  }
0x133: {  	_ =	swait.ge [sflag:s0], $0x4000  }
0x134: {  	[sflag:s0] =	ssyncset.done $0x0  }
0x135: {  	s25 =	simm.s32 $0xC80;
	[sflag:s0] =	ssyncadd.s32 $0xFFFFC000  }
0x136: {  	[tilespmem:s8], [sflag:$0x2] =	stream.indirect.gather [hbm4b:s3+s1], $0x80, s25, s1, $0xb8;
	[tilespmem:$0xDC00] =	vst v63  }
0x137: {  	_ =	swait.ge [sflag:s6], $0x4000  }
0x138: {  	[sflag:s6] =	ssyncset.done $0x0  }
0x139: {  	s24 =	rddreg [dreg:$0x17];
	[sflag:s6] =	ssyncadd.s32 $0xFFFFC000  }
0x13a: {  	[hbm4b:s24+s2] =	stream.linear.scatter [tilespmem:s7], [sflag:$0x4], $0x4000, $0x38;
	[tilespmem:$0xDC00] =	vst v63  }
0x13b: {  	_ =	swait.ge [sflag:s0], $0x4000  }
0x13c: {  	[sflag:s0] =	ssyncset.done $0x0  }
0x13d: {  	s25 =	simm.s32 $0xD00;
	[sflag:s0] =	ssyncadd.s32 $0xFFFFC000  }
0x13e: {  	[tilespmem:s7], [sflag:$0x3] =	stream.indirect.gather [hbm4b:s3+s1], $0x80, s25, s1, $0xb8;
	[tilespmem:$0xDC00] =	vst v63  }
0x13f: {  	_ =	swait.ge [sflag:s11], $0x4000  }
0x140: {  	[sflag:s11] =	ssyncset.done $0x0  }
0x141: {  	s24 =	rddreg [dreg:$0x18];
	[sflag:s11] =	ssyncadd.s32 $0xFFFFC000  }
0x142: {  	[hbm4b:s24+s2] =	stream.linear.scatter [tilespmem:s9], [sflag:$0x4], $0x4000, $0x38;
	[tilespmem:$0xDC00] =	vst v63  }
0x143: {  	_ =	swait.ge [sflag:s0], $0x4000  }
0x144: {  	[sflag:s0] =	ssyncset.done $0x0  }
0x145: {  	s25 =	simm.s32 $0xD80;
	[sflag:s0] =	ssyncadd.s32 $0xFFFFC000  }
0x146: {  	[tilespmem:s9], [sflag:$0x1] =	stream.indirect.gather [hbm4b:s3+s1], $0x80, s25, s1, $0xb8;
	[tilespmem:$0xDC00] =	vst v63  }
0x147: {  	_ =	swait.ge [sflag:s10], $0x4000  }
0x148: {  	[sflag:s10] =	ssyncset.done $0x0  }
0x149: {  	s24 =	rddreg [dreg:$0x19];
	[sflag:s10] =	ssyncadd.s32 $0xFFFFC000  }
0x14a: {  	[hbm4b:s24+s2] =	stream.linear.scatter [tilespmem:s8], [sflag:$0x4], $0x4000, $0x38;
	[tilespmem:$0xDC00] =	vst v63  }
0x14b: {  	_ =	swait.ge [sflag:s0], $0x4000  }
0x14c: {  	[sflag:s0] =	ssyncset.done $0x0  }
0x14d: {  	s25 =	simm.s32 $0xE00;
	[sflag:s0] =	ssyncadd.s32 $0xFFFFC000  }
0x14e: {  	[tilespmem:s8], [sflag:$0x2] =	stream.indirect.gather [hbm4b:s3+s1], $0x80, s25, s1, $0xb8;
	[tilespmem:$0xDC00] =	vst v63  }
0x14f: {  	_ =	swait.ge [sflag:s6], $0x4000  }
0x150: {  	[sflag:s6] =	ssyncset.done $0x0  }
0x151: {  	s24 =	rddreg [dreg:$0x1a];
	[sflag:s6] =	ssyncadd.s32 $0xFFFFC000  }
0x152: {  	[hbm4b:s24+s2] =	stream.linear.scatter [tilespmem:s7], [sflag:$0x4], $0x4000, $0x38;
	[tilespmem:$0xDC00] =	vst v63  }
0x153: {  	_ =	swait.ge [sflag:s0], $0x4000  }
0x154: {  	[sflag:s0] =	ssyncset.done $0x0  }
0x155: {  	s25 =	simm.s32 $0xE80;
	[sflag:s0] =	ssyncadd.s32 $0xFFFFC000  }
0x156: {  	[tilespmem:s7], [sflag:$0x3] =	stream.indirect.gather [hbm4b:s3+s1], $0x80, s25, s1, $0xb8;
	[tilespmem:$0xDC00] =	vst v63  }
0x157: {  	_ =	swait.ge [sflag:s11], $0x4000  }
0x158: {  	[sflag:s11] =	ssyncset.done $0x0  }
0x159: {  	s24 =	rddreg [dreg:$0x1b];
	[sflag:s11] =	ssyncadd.s32 $0xFFFFC000  }
0x15a: {  	[hbm4b:s24+s2] =	stream.linear.scatter [tilespmem:s9], [sflag:$0x4], $0x4000, $0x38;
	[tilespmem:$0xDC00] =	vst v63  }
0x15b: {  	_ =	swait.ge [sflag:s0], $0x4000  }
0x15c: {  	[sflag:s0] =	ssyncset.done $0x0  }
0x15d: {  	s25 =	simm.s32 $0xF00;
	[sflag:s0] =	ssyncadd.s32 $0xFFFFC000  }
0x15e: {  	[tilespmem:s9], [sflag:$0x1] =	stream.indirect.gather [hbm4b:s3+s1], $0x80, s25, s1, $0xb8;
	[tilespmem:$0xDC00] =	vst v63  }
0x15f: {  	_ =	swait.ge [sflag:s10], $0x4000  }
0x160: {  	[sflag:s10] =	ssyncset.done $0x0  }
0x161: {  	s24 =	rddreg [dreg:$0x1c];
	[sflag:s10] =	ssyncadd.s32 $0xFFFFC000  }
0x162: {  	[hbm4b:s24+s2] =	stream.linear.scatter [tilespmem:s8], [sflag:$0x4], $0x4000, $0x38;
	[tilespmem:$0xDC00] =	vst v63  }
0x163: {  	_ =	swait.ge [sflag:s0], $0x4000  }
0x164: {  	[sflag:s0] =	ssyncset.done $0x0  }
0x165: {  	s25 =	simm.s32 $0xF80;
	[sflag:s0] =	ssyncadd.s32 $0xFFFFC000  }
0x166: {  	[tilespmem:s8], [sflag:$0x2] =	stream.indirect.gather [hbm4b:s3+s1], $0x80, s25, s1, $0xb8;
	[tilespmem:$0xDC00] =	vst v63  }
0x167: {  	_ =	swait.ge [sflag:s6], $0x4000  }
0x168: {  	[sflag:s6] =	ssyncset.done $0x0  }
0x169: {  	s24 =	rddreg [dreg:$0x1d];
	[sflag:s6] =	ssyncadd.s32 $0xFFFFC000  }
0x16a: {  	[hbm4b:s24+s2] =	stream.linear.scatter [tilespmem:s7], [sflag:$0x4], $0x4000, $0x38;
	[tilespmem:$0xDC00] =	vst v63  }
0x16b: {  	_ =	swait.ge [sflag:s0], $0x4000  }
0x16c: {  	[sflag:s0] =	ssyncset.done $0x0  }
0x16d: {  	s25 =	simm.s32 $0x1000;
	[sflag:s0] =	ssyncadd.s32 $0xFFFFC000  }
0x16e: {  	[tilespmem:s7], [sflag:$0x3] =	stream.indirect.gather [hbm4b:s3+s1], $0x80, s25, s1, $0xb8;
	[tilespmem:$0xDC00] =	vst v63  }
0x16f: {  	_ =	swait.ge [sflag:s11], $0x4000  }
0x170: {  	[sflag:s11] =	ssyncset.done $0x0  }
0x171: {  	s24 =	rddreg [dreg:$0x1e];
	[sflag:s11] =	ssyncadd.s32 $0xFFFFC000  }
0x172: {  	[hbm4b:s24+s2] =	stream.linear.scatter [tilespmem:s9], [sflag:$0x4], $0x4000, $0x38;
	[tilespmem:$0xDC00] =	vst v63  }
0x173: {  	_ =	swait.ge [sflag:s0], $0x4000  }
0x174: {  	[sflag:s0] =	ssyncset.done $0x0  }
0x175: {  	s25 =	simm.s32 $0x1080;
	[sflag:s0] =	ssyncadd.s32 $0xFFFFC000  }
0x176: {  	[tilespmem:s9], [sflag:$0x1] =	stream.indirect.gather [hbm4b:s3+s1], $0x80, s25, s1, $0xb8;
	[tilespmem:$0xDC00] =	vst v63  }
0x177: {  	_ =	swait.ge [sflag:s10], $0x4000  }
0x178: {  	[sflag:s10] =	ssyncset.done $0x0  }
0x179: {  	s24 =	rddreg [dreg:$0x1f];
	[sflag:s10] =	ssyncadd.s32 $0xFFFFC000  }
0x17a: {  	[hbm4b:s24+s2] =	stream.linear.scatter [tilespmem:s8], [sflag:$0x4], $0x4000, $0x38;
	[tilespmem:$0xDC00] =	vst v63  }
0x17b: {  	_ =	swait.ge [sflag:s0], $0x4000  }
0x17c: {  	[sflag:s0] =	ssyncset.done $0x0  }
0x17d: {  	s25 =	simm.s32 $0x1100;
	[sflag:s0] =	ssyncadd.s32 $0xFFFFC000  }
0x17e: {  	[tilespmem:s8], [sflag:$0x2] =	stream.indirect.gather [hbm4b:s3+s1], $0x80, s25, s1, $0xb8;
	[tilespmem:$0xDC00] =	vst v63  }
0x17f: {  	_ =	swait.ge [sflag:s6], $0x4000  }
0x180: {  	s24 =	sld [smem:$0x7F9]  }
0x181: {  	[sflag:s6] =	ssyncset.done $0x0  }
0x182: {  	[sflag:s6] =	ssyncadd.s32 $0xFFFFC000  }
0x183: {  	[hbm4b:s24+s2] =	stream.linear.scatter [tilespmem:s7], [sflag:$0x4], $0x4000, $0x38;
	[tilespmem:$0xDC00] =	vst v63  }
0x184: {  	_ =	swait.ge [sflag:s0], $0x4000  }
0x185: {  	[sflag:s0] =	ssyncset.done $0x0  }
0x186: {  	s25 =	simm.s32 $0x1180;
	[sflag:s0] =	ssyncadd.s32 $0xFFFFC000  }
0x187: {  	[tilespmem:s7], [sflag:$0x3] =	stream.indirect.gather [hbm4b:s3+s1], $0x80, s25, s1, $0xb8;
	[tilespmem:$0xDC00] =	vst v63  }
0x188: {  	_ =	swait.ge [sflag:s11], $0x4000  }
0x189: {  	s24 =	sld [smem:$0x7FA]  }
0x18a: {  	[sflag:s11] =	ssyncset.done $0x0  }
0x18b: {  	[sflag:s11] =	ssyncadd.s32 $0xFFFFC000  }
0x18c: {  	[hbm4b:s24+s2] =	stream.linear.scatter [tilespmem:s9], [sflag:$0x4], $0x4000, $0x38;
	[tilespmem:$0xDC00] =	vst v63  }
0x18d: {  	_ =	swait.ge [sflag:s0], $0x4000  }
0x18e: {  	[sflag:s0] =	ssyncset.done $0x0  }
0x18f: {  	s25 =	simm.s32 $0x1200;
	[sflag:s0] =	ssyncadd.s32 $0xFFFFC000  }
0x190: {  	[tilespmem:s9], [sflag:$0x1] =	stream.indirect.gather [hbm4b:s3+s1], $0x80, s25, s1, $0xb8;
	[tilespmem:$0xDC00] =	vst v63  }
0x191: {  	_ =	swait.ge [sflag:s10], $0x4000  }
0x192: {  	s24 =	sld [smem:$0x7FB]  }
0x193: {  	[sflag:s10] =	ssyncset.done $0x0  }
0x194: {  	[sflag:s10] =	ssyncadd.s32 $0xFFFFC000  }
0x195: {  	[hbm4b:s24+s2] =	stream.linear.scatter [tilespmem:s8], [sflag:$0x4], $0x4000, $0x38;
	[tilespmem:$0xDC00] =	vst v63  }
0x196: {  	_ =	swait.ge [sflag:s0], $0x4000  }
0x197: {  	[sflag:s0] =	ssyncset.done $0x0  }
0x198: {  	s25 =	simm.s32 $0x1280;
	[sflag:s0] =	ssyncadd.s32 $0xFFFFC000  }
0x199: {  	[tilespmem:s8], [sflag:$0x2] =	stream.indirect.gather [hbm4b:s3+s1], $0x80, s25, s1, $0xb8;
	[tilespmem:$0xDC00] =	vst v63  }
0x19a: {  	_ =	swait.ge [sflag:s6], $0x4000  }
0x19b: {  	s24 =	sld [smem:$0x7FC]  }
0x19c: {  	[sflag:s6] =	ssyncset.done $0x0  }
0x19d: {  	[sflag:s6] =	ssyncadd.s32 $0xFFFFC000  }
0x19e: {  	[hbm4b:s24+s2] =	stream.linear.scatter [tilespmem:s7], [sflag:$0x4], $0x4000, $0x38;
	[tilespmem:$0xDC00] =	vst v63  }
0x19f: {  	_ =	swait.ge [sflag:s0], $0x4000  }
0x1a0: {  	[sflag:s0] =	ssyncset.done $0x0  }
0x1a1: {  	s25 =	simm.s32 $0x1300;
	[sflag:s0] =	ssyncadd.s32 $0xFFFFC000  }
0x1a2: {  	[tilespmem:s7], [sflag:$0x3] =	stream.indirect.gather [hbm4b:s3+s1], $0x80, s25, s1, $0xb8;
	[tilespmem:$0xDC00] =	vst v63  }
0x1a3: {  	_ =	swait.ge [sflag:s11], $0x4000  }
0x1a4: {  	s24 =	sld [smem:$0x7FD]  }
0x1a5: {  	[sflag:s11] =	ssyncset.done $0x0  }
0x1a6: {  	[sflag:s11] =	ssyncadd.s32 $0xFFFFC000  }
0x1a7: {  	[hbm4b:s24+s2] =	stream.linear.scatter [tilespmem:s9], [sflag:$0x4], $0x4000, $0x38;
	[tilespmem:$0xDC00] =	vst v63  }
0x1a8: {  	_ =	swait.ge [sflag:s0], $0x4000  }
0x1a9: {  	[sflag:s0] =	ssyncset.done $0x0  }
0x1aa: {  	s25 =	simm.s32 $0x1380;
	[sflag:s0] =	ssyncadd.s32 $0xFFFFC000  }
0x1ab: {  	[tilespmem:s9], [sflag:$0x1] =	stream.indirect.gather [hbm4b:s3+s1], $0x80, s25, s1, $0xb8;
	[tilespmem:$0xDC00] =	vst v63  }
0x1ac: {  	_ =	swait.ge [sflag:s10], $0x4000  }
0x1ad: {  	[sflag:s10] =	ssyncset.done $0x0  }
0x1ae: {  	[sflag:s10] =	ssyncadd.s32 $0xFFFFC000  }
0x1af: {  	[hbm4b:s16+s2] =	stream.linear.scatter [tilespmem:s8], [sflag:$0x4], $0x4000, $0x38;
	[tilespmem:$0xDC00] =	vst v63  }
0x1b0: {  	_ =	swait.ge [sflag:s0], $0x4000  }
0x1b1: {  	[sflag:s0] =	ssyncset.done $0x0  }
0x1b2: {  	s24 =	simm.s32 $0x1400;
	[sflag:s0] =	ssyncadd.s32 $0xFFFFC000  }
0x1b3: {  	[tilespmem:s8], [sflag:$0x2] =	stream.indirect.gather [hbm4b:s3+s1], $0x80, s24, s1, $0xb8;
	[tilespmem:$0xDC00] =	vst v63  }
0x1b4: {  	_ =	swait.ge [sflag:s6], $0x4000  }
0x1b5: {  	[sflag:s6] =	ssyncset.done $0x0  }
0x1b6: {  	[sflag:s6] =	ssyncadd.s32 $0xFFFFC000  }
0x1b7: {  	[hbm4b:s17+s2] =	stream.linear.scatter [tilespmem:s7], [sflag:$0x4], $0x4000, $0x38;
	[tilespmem:$0xDC00] =	vst v63  }
.Ltmp3:
0x1b8: {  	_ =	swait.ge [sflag:s0], $0x4000;
	(pc) =	sbr.rel .LBB2_4-.Ltmp3, $4  }
0x1b9: {  	[sflag:s0] =	ssyncset.done $0x0  }
0x1ba: {  	s25 =	simm.s32 $0x1480;
	[sflag:s0] =	ssyncadd.s32 $0xFFFFC000  }
0x1bb: {  	[tilespmem:s7], [sflag:$0x3] =	stream.indirect.gather [hbm4b:s3+s1], $0x80, s25, s1, $0xb8;
	[tilespmem:$0xDC00] =	vst v63  }
0x1bc: {  	s23 =	smov.u32 s14;
	s24 =	smov.u32 s13;
	s25 =	smov.u32 s12  }
.LBB2_5:
0x1bd: {  	_ =	sfence.sel $0x180000  }
0x1be: {  	[bflag:$0x0] =	sbarrier.arrive $0xFFFF  }
0x1bf: {  	_ =	strace $0x90000047  }
0x1c0: {  	s0 =	stileid.u32;
	[bflag:$0x2] =	sbarrier.arrive $0xFFFF  }
0x1c1: {  	p0 =	sne.s32 s0, $0x0;
	s0 =	rddreg [dreg:$0x1]  }
0x1c2: {  	s0 =	sadd.s32 @!p0 $0x100000, s0  }
0x1c3: {  	[sflag:s0] =	ssyncadd.tile.s32 @!p0 $0x1;
	_ =	shalt  }
.Lfunc_end2:
_tile_overlayer_lowered:
.L_overlay_start_2:
0x1c4: {  	(tag) =	ssettag $0x2  }
0x1c5: {  	s0 =	rddreg [dreg:$0x0];
	s2 =	stileid.u32  }
0x1c6: {  	s1 =	rddreg [dreg:$0x1];
	p0 =	sne.s32 s2, $0x0  }
0x1c7: {  	s3 =	rddreg [dreg:$0x2];
	[bflag:$0x3] =	sbarrier.arrive $0xFFFF;
	s2 =	simm.s32 @!p0 $0x1C04  }
0x1c8: {  	[timem:s3], [sflag:s2] =	dma.local @!p0 [hbm:s0], s1  }
0x1c9: {  	s0 =	simm.s32 @!p0 $0x4  }
0x1ca: {  	_ =	swait.ge @!p0 [sflag:s0], s1  }
0x1cb: {  	s1 =	ssub.s32 @!p0 $0x0, s1;
	[sflag:s0] =	ssyncset.done @!p0 $0x0  }
0x1cc: {  	[sflag:s0] =	ssyncadd.s32 @!p0 s1  }
0x1cd: {  	[bflag:$0x3] =	sbarrier.arrive $0xFFFF  }
0x1ce: {  	_ =	shalt  }

</sc_bundles>
